<compile_context>
chip_gen: v7x
topology: tpu7x:2x2x1
jax: 0.10.2.dev20260603
libtpu: 0.0.44.dev20260713+nightly
codegen_flags: <defaults>
</compile_context>

<pallas_src>
import functools

import jax
import jax.numpy as jnp
from jax import lax
from jax.experimental import pallas as pl
from jax.experimental.pallas import tpu as pltpu
from jax.experimental.pallas import tpu_sc as plsc

_N = 10000
_E = 320000
_F = 128
_H = 32
_C = 10
_CP = 16

_NP = 10240
_NC = 2
_NS = 16
_NW = _NC * _NS
_EW = _E // _NW
_K = 128
_CF = _EW // _K
_KT = _EW - _CF * _K
_RPT = _NP // _NS
_DEGW = 8
_NB = 6


def _sc_mesh():
    return plsc.VectorSubcoreMesh(
        core_axis_name="c", subcore_axis_name="s",
        num_cores=_NC, num_subcores=_NS)


def _sc_histogram(ei, ones, zeros):

    @functools.partial(
        pl.kernel,
        out_type=jax.ShapeDtypeStruct((_NC * _NP,), jnp.float32),
        mesh=_sc_mesh(),
        compiler_params=pltpu.CompilerParams(use_tc_tiling_on_sc=False,
                                             needs_layout_passes=False),
        scratch_types=[
            pltpu.VMEM((_EW,), jnp.int32),
            pltpu.VMEM((_K, _DEGW), jnp.float32),
            pltpu.VMEM((_RPT, _DEGW), jnp.float32),
            pltpu.VMEM((_RPT,), jnp.float32),
            pltpu.VMEM_SHARED((_NP, _DEGW), jnp.float32),
        ] + [pltpu.SemaphoreType.DMA] * _NB,
    )
    def histk(ei_hbm, ones_hbm, zeros_hbm, out_hbm, idx_v, ones_v, bounce_v,
              col_v, deg_sh, *sems):
        cid = lax.axis_index("c")
        sid = lax.axis_index("s")
        wid = cid * _NS + sid
        r0 = sid * _RPT
        pltpu.sync_copy(zeros_hbm.at[pl.ds(r0, _RPT)], deg_sh.at[pl.ds(r0, _RPT)])
        pltpu.sync_copy(ei_hbm.at[1, pl.ds(wid * _EW, _EW)], idx_v)
        pltpu.sync_copy(ones_hbm, ones_v)
        plsc.subcore_barrier()

        def idx(jj, n=_K):
            return idx_v.at[pl.ds(jj * _K, n)]

        def start_s(jj, b):
            pltpu.async_copy(ones_v, deg_sh.at[idx(jj)], sems[b], add=True)

        def wait_s(jj, b):
            pltpu.make_async_copy(ones_v, deg_sh.at[idx(jj)], sems[b]).wait()

        for b in range(_NB):
            start_s(b, b)

        @pl.loop(1, _CF // _NB)
        def _grp(g):
            for b in range(_NB):
                wait_s((g - 1) * _NB + b, b)
                start_s(g * _NB + b, b)

        for b in range(_NB):
            wait_s(_CF - _NB + b, b)
        pltpu.sync_copy(ones_v.at[pl.ds(0, _KT)],
                        deg_sh.at[idx(_CF, _KT)], add=True)
        plsc.subcore_barrier()
        pltpu.sync_copy(deg_sh.at[pl.ds(r0, _RPT)], bounce_v)
        lanes = lax.iota(jnp.int32, 16)
        zero16 = jnp.zeros((16,), jnp.int32)

        @pl.loop(0, _RPT // 16)
        def _ext(m):
            col_v[pl.ds(m * 16, 16)] = plsc.load_gather(
                bounce_v, [m * 16 + lanes, zero16])

        pltpu.sync_copy(col_v, out_hbm.at[pl.ds(cid * _NP + r0, _RPT)])

    return histk(ei, ones, zeros)


def _sc_prop(g, ei, zeros, d):

    @functools.partial(
        pl.kernel,
        out_type=jax.ShapeDtypeStruct((_NC * _NP, d), jnp.float32),
        mesh=_sc_mesh(),
        compiler_params=pltpu.CompilerParams(use_tc_tiling_on_sc=False),
        scratch_types=[
            pltpu.VMEM((_EW,), jnp.int32),
            pltpu.VMEM((_EW,), jnp.int32),
            pltpu.VMEM((_NB, _K, d), jnp.float32),
            pltpu.VMEM_SHARED((_NP, d), jnp.float32),
        ] + [pltpu.SemaphoreType.DMA] * (2 * _NB + 1),
    )
    def propk(g_hbm, ei_hbm, zeros_hbm, out_hbm,
              src_v, dst_v, rows_v, agg_sh, *sems):
        sem_g = sems[:_NB]
        sem_s = sems[_NB:2 * _NB]
        sem_t = sems[2 * _NB]
        cid = lax.axis_index("c")
        sid = lax.axis_index("s")
        wid = cid * _NS + sid
        r0 = sid * _RPT
        pltpu.sync_copy(zeros_hbm.at[pl.ds(r0, _RPT)], agg_sh.at[pl.ds(r0, _RPT)])
        pltpu.sync_copy(ei_hbm.at[0, pl.ds(wid * _EW, _EW)], src_v)
        pltpu.sync_copy(ei_hbm.at[1, pl.ds(wid * _EW, _EW)], dst_v)
        plsc.subcore_barrier()

        def sidx(jj, n=_K):
            return src_v.at[pl.ds(jj * _K, n)]

        def didx(jj, n=_K):
            return dst_v.at[pl.ds(jj * _K, n)]

        def start_g(jj, b):
            pltpu.async_copy(g_hbm.at[sidx(jj)], rows_v.at[b], sem_g[b])

        def wait_g(jj, b):
            pltpu.make_async_copy(g_hbm.at[sidx(jj)], rows_v.at[b],
                                  sem_g[b]).wait()

        def start_s(jj, b):
            pltpu.async_copy(rows_v.at[b], agg_sh.at[didx(jj)], sem_s[b],
                             add=True)

        def wait_s(jj, b):
            pltpu.make_async_copy(rows_v.at[b], agg_sh.at[didx(jj)],
                                  sem_s[b]).wait()

        start_g(0, 0)
        for jj in range(_NB - 1):
            b, b1 = jj % _NB, (jj + 1) % _NB
            wait_g(jj, b)
            start_s(jj, b)
            start_g(jj + 1, b1)

        @pl.loop(0, (_CF - _NB) // _NB)
        def _grp(grp):
            for k in range(_NB):
                jj = (_NB - 1) + grp * _NB + k
                b = (_NB - 1 + k) % _NB
                b1 = (b + 1) % _NB
                wait_s(jj + 1 - _NB, b1)
                start_g(jj + 1, b1)
                wait_g(jj, b)
                start_s(jj, b)

        bl = (_CF - 1) % _NB
        wait_g(_CF - 1, bl)
        start_s(_CF - 1, bl)
        wait_s(_CF - _NB, (_CF - _NB) % _NB)
        pltpu.async_copy(g_hbm.at[sidx(_CF, _KT)],
                         rows_v.at[0, pl.ds(0, _KT)], sem_t)
        for b in range(1, _NB):
            wait_s(_CF - _NB + b, (_CF - _NB + b) % _NB)
        pltpu.make_async_copy(g_hbm.at[sidx(_CF, _KT)],
                              rows_v.at[0, pl.ds(0, _KT)], sem_t).wait()
        pltpu.sync_copy(rows_v.at[0, pl.ds(0, _KT)],
                        agg_sh.at[didx(_CF, _KT)], add=True)
        plsc.subcore_barrier()
        pltpu.sync_copy(agg_sh.at[pl.ds(r0, _RPT)],
                        out_hbm.at[pl.ds(cid * _NP + r0, _RPT)])

    return propk(g, ei, zeros)


def _tc_phase1(x, w1, v1, degp):
    def body(x_ref, w_ref, v_ref, degp_ref, g_ref, xv_ref, dis_ref):
        deg = degp_ref[0:_N] + degp_ref[_NP:_NP + _N]
        dis = jnp.where(deg > 0, 1.0 / jnp.sqrt(jnp.maximum(deg, 1e-12)), 0.0)
        xv = x_ref[...]
        g_ref[...] = dis * jnp.dot(xv, w_ref[...], preferred_element_type=jnp.float32)
        xv_ref[...] = jnp.dot(xv, v_ref[...], preferred_element_type=jnp.float32)
        dis_ref[...] = dis

    return pl.pallas_call(
        body,
        out_shape=(
            jax.ShapeDtypeStruct((_N, _H), jnp.float32),
            jax.ShapeDtypeStruct((_N, _H), jnp.float32),
            jax.ShapeDtypeStruct((_N, 1), jnp.float32),
        ),
    )(x, w1, v1, degp)


def _tc_phase2(s1p, xv1, dis, b1, w2p, v2p):
    def body(s_ref, xv_ref, dis_ref, b_ref, w_ref, v_ref, g_ref, xv2_ref):
        dis = dis_ref[...]
        s = s_ref[0:_N] + s_ref[_NP:_NP + _N]
        x1 = jnp.maximum(dis * s + xv_ref[...] + b_ref[...], 0.0)
        g_ref[...] = dis * jnp.dot(x1, w_ref[...], preferred_element_type=jnp.float32)
        xv2_ref[...] = jnp.dot(x1, v_ref[...], preferred_element_type=jnp.float32)

    return pl.pallas_call(
        body,
        out_shape=(
            jax.ShapeDtypeStruct((_N, _CP), jnp.float32),
            jax.ShapeDtypeStruct((_N, _CP), jnp.float32),
        ),
    )(s1p, xv1, dis, b1, w2p, v2p)


def _tc_phase3(s2p, xv2, dis, b2p):
    def body(s_ref, xv_ref, dis_ref, b_ref, out_ref):
        dis = dis_ref[...]
        z = jnp.maximum(dis * (s_ref[0:_N] + s_ref[_NP:_NP + _N])
                        + xv_ref[...] + b_ref[...], 0.0)
        col = lax.broadcasted_iota(jnp.int32, (_N, _CP), 1)
        valid = col < _C
        zm = jnp.where(valid, z, -jnp.inf)
        m = jnp.max(zm, axis=1, keepdims=True)
        e = jnp.where(valid, jnp.exp(z - m), 0.0)
        lse = jnp.log(jnp.sum(e, axis=1, keepdims=True))
        out_ref[...] = z - m - lse

    return pl.pallas_call(
        body,
        out_shape=jax.ShapeDtypeStruct((_N, _CP), jnp.float32),
    )(s2p, xv2, dis, b2p)


def kernel(x, edge_index, W1, V1, b1, W2, V2, b2):
    ones = jnp.ones((_K, _DEGW), jnp.float32)
    zeros_d = jnp.zeros((_NP, _DEGW), jnp.float32)
    zeros_h = jnp.zeros((_NP, _H), jnp.float32)
    zeros_c = jnp.zeros((_NP, _CP), jnp.float32)

    degp = _sc_histogram(edge_index, ones, zeros_d)
    g1, xv1, dis = _tc_phase1(x, W1, V1, degp.reshape(_NC * _NP, 1))
    s1p = _sc_prop(g1, edge_index, zeros_h, _H)
    w2p = jnp.pad(W2, ((0, 0), (0, _CP - _C)))
    v2p = jnp.pad(V2, ((0, 0), (0, _CP - _C)))
    g2, xv2 = _tc_phase2(s1p, xv1, dis, b1.reshape(1, _H), w2p, v2p)
    s2p = _sc_prop(g2, edge_index, zeros_c, _CP)
    out16 = _tc_phase3(s2p, xv2, dis, jnp.pad(b2, (0, _CP - _C)).reshape(1, _CP))
    return out16[:, :_C]

# --- scband reference (transcript-rebuilt; emitter-appended) ---
"""Pipeline reference for scband-arma-82420422410261 (READ-ONLY COPY).

The authoritative reference and input builder live on the scoring server;
editing this copy changes nothing except your own understanding.
"""

import jax, jax.numpy as jnp
import numpy as np

N = 10000
E = 320000
F_IN = 128
H = 32
C = 10


def setup_inputs(seed: int = 0) -> dict:
    key = jax.random.key(seed)
    ks = jax.random.split(key, 8)
    x = jax.random.normal(ks[0], (N, F_IN), dtype=jnp.float32)
    edge_index = jax.random.randint(ks[1], (2, E), 0, N, dtype=jnp.int32)
    W1 = jax.random.normal(ks[2], (F_IN, H), dtype=jnp.float32) * (1.0 / np.sqrt(F_IN))
    V1 = jax.random.normal(ks[3], (F_IN, H), dtype=jnp.float32) * (1.0 / np.sqrt(F_IN))
    b1 = jnp.zeros((H,), dtype=jnp.float32)
    W2 = jax.random.normal(ks[4], (H, C), dtype=jnp.float32) * (1.0 / np.sqrt(H))
    V2 = jax.random.normal(ks[5], (H, C), dtype=jnp.float32) * (1.0 / np.sqrt(H))
    b2 = jnp.zeros((C,), dtype=jnp.float32)
    return {"x": x, "edge_index": edge_index, "W1": W1, "V1": V1, "b1": b1, "W2": W2, "V2": V2, "b2": b2}


def reference(x, edge_index, W1, V1, b1, W2, V2, b2):
    src = edge_index[0]
    dst = edge_index[1]
    # gcn_norm without self-loops (ARMAConv default): deg from dst (col)
    deg = jnp.zeros((N,), x.dtype).at[dst].add(jnp.ones((E,), x.dtype))
    dis = jnp.where(deg > 0, 1.0 / jnp.sqrt(jnp.maximum(deg, 1e-12)), 0.0)
    norm = dis[src] * dis[dst]

    def arma_conv(h_in, W, V, b):
        # num_stacks=1, num_layers=1 ARMAConv
        h = h_in @ W
        msg = h[src] * norm[:, None]
        agg = jnp.zeros((N, W.shape[1]), h.dtype).at[dst].add(msg)
        out = agg + h_in @ V + b
        return jax.nn.relu(out)  # default internal act of ARMAConv

    x1 = jax.nn.relu(arma_conv(x, W1, V1, b1))
    # dropout is identity in eval mode
    x2 = arma_conv(x1, W2, V2, b2)
    return jax.nn.log_softmax(x2, axis=1)

if __name__ == "__main__":
    import jax
    _d = setup_inputs()
    print(jax.jit(kernel)(*tuple(_d.values())))

</pallas_src>

<mosaic_0001>
#map = affine_map<(d0, d1) -> (0, 0)>
module attributes {stable_mosaic.version = 14 : i64} {
  func.func @propk(%arg0: i32, %arg1: i32, %arg2: memref<10000x32xf32, #tpu.memory_space<hbm>>, %arg3: memref<2x320000xi32, #tpu.memory_space<hbm>>, %arg4: memref<10240x32xf32, #tpu.memory_space<hbm>>, %arg5: memref<20480x32xf32, #tpu.memory_space<hbm>>, %arg6: memref<10000xi32, #tpu.memory_space<vmem>>, %arg7: memref<10000xi32, #tpu.memory_space<vmem>>, %arg8: memref<6x128x32xf32, #tpu.memory_space<vmem>>, %arg9: memref<10240x32xf32, #tpu.memory_space<vmem_shared>>, %arg10: memref<!tpu.dma_semaphore, #tpu.memory_space<semaphore_mem>>, %arg11: memref<!tpu.dma_semaphore, #tpu.memory_space<semaphore_mem>>, %arg12: memref<!tpu.dma_semaphore, #tpu.memory_space<semaphore_mem>>, %arg13: memref<!tpu.dma_semaphore, #tpu.memory_space<semaphore_mem>>, %arg14: memref<!tpu.dma_semaphore, #tpu.memory_space<semaphore_mem>>, %arg15: memref<!tpu.dma_semaphore, #tpu.memory_space<semaphore_mem>>, %arg16: memref<!tpu.dma_semaphore, #tpu.memory_space<semaphore_mem>>, %arg17: memref<!tpu.dma_semaphore, #tpu.memory_space<semaphore_mem>>, %arg18: memref<!tpu.dma_semaphore, #tpu.memory_space<semaphore_mem>>, %arg19: memref<!tpu.dma_semaphore, #tpu.memory_space<semaphore_mem>>, %arg20: memref<!tpu.dma_semaphore, #tpu.memory_space<semaphore_mem>>, %arg21: memref<!tpu.dma_semaphore, #tpu.memory_space<semaphore_mem>>, %arg22: memref<!tpu.dma_semaphore, #tpu.memory_space<semaphore_mem>>) attributes {dimension_semantics = [#tpu.dimension_semantics<core_parallel>, #tpu.dimension_semantics<subcore_parallel>], iteration_bounds = array<i64: 2, 16>, scalar_prefetch = 0 : i64, scratch_operands = 17 : i64, tpu.core_type = #tpu.core_type<sc_vector_subcore>, window_params = [{transform_indices = #map}, {transform_indices = #map}, {transform_indices = #map}, {transform_indices = #map}]} {
    %mul3A = arith.constant 16 : i32
    %mul3A_0 = arith.muli %arg0, %mul3A : i32
    %add3A = arith.addi %mul3A_0, %arg1 : i32
    %mul3A_1 = arith.constant 640 : i32
    %mul3A_2 = arith.muli %arg1, %mul3A_1 : i32
    "tpu.region"() ({
      %run_scoped3A_275 = tpu.sem_alloc : memref<!tpu.dma_semaphore, #tpu.memory_space<semaphore_mem>>
      %dma_start3A_276 = arith.constant 0 : i32
      %dma_start3A_277 = tpu.memref_slice %arg9[%mul3A_2, %dma_start3A_276] : memref<10240x32xf32, #tpu.memory_space<vmem_shared>> -> memref<640x32xf32, #tpu.memory_space<vmem_shared>>
      %dma_start3A_278 = arith.constant 0 : i32
      %dma_start3A_279 = tpu.memref_slice %arg4[%mul3A_2, %dma_start3A_278] : memref<10240x32xf32, #tpu.memory_space<hbm>> -> memref<640x32xf32, #tpu.memory_space<hbm>>
      tpu.enqueue_dma source(%dma_start3A_279 : memref<640x32xf32, #tpu.memory_space<hbm>>) target(%dma_start3A_277 : memref<640x32xf32, #tpu.memory_space<vmem_shared>>) target_semaphore(%run_scoped3A_275 : memref<!tpu.dma_semaphore, #tpu.memory_space<semaphore_mem>>)
      %dma_wait3A_280 = arith.constant 0 : i32
      %dma_wait3A_281 = tpu.memref_slice %arg9[%mul3A_2, %dma_wait3A_280] : memref<10240x32xf32, #tpu.memory_space<vmem_shared>> -> memref<640x32xf32, #tpu.memory_space<vmem_shared>>
      %dma_wait3A_282 = arith.constant 0 : i32
      %dma_wait3A_283 = tpu.memref_slice %arg4[%mul3A_2, %dma_wait3A_282] : memref<10240x32xf32, #tpu.memory_space<hbm>> -> memref<640x32xf32, #tpu.memory_space<hbm>>
      tpu.wait_dma2 semaphore(%run_scoped3A_275 : memref<!tpu.dma_semaphore, #tpu.memory_space<semaphore_mem>>) src(%dma_wait3A_283 : memref<640x32xf32, #tpu.memory_space<hbm>>) dst(%dma_wait3A_281 : memref<640x32xf32, #tpu.memory_space<vmem_shared>>)
      tpu.yield
    }) : () -> ()
    %mul3A_3 = arith.constant 10000 : i32
    %mul3A_4 = arith.muli %add3A, %mul3A_3 : i32
    %run_scoped3A = arith.constant 0 : i32
    "tpu.region"() ({
      %run_scoped3A_275 = tpu.sem_alloc : memref<!tpu.dma_semaphore, #tpu.memory_space<semaphore_mem>>
      %dma_start3A_276 = tpu.memref_slice %arg3[%run_scoped3A, %mul3A_4] : memref<2x320000xi32, #tpu.memory_space<hbm>> -> memref<1x10000xi32, #tpu.memory_space<hbm>>
      %dma_start3A_277 = tpu.memref_squeeze %dma_start3A_276 : memref<1x10000xi32, #tpu.memory_space<hbm>> -> memref<10000xi32, #tpu.memory_space<hbm>>
      %dma_start3A_278 = tpu.memref_slice %arg3[%run_scoped3A, %mul3A_4] : memref<2x320000xi32, #tpu.memory_space<hbm>> -> memref<1x10000xi32, #tpu.memory_space<hbm>>
      %dma_start3A_279 = tpu.memref_squeeze %dma_start3A_278 : memref<1x10000xi32, #tpu.memory_space<hbm>> -> memref<10000xi32, #tpu.memory_space<hbm>>
      tpu.enqueue_dma source(%dma_start3A_279 : memref<10000xi32, #tpu.memory_space<hbm>>) target(%arg6 : memref<10000xi32, #tpu.memory_space<vmem>>) target_semaphore(%run_scoped3A_275 : memref<!tpu.dma_semaphore, #tpu.memory_space<semaphore_mem>>)
      %dma_wait3A_280 = tpu.memref_slice %arg3[%run_scoped3A, %mul3A_4] : memref<2x320000xi32, #tpu.memory_space<hbm>> -> memref<1x10000xi32, #tpu.memory_space<hbm>>
      %dma_wait3A_281 = tpu.memref_squeeze %dma_wait3A_280 : memref<1x10000xi32, #tpu.memory_space<hbm>> -> memref<10000xi32, #tpu.memory_space<hbm>>
      %dma_wait3A_282 = tpu.memref_slice %arg3[%run_scoped3A, %mul3A_4] : memref<2x320000xi32, #tpu.memory_space<hbm>> -> memref<1x10000xi32, #tpu.memory_space<hbm>>
      %dma_wait3A_283 = tpu.memref_squeeze %dma_wait3A_282 : memref<1x10000xi32, #tpu.memory_space<hbm>> -> memref<10000xi32, #tpu.memory_space<hbm>>
      tpu.wait_dma2 semaphore(%run_scoped3A_275 : memref<!tpu.dma_semaphore, #tpu.memory_space<semaphore_mem>>) src(%dma_wait3A_283 : memref<10000xi32, #tpu.memory_space<hbm>>) dst(%arg6 : memref<10000xi32, #tpu.memory_space<vmem>>)
      tpu.yield
    }) : () -> ()
    %mul3A_5 = arith.constant 10000 : i32
    %mul3A_6 = arith.muli %add3A, %mul3A_5 : i32
    %run_scoped3A_7 = arith.constant 1 : i32
    "tpu.region"() ({
      %run_scoped3A_275 = tpu.sem_alloc : memref<!tpu.dma_semaphore, #tpu.memory_space<semaphore_mem>>
      %dma_start3A_276 = tpu.memref_slice %arg3[%run_scoped3A_7, %mul3A_6] : memref<2x320000xi32, #tpu.memory_space<hbm>> -> memref<1x10000xi32, #tpu.memory_space<hbm>>
      %dma_start3A_277 = tpu.memref_squeeze %dma_start3A_276 : memref<1x10000xi32, #tpu.memory_space<hbm>> -> memref<10000xi32, #tpu.memory_space<hbm>>
      %dma_start3A_278 = tpu.memref_slice %arg3[%run_scoped3A_7, %mul3A_6] : memref<2x320000xi32, #tpu.memory_space<hbm>> -> memref<1x10000xi32, #tpu.memory_space<hbm>>
      %dma_start3A_279 = tpu.memref_squeeze %dma_start3A_278 : memref<1x10000xi32, #tpu.memory_space<hbm>> -> memref<10000xi32, #tpu.memory_space<hbm>>
      tpu.enqueue_dma source(%dma_start3A_279 : memref<10000xi32, #tpu.memory_space<hbm>>) target(%arg7 : memref<10000xi32, #tpu.memory_space<vmem>>) target_semaphore(%run_scoped3A_275 : memref<!tpu.dma_semaphore, #tpu.memory_space<semaphore_mem>>)
      %dma_wait3A_280 = tpu.memref_slice %arg3[%run_scoped3A_7, %mul3A_6] : memref<2x320000xi32, #tpu.memory_space<hbm>> -> memref<1x10000xi32, #tpu.memory_space<hbm>>
      %dma_wait3A_281 = tpu.memref_squeeze %dma_wait3A_280 : memref<1x10000xi32, #tpu.memory_space<hbm>> -> memref<10000xi32, #tpu.memory_space<hbm>>
      %dma_wait3A_282 = tpu.memref_slice %arg3[%run_scoped3A_7, %mul3A_6] : memref<2x320000xi32, #tpu.memory_space<hbm>> -> memref<1x10000xi32, #tpu.memory_space<hbm>>
      %dma_wait3A_283 = tpu.memref_squeeze %dma_wait3A_282 : memref<1x10000xi32, #tpu.memory_space<hbm>> -> memref<10000xi32, #tpu.memory_space<hbm>>
      tpu.wait_dma2 semaphore(%run_scoped3A_275 : memref<!tpu.dma_semaphore, #tpu.memory_space<semaphore_mem>>) src(%dma_wait3A_283 : memref<10000xi32, #tpu.memory_space<hbm>>) dst(%arg7 : memref<10000xi32, #tpu.memory_space<vmem>>)
      tpu.yield
    }) : () -> ()
    %barrier3A = arith.constant 0 : index
    tpu.barrier barrier_id(%barrier3A)
    %dma_start3A = arith.constant 0 : i32
    %dma_start3A_8 = arith.constant 0 : i32
    %dma_start3A_9 = arith.constant 0 : i32
    %dma_start3A_10 = tpu.memref_slice %arg8[%dma_start3A, %dma_start3A_8, %dma_start3A_9] : memref<6x128x32xf32, #tpu.memory_space<vmem>> -> memref<1x128x32xf32, #tpu.memory_space<vmem>>
    %dma_start3A_11 = tpu.memref_squeeze %dma_start3A_10 : memref<1x128x32xf32, #tpu.memory_space<vmem>> -> memref<128x32xf32, #tpu.memory_space<vmem>>
    %dma_start3A_12 = arith.constant 0 : i32
    %dma_start3A_13 = tpu.memref_slice %arg6[%dma_start3A_12] : memref<10000xi32, #tpu.memory_space<vmem>> -> memref<128xi32, #tpu.memory_space<vmem>>
    %dma_start3A_14 = arith.constant 0 : i32
    %dma_start3A_15 = arith.constant 0 : i32
    %dma_start3A_16 = tpu.memref_slice %arg2[%dma_start3A_14, %dma_start3A_15] : memref<10000x32xf32, #tpu.memory_space<hbm>> -> memref<10000x32xf32, #tpu.memory_space<hbm>>
    tpu.enqueue_indirect_dma source(%dma_start3A_16 : memref<10000x32xf32, #tpu.memory_space<hbm>>) target(%dma_start3A_11 : memref<128x32xf32, #tpu.memory_space<vmem>>) offsets(%dma_start3A_13 : memref<128xi32, #tpu.memory_space<vmem>>) semaphore(%arg10 : memref<!tpu.dma_semaphore, #tpu.memory_space<semaphore_mem>>)
    %dma_wait3A = arith.constant 0 : i32
    %dma_wait3A_17 = arith.constant 0 : i32
    %dma_wait3A_18 = arith.constant 0 : i32
    %dma_wait3A_19 = tpu.memref_slice %arg8[%dma_wait3A, %dma_wait3A_17, %dma_wait3A_18] : memref<6x128x32xf32, #tpu.memory_space<vmem>> -> memref<1x128x32xf32, #tpu.memory_space<vmem>>
    %dma_wait3A_20 = tpu.memref_squeeze %dma_wait3A_19 : memref<1x128x32xf32, #tpu.memory_space<vmem>> -> memref<128x32xf32, #tpu.memory_space<vmem>>
    %dma_wait3A_21 = arith.constant 0 : i32
    %dma_wait3A_22 = tpu.memref_slice %arg6[%dma_wait3A_21] : memref<10000xi32, #tpu.memory_space<vmem>> -> memref<128xi32, #tpu.memory_space<vmem>>
    %dma_wait3A_23 = arith.constant 0 : i32
    %dma_wait3A_24 = arith.constant 0 : i32
    %dma_wait3A_25 = tpu.memref_slice %arg2[%dma_wait3A_23, %dma_wait3A_24] : memref<10000x32xf32, #tpu.memory_space<hbm>> -> memref<10000x32xf32, #tpu.memory_space<hbm>>
    tpu.wait_indirect_dma semaphore(%arg10 : memref<!tpu.dma_semaphore, #tpu.memory_space<semaphore_mem>>) src(%dma_wait3A_25 : memref<10000x32xf32, #tpu.memory_space<hbm>>) dst(%dma_wait3A_20 : memref<128x32xf32, #tpu.memory_space<vmem>>)
    %dma_start3A_26 = arith.constant 0 : i32
    %dma_start3A_27 = arith.constant 0 : i32
    %dma_start3A_28 = arith.constant 0 : i32
    %dma_start3A_29 = tpu.memref_slice %arg8[%dma_start3A_26, %dma_start3A_27, %dma_start3A_28] : memref<6x128x32xf32, #tpu.memory_space<vmem>> -> memref<1x128x32xf32, #tpu.memory_space<vmem>>
    %dma_start3A_30 = tpu.memref_squeeze %dma_start3A_29 : memref<1x128x32xf32, #tpu.memory_space<vmem>> -> memref<128x32xf32, #tpu.memory_space<vmem>>
    %dma_start3A_31 = arith.constant 0 : i32
    %dma_start3A_32 = tpu.memref_slice %arg7[%dma_start3A_31] : memref<10000xi32, #tpu.memory_space<vmem>> -> memref<128xi32, #tpu.memory_space<vmem>>
    %dma_start3A_33 = arith.constant 0 : i32
    %dma_start3A_34 = arith.constant 0 : i32
    %dma_start3A_35 = tpu.memref_slice %arg9[%dma_start3A_33, %dma_start3A_34] : memref<10240x32xf32, #tpu.memory_space<vmem_shared>> -> memref<10240x32xf32, #tpu.memory_space<vmem_shared>>
    tpu.enqueue_indirect_dma source(%dma_start3A_30 : memref<128x32xf32, #tpu.memory_space<vmem>>) target(%dma_start3A_35 : memref<10240x32xf32, #tpu.memory_space<vmem_shared>>) offsets(%dma_start3A_32 : memref<128xi32, #tpu.memory_space<vmem>>) semaphore(%arg16 : memref<!tpu.dma_semaphore, #tpu.memory_space<semaphore_mem>>) {add = true}
    %dma_start3A_36 = arith.constant 1 : i32
    %dma_start3A_37 = arith.constant 0 : i32
    %dma_start3A_38 = arith.constant 0 : i32
    %dma_start3A_39 = tpu.memref_slice %arg8[%dma_start3A_36, %dma_start3A_37, %dma_start3A_38] : memref<6x128x32xf32, #tpu.memory_space<vmem>> -> memref<1x128x32xf32, #tpu.memory_space<vmem>>
    %dma_start3A_40 = tpu.memref_squeeze %dma_start3A_39 : memref<1x128x32xf32, #tpu.memory_space<vmem>> -> memref<128x32xf32, #tpu.memory_space<vmem>>
    %dma_start3A_41 = arith.constant 128 : i32
    %dma_start3A_42 = tpu.memref_slice %arg6[%dma_start3A_41] : memref<10000xi32, #tpu.memory_space<vmem>> -> memref<128xi32, #tpu.memory_space<vmem>>
    %dma_start3A_43 = arith.constant 0 : i32
    %dma_start3A_44 = arith.constant 0 : i32
    %dma_start3A_45 = tpu.memref_slice %arg2[%dma_start3A_43, %dma_start3A_44] : memref<10000x32xf32, #tpu.memory_space<hbm>> -> memref<10000x32xf32, #tpu.memory_space<hbm>>
    tpu.enqueue_indirect_dma source(%dma_start3A_45 : memref<10000x32xf32, #tpu.memory_space<hbm>>) target(%dma_start3A_40 : memref<128x32xf32, #tpu.memory_space<vmem>>) offsets(%dma_start3A_42 : memref<128xi32, #tpu.memory_space<vmem>>) semaphore(%arg11 : memref<!tpu.dma_semaphore, #tpu.memory_space<semaphore_mem>>)
    %dma_wait3A_46 = arith.constant 1 : i32
    %dma_wait3A_47 = arith.constant 0 : i32
    %dma_wait3A_48 = arith.constant 0 : i32
    %dma_wait3A_49 = tpu.memref_slice %arg8[%dma_wait3A_46, %dma_wait3A_47, %dma_wait3A_48] : memref<6x128x32xf32, #tpu.memory_space<vmem>> -> memref<1x128x32xf32, #tpu.memory_space<vmem>>
    %dma_wait3A_50 = tpu.memref_squeeze %dma_wait3A_49 : memref<1x128x32xf32, #tpu.memory_space<vmem>> -> memref<128x32xf32, #tpu.memory_space<vmem>>
    %dma_wait3A_51 = arith.constant 128 : i32
    %dma_wait3A_52 = tpu.memref_slice %arg6[%dma_wait3A_51] : memref<10000xi32, #tpu.memory_space<vmem>> -> memref<128xi32, #tpu.memory_space<vmem>>
    %dma_wait3A_53 = arith.constant 0 : i32
    %dma_wait3A_54 = arith.constant 0 : i32
    %dma_wait3A_55 = tpu.memref_slice %arg2[%dma_wait3A_53, %dma_wait3A_54] : memref<10000x32xf32, #tpu.memory_space<hbm>> -> memref<10000x32xf32, #tpu.memory_space<hbm>>
    tpu.wait_indirect_dma semaphore(%arg11 : memref<!tpu.dma_semaphore, #tpu.memory_space<semaphore_mem>>) src(%dma_wait3A_55 : memref<10000x32xf32, #tpu.memory_space<hbm>>) dst(%dma_wait3A_50 : memref<128x32xf32, #tpu.memory_space<vmem>>)
    %dma_start3A_56 = arith.constant 1 : i32
    %dma_start3A_57 = arith.constant 0 : i32
    %dma_start3A_58 = arith.constant 0 : i32
    %dma_start3A_59 = tpu.memref_slice %arg8[%dma_start3A_56, %dma_start3A_57, %dma_start3A_58] : memref<6x128x32xf32, #tpu.memory_space<vmem>> -> memref<1x128x32xf32, #tpu.memory_space<vmem>>
    %dma_start3A_60 = tpu.memref_squeeze %dma_start3A_59 : memref<1x128x32xf32, #tpu.memory_space<vmem>> -> memref<128x32xf32, #tpu.memory_space<vmem>>
    %dma_start3A_61 = arith.constant 128 : i32
    %dma_start3A_62 = tpu.memref_slice %arg7[%dma_start3A_61] : memref<10000xi32, #tpu.memory_space<vmem>> -> memref<128xi32, #tpu.memory_space<vmem>>
    %dma_start3A_63 = arith.constant 0 : i32
    %dma_start3A_64 = arith.constant 0 : i32
    %dma_start3A_65 = tpu.memref_slice %arg9[%dma_start3A_63, %dma_start3A_64] : memref<10240x32xf32, #tpu.memory_space<vmem_shared>> -> memref<10240x32xf32, #tpu.memory_space<vmem_shared>>
    tpu.enqueue_indirect_dma source(%dma_start3A_60 : memref<128x32xf32, #tpu.memory_space<vmem>>) target(%dma_start3A_65 : memref<10240x32xf32, #tpu.memory_space<vmem_shared>>) offsets(%dma_start3A_62 : memref<128xi32, #tpu.memory_space<vmem>>) semaphore(%arg17 : memref<!tpu.dma_semaphore, #tpu.memory_space<semaphore_mem>>) {add = true}
    %dma_start3A_66 = arith.constant 2 : i32
    %dma_start3A_67 = arith.constant 0 : i32
    %dma_start3A_68 = arith.constant 0 : i32
    %dma_start3A_69 = tpu.memref_slice %arg8[%dma_start3A_66, %dma_start3A_67, %dma_start3A_68] : memref<6x128x32xf32, #tpu.memory_space<vmem>> -> memref<1x128x32xf32, #tpu.memory_space<vmem>>
    %dma_start3A_70 = tpu.memref_squeeze %dma_start3A_69 : memref<1x128x32xf32, #tpu.memory_space<vmem>> -> memref<128x32xf32, #tpu.memory_space<vmem>>
    %dma_start3A_71 = arith.constant 256 : i32
    %dma_start3A_72 = tpu.memref_slice %arg6[%dma_start3A_71] : memref<10000xi32, #tpu.memory_space<vmem>> -> memref<128xi32, #tpu.memory_space<vmem>>
    %dma_start3A_73 = arith.constant 0 : i32
    %dma_start3A_74 = arith.constant 0 : i32
    %dma_start3A_75 = tpu.memref_slice %arg2[%dma_start3A_73, %dma_start3A_74] : memref<10000x32xf32, #tpu.memory_space<hbm>> -> memref<10000x32xf32, #tpu.memory_space<hbm>>
    tpu.enqueue_indirect_dma source(%dma_start3A_75 : memref<10000x32xf32, #tpu.memory_space<hbm>>) target(%dma_start3A_70 : memref<128x32xf32, #tpu.memory_space<vmem>>) offsets(%dma_start3A_72 : memref<128xi32, #tpu.memory_space<vmem>>) semaphore(%arg12 : memref<!tpu.dma_semaphore, #tpu.memory_space<semaphore_mem>>)
    %dma_wait3A_76 = arith.constant 2 : i32
    %dma_wait3A_77 = arith.constant 0 : i32
    %dma_wait3A_78 = arith.constant 0 : i32
    %dma_wait3A_79 = tpu.memref_slice %arg8[%dma_wait3A_76, %dma_wait3A_77, %dma_wait3A_78] : memref<6x128x32xf32, #tpu.memory_space<vmem>> -> memref<1x128x32xf32, #tpu.memory_space<vmem>>
    %dma_wait3A_80 = tpu.memref_squeeze %dma_wait3A_79 : memref<1x128x32xf32, #tpu.memory_space<vmem>> -> memref<128x32xf32, #tpu.memory_space<vmem>>
    %dma_wait3A_81 = arith.constant 256 : i32
    %dma_wait3A_82 = tpu.memref_slice %arg6[%dma_wait3A_81] : memref<10000xi32, #tpu.memory_space<vmem>> -> memref<128xi32, #tpu.memory_space<vmem>>
    %dma_wait3A_83 = arith.constant 0 : i32
    %dma_wait3A_84 = arith.constant 0 : i32
    %dma_wait3A_85 = tpu.memref_slice %arg2[%dma_wait3A_83, %dma_wait3A_84] : memref<10000x32xf32, #tpu.memory_space<hbm>> -> memref<10000x32xf32, #tpu.memory_space<hbm>>
    tpu.wait_indirect_dma semaphore(%arg12 : memref<!tpu.dma_semaphore, #tpu.memory_space<semaphore_mem>>) src(%dma_wait3A_85 : memref<10000x32xf32, #tpu.memory_space<hbm>>) dst(%dma_wait3A_80 : memref<128x32xf32, #tpu.memory_space<vmem>>)
    %dma_start3A_86 = arith.constant 2 : i32
    %dma_start3A_87 = arith.constant 0 : i32
    %dma_start3A_88 = arith.constant 0 : i32
    %dma_start3A_89 = tpu.memref_slice %arg8[%dma_start3A_86, %dma_start3A_87, %dma_start3A_88] : memref<6x128x32xf32, #tpu.memory_space<vmem>> -> memref<1x128x32xf32, #tpu.memory_space<vmem>>
    %dma_start3A_90 = tpu.memref_squeeze %dma_start3A_89 : memref<1x128x32xf32, #tpu.memory_space<vmem>> -> memref<128x32xf32, #tpu.memory_space<vmem>>
    %dma_start3A_91 = arith.constant 256 : i32
    %dma_start3A_92 = tpu.memref_slice %arg7[%dma_start3A_91] : memref<10000xi32, #tpu.memory_space<vmem>> -> memref<128xi32, #tpu.memory_space<vmem>>
    %dma_start3A_93 = arith.constant 0 : i32
    %dma_start3A_94 = arith.constant 0 : i32
    %dma_start3A_95 = tpu.memref_slice %arg9[%dma_start3A_93, %dma_start3A_94] : memref<10240x32xf32, #tpu.memory_space<vmem_shared>> -> memref<10240x32xf32, #tpu.memory_space<vmem_shared>>
    tpu.enqueue_indirect_dma source(%dma_start3A_90 : memref<128x32xf32, #tpu.memory_space<vmem>>) target(%dma_start3A_95 : memref<10240x32xf32, #tpu.memory_space<vmem_shared>>) offsets(%dma_start3A_92 : memref<128xi32, #tpu.memory_space<vmem>>) semaphore(%arg18 : memref<!tpu.dma_semaphore, #tpu.memory_space<semaphore_mem>>) {add = true}
    %dma_start3A_96 = arith.constant 3 : i32
    %dma_start3A_97 = arith.constant 0 : i32
    %dma_start3A_98 = arith.constant 0 : i32
    %dma_start3A_99 = tpu.memref_slice %arg8[%dma_start3A_96, %dma_start3A_97, %dma_start3A_98] : memref<6x128x32xf32, #tpu.memory_space<vmem>> -> memref<1x128x32xf32, #tpu.memory_space<vmem>>
    %dma_start3A_100 = tpu.memref_squeeze %dma_start3A_99 : memref<1x128x32xf32, #tpu.memory_space<vmem>> -> memref<128x32xf32, #tpu.memory_space<vmem>>
    %dma_start3A_101 = arith.constant 384 : i32
    %dma_start3A_102 = tpu.memref_slice %arg6[%dma_start3A_101] : memref<10000xi32, #tpu.memory_space<vmem>> -> memref<128xi32, #tpu.memory_space<vmem>>
    %dma_start3A_103 = arith.constant 0 : i32
    %dma_start3A_104 = arith.constant 0 : i32
    %dma_start3A_105 = tpu.memref_slice %arg2[%dma_start3A_103, %dma_start3A_104] : memref<10000x32xf32, #tpu.memory_space<hbm>> -> memref<10000x32xf32, #tpu.memory_space<hbm>>
    tpu.enqueue_indirect_dma source(%dma_start3A_105 : memref<10000x32xf32, #tpu.memory_space<hbm>>) target(%dma_start3A_100 : memref<128x32xf32, #tpu.memory_space<vmem>>) offsets(%dma_start3A_102 : memref<128xi32, #tpu.memory_space<vmem>>) semaphore(%arg13 : memref<!tpu.dma_semaphore, #tpu.memory_space<semaphore_mem>>)
    %dma_wait3A_106 = arith.constant 3 : i32
    %dma_wait3A_107 = arith.constant 0 : i32
    %dma_wait3A_108 = arith.constant 0 : i32
    %dma_wait3A_109 = tpu.memref_slice %arg8[%dma_wait3A_106, %dma_wait3A_107, %dma_wait3A_108] : memref<6x128x32xf32, #tpu.memory_space<vmem>> -> memref<1x128x32xf32, #tpu.memory_space<vmem>>
    %dma_wait3A_110 = tpu.memref_squeeze %dma_wait3A_109 : memref<1x128x32xf32, #tpu.memory_space<vmem>> -> memref<128x32xf32, #tpu.memory_space<vmem>>
    %dma_wait3A_111 = arith.constant 384 : i32
    %dma_wait3A_112 = tpu.memref_slice %arg6[%dma_wait3A_111] : memref<10000xi32, #tpu.memory_space<vmem>> -> memref<128xi32, #tpu.memory_space<vmem>>
    %dma_wait3A_113 = arith.constant 0 : i32
    %dma_wait3A_114 = arith.constant 0 : i32
    %dma_wait3A_115 = tpu.memref_slice %arg2[%dma_wait3A_113, %dma_wait3A_114] : memref<10000x32xf32, #tpu.memory_space<hbm>> -> memref<10000x32xf32, #tpu.memory_space<hbm>>
    tpu.wait_indirect_dma semaphore(%arg13 : memref<!tpu.dma_semaphore, #tpu.memory_space<semaphore_mem>>) src(%dma_wait3A_115 : memref<10000x32xf32, #tpu.memory_space<hbm>>) dst(%dma_wait3A_110 : memref<128x32xf32, #tpu.memory_space<vmem>>)
    %dma_start3A_116 = arith.constant 3 : i32
    %dma_start3A_117 = arith.constant 0 : i32
    %dma_start3A_118 = arith.constant 0 : i32
    %dma_start3A_119 = tpu.memref_slice %arg8[%dma_start3A_116, %dma_start3A_117, %dma_start3A_118] : memref<6x128x32xf32, #tpu.memory_space<vmem>> -> memref<1x128x32xf32, #tpu.memory_space<vmem>>
    %dma_start3A_120 = tpu.memref_squeeze %dma_start3A_119 : memref<1x128x32xf32, #tpu.memory_space<vmem>> -> memref<128x32xf32, #tpu.memory_space<vmem>>
    %dma_start3A_121 = arith.constant 384 : i32
    %dma_start3A_122 = tpu.memref_slice %arg7[%dma_start3A_121] : memref<10000xi32, #tpu.memory_space<vmem>> -> memref<128xi32, #tpu.memory_space<vmem>>
    %dma_start3A_123 = arith.constant 0 : i32
    %dma_start3A_124 = arith.constant 0 : i32
    %dma_start3A_125 = tpu.memref_slice %arg9[%dma_start3A_123, %dma_start3A_124] : memref<10240x32xf32, #tpu.memory_space<vmem_shared>> -> memref<10240x32xf32, #tpu.memory_space<vmem_shared>>
    tpu.enqueue_indirect_dma source(%dma_start3A_120 : memref<128x32xf32, #tpu.memory_space<vmem>>) target(%dma_start3A_125 : memref<10240x32xf32, #tpu.memory_space<vmem_shared>>) offsets(%dma_start3A_122 : memref<128xi32, #tpu.memory_space<vmem>>) semaphore(%arg19 : memref<!tpu.dma_semaphore, #tpu.memory_space<semaphore_mem>>) {add = true}
    %dma_start3A_126 = arith.constant 4 : i32
    %dma_start3A_127 = arith.constant 0 : i32
    %dma_start3A_128 = arith.constant 0 : i32
    %dma_start3A_129 = tpu.memref_slice %arg8[%dma_start3A_126, %dma_start3A_127, %dma_start3A_128] : memref<6x128x32xf32, #tpu.memory_space<vmem>> -> memref<1x128x32xf32, #tpu.memory_space<vmem>>
    %dma_start3A_130 = tpu.memref_squeeze %dma_start3A_129 : memref<1x128x32xf32, #tpu.memory_space<vmem>> -> memref<128x32xf32, #tpu.memory_space<vmem>>
    %dma_start3A_131 = arith.constant 512 : i32
    %dma_start3A_132 = tpu.memref_slice %arg6[%dma_start3A_131] : memref<10000xi32, #tpu.memory_space<vmem>> -> memref<128xi32, #tpu.memory_space<vmem>>
    %dma_start3A_133 = arith.constant 0 : i32
    %dma_start3A_134 = arith.constant 0 : i32
    %dma_start3A_135 = tpu.memref_slice %arg2[%dma_start3A_133, %dma_start3A_134] : memref<10000x32xf32, #tpu.memory_space<hbm>> -> memref<10000x32xf32, #tpu.memory_space<hbm>>
    tpu.enqueue_indirect_dma source(%dma_start3A_135 : memref<10000x32xf32, #tpu.memory_space<hbm>>) target(%dma_start3A_130 : memref<128x32xf32, #tpu.memory_space<vmem>>) offsets(%dma_start3A_132 : memref<128xi32, #tpu.memory_space<vmem>>) semaphore(%arg14 : memref<!tpu.dma_semaphore, #tpu.memory_space<semaphore_mem>>)
    %dma_wait3A_136 = arith.constant 4 : i32
    %dma_wait3A_137 = arith.constant 0 : i32
    %dma_wait3A_138 = arith.constant 0 : i32
    %dma_wait3A_139 = tpu.memref_slice %arg8[%dma_wait3A_136, %dma_wait3A_137, %dma_wait3A_138] : memref<6x128x32xf32, #tpu.memory_space<vmem>> -> memref<1x128x32xf32, #tpu.memory_space<vmem>>
    %dma_wait3A_140 = tpu.memref_squeeze %dma_wait3A_139 : memref<1x128x32xf32, #tpu.memory_space<vmem>> -> memref<128x32xf32, #tpu.memory_space<vmem>>
    %dma_wait3A_141 = arith.constant 512 : i32
    %dma_wait3A_142 = tpu.memref_slice %arg6[%dma_wait3A_141] : memref<10000xi32, #tpu.memory_space<vmem>> -> memref<128xi32, #tpu.memory_space<vmem>>
    %dma_wait3A_143 = arith.constant 0 : i32
    %dma_wait3A_144 = arith.constant 0 : i32
    %dma_wait3A_145 = tpu.memref_slice %arg2[%dma_wait3A_143, %dma_wait3A_144] : memref<10000x32xf32, #tpu.memory_space<hbm>> -> memref<10000x32xf32, #tpu.memory_space<hbm>>
    tpu.wait_indirect_dma semaphore(%arg14 : memref<!tpu.dma_semaphore, #tpu.memory_space<semaphore_mem>>) src(%dma_wait3A_145 : memref<10000x32xf32, #tpu.memory_space<hbm>>) dst(%dma_wait3A_140 : memref<128x32xf32, #tpu.memory_space<vmem>>)
    %dma_start3A_146 = arith.constant 4 : i32
    %dma_start3A_147 = arith.constant 0 : i32
    %dma_start3A_148 = arith.constant 0 : i32
    %dma_start3A_149 = tpu.memref_slice %arg8[%dma_start3A_146, %dma_start3A_147, %dma_start3A_148] : memref<6x128x32xf32, #tpu.memory_space<vmem>> -> memref<1x128x32xf32, #tpu.memory_space<vmem>>
    %dma_start3A_150 = tpu.memref_squeeze %dma_start3A_149 : memref<1x128x32xf32, #tpu.memory_space<vmem>> -> memref<128x32xf32, #tpu.memory_space<vmem>>
    %dma_start3A_151 = arith.constant 512 : i32
    %dma_start3A_152 = tpu.memref_slice %arg7[%dma_start3A_151] : memref<10000xi32, #tpu.memory_space<vmem>> -> memref<128xi32, #tpu.memory_space<vmem>>
    %dma_start3A_153 = arith.constant 0 : i32
    %dma_start3A_154 = arith.constant 0 : i32
    %dma_start3A_155 = tpu.memref_slice %arg9[%dma_start3A_153, %dma_start3A_154] : memref<10240x32xf32, #tpu.memory_space<vmem_shared>> -> memref<10240x32xf32, #tpu.memory_space<vmem_shared>>
    tpu.enqueue_indirect_dma source(%dma_start3A_150 : memref<128x32xf32, #tpu.memory_space<vmem>>) target(%dma_start3A_155 : memref<10240x32xf32, #tpu.memory_space<vmem_shared>>) offsets(%dma_start3A_152 : memref<128xi32, #tpu.memory_space<vmem>>) semaphore(%arg20 : memref<!tpu.dma_semaphore, #tpu.memory_space<semaphore_mem>>) {add = true}
    %dma_start3A_156 = arith.constant 5 : i32
    %dma_start3A_157 = arith.constant 0 : i32
    %dma_start3A_158 = arith.constant 0 : i32
    %dma_start3A_159 = tpu.memref_slice %arg8[%dma_start3A_156, %dma_start3A_157, %dma_start3A_158] : memref<6x128x32xf32, #tpu.memory_space<vmem>> -> memref<1x128x32xf32, #tpu.memory_space<vmem>>
    %dma_start3A_160 = tpu.memref_squeeze %dma_start3A_159 : memref<1x128x32xf32, #tpu.memory_space<vmem>> -> memref<128x32xf32, #tpu.memory_space<vmem>>
    %dma_start3A_161 = arith.constant 640 : i32
    %dma_start3A_162 = tpu.memref_slice %arg6[%dma_start3A_161] : memref<10000xi32, #tpu.memory_space<vmem>> -> memref<128xi32, #tpu.memory_space<vmem>>
    %dma_start3A_163 = arith.constant 0 : i32
    %dma_start3A_164 = arith.constant 0 : i32
    %dma_start3A_165 = tpu.memref_slice %arg2[%dma_start3A_163, %dma_start3A_164] : memref<10000x32xf32, #tpu.memory_space<hbm>> -> memref<10000x32xf32, #tpu.memory_space<hbm>>
    tpu.enqueue_indirect_dma source(%dma_start3A_165 : memref<10000x32xf32, #tpu.memory_space<hbm>>) target(%dma_start3A_160 : memref<128x32xf32, #tpu.memory_space<vmem>>) offsets(%dma_start3A_162 : memref<128xi32, #tpu.memory_space<vmem>>) semaphore(%arg15 : memref<!tpu.dma_semaphore, #tpu.memory_space<semaphore_mem>>)
    %scan3A = arith.constant 0 : i32
    %scan3A_166 = arith.constant 12 : i32
    %scan3A_167 = arith.addi %scan3A, %scan3A_166 : i32
    %scan3A_168 = arith.constant 1 : i32
    scf.for %scan3A_275 = %scan3A to %scan3A_167 step %scan3A_168  : i32 {
      %mul3A_276 = arith.constant 1 : i32
      %mul3A_277 = arith.muli %scan3A_275, %mul3A_276 : i32
      %add3A_278 = arith.constant 0 : i32
      %add3A_279 = arith.addi %add3A_278, %mul3A_277 : i32
      %mul3A_280 = arith.constant 6 : i32
      %mul3A_281 = arith.muli %add3A_279, %mul3A_280 : i32
      %add3A_282 = arith.constant 5 : i32
      %add3A_283 = arith.addi %add3A_282, %mul3A_281 : i32
      %add3A_284 = arith.constant 0 : i32
      %add3A_285 = arith.addi %add3A_283, %add3A_284 : i32
      %add3A_286 = arith.constant 1 : i32
      %add3A_287 = arith.addi %add3A_285, %add3A_286 : i32
      %sub3A = arith.constant 6 : i32
      %sub3A_288 = arith.subi %add3A_287, %sub3A : i32
      %mul3A_289 = arith.constant 128 : i32
      %mul3A_290 = arith.muli %sub3A_288, %mul3A_289 : i32
      %dma_wait3A_291 = arith.constant 0 : i32
      %dma_wait3A_292 = arith.constant 0 : i32
      %dma_wait3A_293 = arith.constant 0 : i32
      %dma_wait3A_294 = tpu.memref_slice %arg8[%dma_wait3A_291, %dma_wait3A_292, %dma_wait3A_293] : memref<6x128x32xf32, #tpu.memory_space<vmem>> -> memref<1x128x32xf32, #tpu.memory_space<vmem>>
      %dma_wait3A_295 = tpu.memref_squeeze %dma_wait3A_294 : memref<1x128x32xf32, #tpu.memory_space<vmem>> -> memref<128x32xf32, #tpu.memory_space<vmem>>
      %dma_wait3A_296 = tpu.memref_slice %arg7[%mul3A_290] : memref<10000xi32, #tpu.memory_space<vmem>> -> memref<128xi32, #tpu.memory_space<vmem>>
      %dma_wait3A_297 = arith.constant 0 : i32
      %dma_wait3A_298 = arith.constant 0 : i32
      %dma_wait3A_299 = tpu.memref_slice %arg9[%dma_wait3A_297, %dma_wait3A_298] : memref<10240x32xf32, #tpu.memory_space<vmem_shared>> -> memref<10240x32xf32, #tpu.memory_space<vmem_shared>>
      tpu.wait_indirect_dma semaphore(%arg16 : memref<!tpu.dma_semaphore, #tpu.memory_space<semaphore_mem>>) src(%dma_wait3A_295 : memref<128x32xf32, #tpu.memory_space<vmem>>) dst(%dma_wait3A_299 : memref<10240x32xf32, #tpu.memory_space<vmem_shared>>)
      %add3A_300 = arith.constant 1 : i32
      %add3A_301 = arith.addi %add3A_285, %add3A_300 : i32
      %mul3A_302 = arith.constant 128 : i32
      %mul3A_303 = arith.muli %add3A_301, %mul3A_302 : i32
      %dma_start3A_304 = arith.constant 0 : i32
      %dma_start3A_305 = arith.constant 0 : i32
      %dma_start3A_306 = arith.constant 0 : i32
      %dma_start3A_307 = tpu.memref_slice %arg8[%dma_start3A_304, %dma_start3A_305, %dma_start3A_306] : memref<6x128x32xf32, #tpu.memory_space<vmem>> -> memref<1x128x32xf32, #tpu.memory_space<vmem>>
      %dma_start3A_308 = tpu.memref_squeeze %dma_start3A_307 : memref<1x128x32xf32, #tpu.memory_space<vmem>> -> memref<128x32xf32, #tpu.memory_space<vmem>>
      %dma_start3A_309 = tpu.memref_slice %arg6[%mul3A_303] : memref<10000xi32, #tpu.memory_space<vmem>> -> memref<128xi32, #tpu.memory_space<vmem>>
      %dma_start3A_310 = arith.constant 0 : i32
      %dma_start3A_311 = arith.constant 0 : i32
      %dma_start3A_312 = tpu.memref_slice %arg2[%dma_start3A_310, %dma_start3A_311] : memref<10000x32xf32, #tpu.memory_space<hbm>> -> memref<10000x32xf32, #tpu.memory_space<hbm>>
      tpu.enqueue_indirect_dma source(%dma_start3A_312 : memref<10000x32xf32, #tpu.memory_space<hbm>>) target(%dma_start3A_308 : memref<128x32xf32, #tpu.memory_space<vmem>>) offsets(%dma_start3A_309 : memref<128xi32, #tpu.memory_space<vmem>>) semaphore(%arg10 : memref<!tpu.dma_semaphore, #tpu.memory_space<semaphore_mem>>)
      %mul3A_313 = arith.constant 128 : i32
      %mul3A_314 = arith.muli %add3A_285, %mul3A_313 : i32
      %dma_wait3A_315 = arith.constant 5 : i32
      %dma_wait3A_316 = arith.constant 0 : i32
      %dma_wait3A_317 = arith.constant 0 : i32
      %dma_wait3A_318 = tpu.memref_slice %arg8[%dma_wait3A_315, %dma_wait3A_316, %dma_wait3A_317] : memref<6x128x32xf32, #tpu.memory_space<vmem>> -> memref<1x128x32xf32, #tpu.memory_space<vmem>>
      %dma_wait3A_319 = tpu.memref_squeeze %dma_wait3A_318 : memref<1x128x32xf32, #tpu.memory_space<vmem>> -> memref<128x32xf32, #tpu.memory_space<vmem>>
      %dma_wait3A_320 = tpu.memref_slice %arg6[%mul3A_314] : memref<10000xi32, #tpu.memory_space<vmem>> -> memref<128xi32, #tpu.memory_space<vmem>>
      %dma_wait3A_321 = arith.constant 0 : i32
      %dma_wait3A_322 = arith.constant 0 : i32
      %dma_wait3A_323 = tpu.memref_slice %arg2[%dma_wait3A_321, %dma_wait3A_322] : memref<10000x32xf32, #tpu.memory_space<hbm>> -> memref<10000x32xf32, #tpu.memory_space<hbm>>
      tpu.wait_indirect_dma semaphore(%arg15 : memref<!tpu.dma_semaphore, #tpu.memory_space<semaphore_mem>>) src(%dma_wait3A_323 : memref<10000x32xf32, #tpu.memory_space<hbm>>) dst(%dma_wait3A_319 : memref<128x32xf32, #tpu.memory_space<vmem>>)
      %mul3A_324 = arith.constant 128 : i32
      %mul3A_325 = arith.muli %add3A_285, %mul3A_324 : i32
      %dma_start3A_326 = arith.constant 5 : i32
      %dma_start3A_327 = arith.constant 0 : i32
      %dma_start3A_328 = arith.constant 0 : i32
      %dma_start3A_329 = tpu.memref_slice %arg8[%dma_start3A_326, %dma_start3A_327, %dma_start3A_328] : memref<6x128x32xf32, #tpu.memory_space<vmem>> -> memref<1x128x32xf32, #tpu.memory_space<vmem>>
      %dma_start3A_330 = tpu.memref_squeeze %dma_start3A_329 : memref<1x128x32xf32, #tpu.memory_space<vmem>> -> memref<128x32xf32, #tpu.memory_space<vmem>>
      %dma_start3A_331 = tpu.memref_slice %arg7[%mul3A_325] : memref<10000xi32, #tpu.memory_space<vmem>> -> memref<128xi32, #tpu.memory_space<vmem>>
      %dma_start3A_332 = arith.constant 0 : i32
      %dma_start3A_333 = arith.constant 0 : i32
      %dma_start3A_334 = tpu.memref_slice %arg9[%dma_start3A_332, %dma_start3A_333] : memref<10240x32xf32, #tpu.memory_space<vmem_shared>> -> memref<10240x32xf32, #tpu.memory_space<vmem_shared>>
      tpu.enqueue_indirect_dma source(%dma_start3A_330 : memref<128x32xf32, #tpu.memory_space<vmem>>) target(%dma_start3A_334 : memref<10240x32xf32, #tpu.memory_space<vmem_shared>>) offsets(%dma_start3A_331 : memref<128xi32, #tpu.memory_space<vmem>>) semaphore(%arg21 : memref<!tpu.dma_semaphore, #tpu.memory_space<semaphore_mem>>) {add = true}
      %mul3A_335 = arith.constant 6 : i32
      %mul3A_336 = arith.muli %add3A_279, %mul3A_335 : i32
      %add3A_337 = arith.constant 5 : i32
      %add3A_338 = arith.addi %add3A_337, %mul3A_336 : i32
      %add3A_339 = arith.constant 1 : i32
      %add3A_340 = arith.addi %add3A_338, %add3A_339 : i32
      %add3A_341 = arith.constant 1 : i32
      %add3A_342 = arith.addi %add3A_340, %add3A_341 : i32
      %sub3A_343 = arith.constant 6 : i32
      %sub3A_344 = arith.subi %add3A_342, %sub3A_343 : i32
      %mul3A_345 = arith.constant 128 : i32
      %mul3A_346 = arith.muli %sub3A_344, %mul3A_345 : i32
      %dma_wait3A_347 = arith.constant 1 : i32
      %dma_wait3A_348 = arith.constant 0 : i32
      %dma_wait3A_349 = arith.constant 0 : i32
      %dma_wait3A_350 = tpu.memref_slice %arg8[%dma_wait3A_347, %dma_wait3A_348, %dma_wait3A_349] : memref<6x128x32xf32, #tpu.memory_space<vmem>> -> memref<1x128x32xf32, #tpu.memory_space<vmem>>
      %dma_wait3A_351 = tpu.memref_squeeze %dma_wait3A_350 : memref<1x128x32xf32, #tpu.memory_space<vmem>> -> memref<128x32xf32, #tpu.memory_space<vmem>>
      %dma_wait3A_352 = tpu.memref_slice %arg7[%mul3A_346] : memref<10000xi32, #tpu.memory_space<vmem>> -> memref<128xi32, #tpu.memory_space<vmem>>
      %dma_wait3A_353 = arith.constant 0 : i32
      %dma_wait3A_354 = arith.constant 0 : i32
      %dma_wait3A_355 = tpu.memref_slice %arg9[%dma_wait3A_353, %dma_wait3A_354] : memref<10240x32xf32, #tpu.memory_space<vmem_shared>> -> memref<10240x32xf32, #tpu.memory_space<vmem_shared>>
      tpu.wait_indirect_dma semaphore(%arg17 : memref<!tpu.dma_semaphore, #tpu.memory_space<semaphore_mem>>) src(%dma_wait3A_351 : memref<128x32xf32, #tpu.memory_space<vmem>>) dst(%dma_wait3A_355 : memref<10240x32xf32, #tpu.memory_space<vmem_shared>>)
      %add3A_356 = arith.constant 1 : i32
      %add3A_357 = arith.addi %add3A_340, %add3A_356 : i32
      %mul3A_358 = arith.constant 128 : i32
      %mul3A_359 = arith.muli %add3A_357, %mul3A_358 : i32
      %dma_start3A_360 = arith.constant 1 : i32
      %dma_start3A_361 = arith.constant 0 : i32
      %dma_start3A_362 = arith.constant 0 : i32
      %dma_start3A_363 = tpu.memref_slice %arg8[%dma_start3A_360, %dma_start3A_361, %dma_start3A_362] : memref<6x128x32xf32, #tpu.memory_space<vmem>> -> memref<1x128x32xf32, #tpu.memory_space<vmem>>
      %dma_start3A_364 = tpu.memref_squeeze %dma_start3A_363 : memref<1x128x32xf32, #tpu.memory_space<vmem>> -> memref<128x32xf32, #tpu.memory_space<vmem>>
      %dma_start3A_365 = tpu.memref_slice %arg6[%mul3A_359] : memref<10000xi32, #tpu.memory_space<vmem>> -> memref<128xi32, #tpu.memory_space<vmem>>
      %dma_start3A_366 = arith.constant 0 : i32
      %dma_start3A_367 = arith.constant 0 : i32
      %dma_start3A_368 = tpu.memref_slice %arg2[%dma_start3A_366, %dma_start3A_367] : memref<10000x32xf32, #tpu.memory_space<hbm>> -> memref<10000x32xf32, #tpu.memory_space<hbm>>
      tpu.enqueue_indirect_dma source(%dma_start3A_368 : memref<10000x32xf32, #tpu.memory_space<hbm>>) target(%dma_start3A_364 : memref<128x32xf32, #tpu.memory_space<vmem>>) offsets(%dma_start3A_365 : memref<128xi32, #tpu.memory_space<vmem>>) semaphore(%arg11 : memref<!tpu.dma_semaphore, #tpu.memory_space<semaphore_mem>>)
      %mul3A_369 = arith.constant 128 : i32
      %mul3A_370 = arith.muli %add3A_340, %mul3A_369 : i32
      %dma_wait3A_371 = arith.constant 0 : i32
      %dma_wait3A_372 = arith.constant 0 : i32
      %dma_wait3A_373 = arith.constant 0 : i32
      %dma_wait3A_374 = tpu.memref_slice %arg8[%dma_wait3A_371, %dma_wait3A_372, %dma_wait3A_373] : memref<6x128x32xf32, #tpu.memory_space<vmem>> -> memref<1x128x32xf32, #tpu.memory_space<vmem>>
      %dma_wait3A_375 = tpu.memref_squeeze %dma_wait3A_374 : memref<1x128x32xf32, #tpu.memory_space<vmem>> -> memref<128x32xf32, #tpu.memory_space<vmem>>
      %dma_wait3A_376 = tpu.memref_slice %arg6[%mul3A_370] : memref<10000xi32, #tpu.memory_space<vmem>> -> memref<128xi32, #tpu.memory_space<vmem>>
      %dma_wait3A_377 = arith.constant 0 : i32
      %dma_wait3A_378 = arith.constant 0 : i32
      %dma_wait3A_379 = tpu.memref_slice %arg2[%dma_wait3A_377, %dma_wait3A_378] : memref<10000x32xf32, #tpu.memory_space<hbm>> -> memref<10000x32xf32, #tpu.memory_space<hbm>>
      tpu.wait_indirect_dma semaphore(%arg10 : memref<!tpu.dma_semaphore, #tpu.memory_space<semaphore_mem>>) src(%dma_wait3A_379 : memref<10000x32xf32, #tpu.memory_space<hbm>>) dst(%dma_wait3A_375 : memref<128x32xf32, #tpu.memory_space<vmem>>)
      %mul3A_380 = arith.constant 128 : i32
      %mul3A_381 = arith.muli %add3A_340, %mul3A_380 : i32
      %dma_start3A_382 = arith.constant 0 : i32
      %dma_start3A_383 = arith.constant 0 : i32
      %dma_start3A_384 = arith.constant 0 : i32
      %dma_start3A_385 = tpu.memref_slice %arg8[%dma_start3A_382, %dma_start3A_383, %dma_start3A_384] : memref<6x128x32xf32, #tpu.memory_space<vmem>> -> memref<1x128x32xf32, #tpu.memory_space<vmem>>
      %dma_start3A_386 = tpu.memref_squeeze %dma_start3A_385 : memref<1x128x32xf32, #tpu.memory_space<vmem>> -> memref<128x32xf32, #tpu.memory_space<vmem>>
      %dma_start3A_387 = tpu.memref_slice %arg7[%mul3A_381] : memref<10000xi32, #tpu.memory_space<vmem>> -> memref<128xi32, #tpu.memory_space<vmem>>
      %dma_start3A_388 = arith.constant 0 : i32
      %dma_start3A_389 = arith.constant 0 : i32
      %dma_start3A_390 = tpu.memref_slice %arg9[%dma_start3A_388, %dma_start3A_389] : memref<10240x32xf32, #tpu.memory_space<vmem_shared>> -> memref<10240x32xf32, #tpu.memory_space<vmem_shared>>
      tpu.enqueue_indirect_dma source(%dma_start3A_386 : memref<128x32xf32, #tpu.memory_space<vmem>>) target(%dma_start3A_390 : memref<10240x32xf32, #tpu.memory_space<vmem_shared>>) offsets(%dma_start3A_387 : memref<128xi32, #tpu.memory_space<vmem>>) semaphore(%arg16 : memref<!tpu.dma_semaphore, #tpu.memory_space<semaphore_mem>>) {add = true}
      %mul3A_391 = arith.constant 6 : i32
      %mul3A_392 = arith.muli %add3A_279, %mul3A_391 : i32
      %add3A_393 = arith.constant 5 : i32
      %add3A_394 = arith.addi %add3A_393, %mul3A_392 : i32
      %add3A_395 = arith.constant 2 : i32
      %add3A_396 = arith.addi %add3A_394, %add3A_395 : i32
      %add3A_397 = arith.constant 1 : i32
      %add3A_398 = arith.addi %add3A_396, %add3A_397 : i32
      %sub3A_399 = arith.constant 6 : i32
      %sub3A_400 = arith.subi %add3A_398, %sub3A_399 : i32
      %mul3A_401 = arith.constant 128 : i32
      %mul3A_402 = arith.muli %sub3A_400, %mul3A_401 : i32
      %dma_wait3A_403 = arith.constant 2 : i32
      %dma_wait3A_404 = arith.constant 0 : i32
      %dma_wait3A_405 = arith.constant 0 : i32
      %dma_wait3A_406 = tpu.memref_slice %arg8[%dma_wait3A_403, %dma_wait3A_404, %dma_wait3A_405] : memref<6x128x32xf32, #tpu.memory_space<vmem>> -> memref<1x128x32xf32, #tpu.memory_space<vmem>>
      %dma_wait3A_407 = tpu.memref_squeeze %dma_wait3A_406 : memref<1x128x32xf32, #tpu.memory_space<vmem>> -> memref<128x32xf32, #tpu.memory_space<vmem>>
      %dma_wait3A_408 = tpu.memref_slice %arg7[%mul3A_402] : memref<10000xi32, #tpu.memory_space<vmem>> -> memref<128xi32, #tpu.memory_space<vmem>>
      %dma_wait3A_409 = arith.constant 0 : i32
      %dma_wait3A_410 = arith.constant 0 : i32
      %dma_wait3A_411 = tpu.memref_slice %arg9[%dma_wait3A_409, %dma_wait3A_410] : memref<10240x32xf32, #tpu.memory_space<vmem_shared>> -> memref<10240x32xf32, #tpu.memory_space<vmem_shared>>
      tpu.wait_indirect_dma semaphore(%arg18 : memref<!tpu.dma_semaphore, #tpu.memory_space<semaphore_mem>>) src(%dma_wait3A_407 : memref<128x32xf32, #tpu.memory_space<vmem>>) dst(%dma_wait3A_411 : memref<10240x32xf32, #tpu.memory_space<vmem_shared>>)
      %add3A_412 = arith.constant 1 : i32
      %add3A_413 = arith.addi %add3A_396, %add3A_412 : i32
      %mul3A_414 = arith.constant 128 : i32
      %mul3A_415 = arith.muli %add3A_413, %mul3A_414 : i32
      %dma_start3A_416 = arith.constant 2 : i32
      %dma_start3A_417 = arith.constant 0 : i32
      %dma_start3A_418 = arith.constant 0 : i32
      %dma_start3A_419 = tpu.memref_slice %arg8[%dma_start3A_416, %dma_start3A_417, %dma_start3A_418] : memref<6x128x32xf32, #tpu.memory_space<vmem>> -> memref<1x128x32xf32, #tpu.memory_space<vmem>>
      %dma_start3A_420 = tpu.memref_squeeze %dma_start3A_419 : memref<1x128x32xf32, #tpu.memory_space<vmem>> -> memref<128x32xf32, #tpu.memory_space<vmem>>
      %dma_start3A_421 = tpu.memref_slice %arg6[%mul3A_415] : memref<10000xi32, #tpu.memory_space<vmem>> -> memref<128xi32, #tpu.memory_space<vmem>>
      %dma_start3A_422 = arith.constant 0 : i32
      %dma_start3A_423 = arith.constant 0 : i32
      %dma_start3A_424 = tpu.memref_slice %arg2[%dma_start3A_422, %dma_start3A_423] : memref<10000x32xf32, #tpu.memory_space<hbm>> -> memref<10000x32xf32, #tpu.memory_space<hbm>>
      tpu.enqueue_indirect_dma source(%dma_start3A_424 : memref<10000x32xf32, #tpu.memory_space<hbm>>) target(%dma_start3A_420 : memref<128x32xf32, #tpu.memory_space<vmem>>) offsets(%dma_start3A_421 : memref<128xi32, #tpu.memory_space<vmem>>) semaphore(%arg12 : memref<!tpu.dma_semaphore, #tpu.memory_space<semaphore_mem>>)
      %mul3A_425 = arith.constant 128 : i32
      %mul3A_426 = arith.muli %add3A_396, %mul3A_425 : i32
      %dma_wait3A_427 = arith.constant 1 : i32
      %dma_wait3A_428 = arith.constant 0 : i32
      %dma_wait3A_429 = arith.constant 0 : i32
      %dma_wait3A_430 = tpu.memref_slice %arg8[%dma_wait3A_427, %dma_wait3A_428, %dma_wait3A_429] : memref<6x128x32xf32, #tpu.memory_space<vmem>> -> memref<1x128x32xf32, #tpu.memory_space<vmem>>
      %dma_wait3A_431 = tpu.memref_squeeze %dma_wait3A_430 : memref<1x128x32xf32, #tpu.memory_space<vmem>> -> memref<128x32xf32, #tpu.memory_space<vmem>>
      %dma_wait3A_432 = tpu.memref_slice %arg6[%mul3A_426] : memref<10000xi32, #tpu.memory_space<vmem>> -> memref<128xi32, #tpu.memory_space<vmem>>
      %dma_wait3A_433 = arith.constant 0 : i32
      %dma_wait3A_434 = arith.constant 0 : i32
      %dma_wait3A_435 = tpu.memref_slice %arg2[%dma_wait3A_433, %dma_wait3A_434] : memref<10000x32xf32, #tpu.memory_space<hbm>> -> memref<10000x32xf32, #tpu.memory_space<hbm>>
      tpu.wait_indirect_dma semaphore(%arg11 : memref<!tpu.dma_semaphore, #tpu.memory_space<semaphore_mem>>) src(%dma_wait3A_435 : memref<10000x32xf32, #tpu.memory_space<hbm>>) dst(%dma_wait3A_431 : memref<128x32xf32, #tpu.memory_space<vmem>>)
      %mul3A_436 = arith.constant 128 : i32
      %mul3A_437 = arith.muli %add3A_396, %mul3A_436 : i32
      %dma_start3A_438 = arith.constant 1 : i32
      %dma_start3A_439 = arith.constant 0 : i32
      %dma_start3A_440 = arith.constant 0 : i32
      %dma_start3A_441 = tpu.memref_slice %arg8[%dma_start3A_438, %dma_start3A_439, %dma_start3A_440] : memref<6x128x32xf32, #tpu.memory_space<vmem>> -> memref<1x128x32xf32, #tpu.memory_space<vmem>>
      %dma_start3A_442 = tpu.memref_squeeze %dma_start3A_441 : memref<1x128x32xf32, #tpu.memory_space<vmem>> -> memref<128x32xf32, #tpu.memory_space<vmem>>
      %dma_start3A_443 = tpu.memref_slice %arg7[%mul3A_437] : memref<10000xi32, #tpu.memory_space<vmem>> -> memref<128xi32, #tpu.memory_space<vmem>>
      %dma_start3A_444 = arith.constant 0 : i32
      %dma_start3A_445 = arith.constant 0 : i32
      %dma_start3A_446 = tpu.memref_slice %arg9[%dma_start3A_444, %dma_start3A_445] : memref<10240x32xf32, #tpu.memory_space<vmem_shared>> -> memref<10240x32xf32, #tpu.memory_space<vmem_shared>>
      tpu.enqueue_indirect_dma source(%dma_start3A_442 : memref<128x32xf32, #tpu.memory_space<vmem>>) target(%dma_start3A_446 : memref<10240x32xf32, #tpu.memory_space<vmem_shared>>) offsets(%dma_start3A_443 : memref<128xi32, #tpu.memory_space<vmem>>) semaphore(%arg17 : memref<!tpu.dma_semaphore, #tpu.memory_space<semaphore_mem>>) {add = true}
      %mul3A_447 = arith.constant 6 : i32
      %mul3A_448 = arith.muli %add3A_279, %mul3A_447 : i32
      %add3A_449 = arith.constant 5 : i32
      %add3A_450 = arith.addi %add3A_449, %mul3A_448 : i32
      %add3A_451 = arith.constant 3 : i32
      %add3A_452 = arith.addi %add3A_450, %add3A_451 : i32
      %add3A_453 = arith.constant 1 : i32
      %add3A_454 = arith.addi %add3A_452, %add3A_453 : i32
      %sub3A_455 = arith.constant 6 : i32
      %sub3A_456 = arith.subi %add3A_454, %sub3A_455 : i32
      %mul3A_457 = arith.constant 128 : i32
      %mul3A_458 = arith.muli %sub3A_456, %mul3A_457 : i32
      %dma_wait3A_459 = arith.constant 3 : i32
      %dma_wait3A_460 = arith.constant 0 : i32
      %dma_wait3A_461 = arith.constant 0 : i32
      %dma_wait3A_462 = tpu.memref_slice %arg8[%dma_wait3A_459, %dma_wait3A_460, %dma_wait3A_461] : memref<6x128x32xf32, #tpu.memory_space<vmem>> -> memref<1x128x32xf32, #tpu.memory_space<vmem>>
      %dma_wait3A_463 = tpu.memref_squeeze %dma_wait3A_462 : memref<1x128x32xf32, #tpu.memory_space<vmem>> -> memref<128x32xf32, #tpu.memory_space<vmem>>
      %dma_wait3A_464 = tpu.memref_slice %arg7[%mul3A_458] : memref<10000xi32, #tpu.memory_space<vmem>> -> memref<128xi32, #tpu.memory_space<vmem>>
      %dma_wait3A_465 = arith.constant 0 : i32
      %dma_wait3A_466 = arith.constant 0 : i32
      %dma_wait3A_467 = tpu.memref_slice %arg9[%dma_wait3A_465, %dma_wait3A_466] : memref<10240x32xf32, #tpu.memory_space<vmem_shared>> -> memref<10240x32xf32, #tpu.memory_space<vmem_shared>>
      tpu.wait_indirect_dma semaphore(%arg19 : memref<!tpu.dma_semaphore, #tpu.memory_space<semaphore_mem>>) src(%dma_wait3A_463 : memref<128x32xf32, #tpu.memory_space<vmem>>) dst(%dma_wait3A_467 : memref<10240x32xf32, #tpu.memory_space<vmem_shared>>)
      %add3A_468 = arith.constant 1 : i32
      %add3A_469 = arith.addi %add3A_452, %add3A_468 : i32
      %mul3A_470 = arith.constant 128 : i32
      %mul3A_471 = arith.muli %add3A_469, %mul3A_470 : i32
      %dma_start3A_472 = arith.constant 3 : i32
      %dma_start3A_473 = arith.constant 0 : i32
      %dma_start3A_474 = arith.constant 0 : i32
      %dma_start3A_475 = tpu.memref_slice %arg8[%dma_start3A_472, %dma_start3A_473, %dma_start3A_474] : memref<6x128x32xf32, #tpu.memory_space<vmem>> -> memref<1x128x32xf32, #tpu.memory_space<vmem>>
      %dma_start3A_476 = tpu.memref_squeeze %dma_start3A_475 : memref<1x128x32xf32, #tpu.memory_space<vmem>> -> memref<128x32xf32, #tpu.memory_space<vmem>>
      %dma_start3A_477 = tpu.memref_slice %arg6[%mul3A_471] : memref<10000xi32, #tpu.memory_space<vmem>> -> memref<128xi32, #tpu.memory_space<vmem>>
      %dma_start3A_478 = arith.constant 0 : i32
      %dma_start3A_479 = arith.constant 0 : i32
      %dma_start3A_480 = tpu.memref_slice %arg2[%dma_start3A_478, %dma_start3A_479] : memref<10000x32xf32, #tpu.memory_space<hbm>> -> memref<10000x32xf32, #tpu.memory_space<hbm>>
      tpu.enqueue_indirect_dma source(%dma_start3A_480 : memref<10000x32xf32, #tpu.memory_space<hbm>>) target(%dma_start3A_476 : memref<128x32xf32, #tpu.memory_space<vmem>>) offsets(%dma_start3A_477 : memref<128xi32, #tpu.memory_space<vmem>>) semaphore(%arg13 : memref<!tpu.dma_semaphore, #tpu.memory_space<semaphore_mem>>)
      %mul3A_481 = arith.constant 128 : i32
      %mul3A_482 = arith.muli %add3A_452, %mul3A_481 : i32
      %dma_wait3A_483 = arith.constant 2 : i32
      %dma_wait3A_484 = arith.constant 0 : i32
      %dma_wait3A_485 = arith.constant 0 : i32
      %dma_wait3A_486 = tpu.memref_slice %arg8[%dma_wait3A_483, %dma_wait3A_484, %dma_wait3A_485] : memref<6x128x32xf32, #tpu.memory_space<vmem>> -> memref<1x128x32xf32, #tpu.memory_space<vmem>>
      %dma_wait3A_487 = tpu.memref_squeeze %dma_wait3A_486 : memref<1x128x32xf32, #tpu.memory_space<vmem>> -> memref<128x32xf32, #tpu.memory_space<vmem>>
      %dma_wait3A_488 = tpu.memref_slice %arg6[%mul3A_482] : memref<10000xi32, #tpu.memory_space<vmem>> -> memref<128xi32, #tpu.memory_space<vmem>>
      %dma_wait3A_489 = arith.constant 0 : i32
      %dma_wait3A_490 = arith.constant 0 : i32
      %dma_wait3A_491 = tpu.memref_slice %arg2[%dma_wait3A_489, %dma_wait3A_490] : memref<10000x32xf32, #tpu.memory_space<hbm>> -> memref<10000x32xf32, #tpu.memory_space<hbm>>
      tpu.wait_indirect_dma semaphore(%arg12 : memref<!tpu.dma_semaphore, #tpu.memory_space<semaphore_mem>>) src(%dma_wait3A_491 : memref<10000x32xf32, #tpu.memory_space<hbm>>) dst(%dma_wait3A_487 : memref<128x32xf32, #tpu.memory_space<vmem>>)
      %mul3A_492 = arith.constant 128 : i32
      %mul3A_493 = arith.muli %add3A_452, %mul3A_492 : i32
      %dma_start3A_494 = arith.constant 2 : i32
      %dma_start3A_495 = arith.constant 0 : i32
      %dma_start3A_496 = arith.constant 0 : i32
      %dma_start3A_497 = tpu.memref_slice %arg8[%dma_start3A_494, %dma_start3A_495, %dma_start3A_496] : memref<6x128x32xf32, #tpu.memory_space<vmem>> -> memref<1x128x32xf32, #tpu.memory_space<vmem>>
      %dma_start3A_498 = tpu.memref_squeeze %dma_start3A_497 : memref<1x128x32xf32, #tpu.memory_space<vmem>> -> memref<128x32xf32, #tpu.memory_space<vmem>>
      %dma_start3A_499 = tpu.memref_slice %arg7[%mul3A_493] : memref<10000xi32, #tpu.memory_space<vmem>> -> memref<128xi32, #tpu.memory_space<vmem>>
      %dma_start3A_500 = arith.constant 0 : i32
      %dma_start3A_501 = arith.constant 0 : i32
      %dma_start3A_502 = tpu.memref_slice %arg9[%dma_start3A_500, %dma_start3A_501] : memref<10240x32xf32, #tpu.memory_space<vmem_shared>> -> memref<10240x32xf32, #tpu.memory_space<vmem_shared>>
      tpu.enqueue_indirect_dma source(%dma_start3A_498 : memref<128x32xf32, #tpu.memory_space<vmem>>) target(%dma_start3A_502 : memref<10240x32xf32, #tpu.memory_space<vmem_shared>>) offsets(%dma_start3A_499 : memref<128xi32, #tpu.memory_space<vmem>>) semaphore(%arg18 : memref<!tpu.dma_semaphore, #tpu.memory_space<semaphore_mem>>) {add = true}
      %mul3A_503 = arith.constant 6 : i32
      %mul3A_504 = arith.muli %add3A_279, %mul3A_503 : i32
      %add3A_505 = arith.constant 5 : i32
      %add3A_506 = arith.addi %add3A_505, %mul3A_504 : i32
      %add3A_507 = arith.constant 4 : i32
      %add3A_508 = arith.addi %add3A_506, %add3A_507 : i32
      %add3A_509 = arith.constant 1 : i32
      %add3A_510 = arith.addi %add3A_508, %add3A_509 : i32
      %sub3A_511 = arith.constant 6 : i32
      %sub3A_512 = arith.subi %add3A_510, %sub3A_511 : i32
      %mul3A_513 = arith.constant 128 : i32
      %mul3A_514 = arith.muli %sub3A_512, %mul3A_513 : i32
      %dma_wait3A_515 = arith.constant 4 : i32
      %dma_wait3A_516 = arith.constant 0 : i32
      %dma_wait3A_517 = arith.constant 0 : i32
      %dma_wait3A_518 = tpu.memref_slice %arg8[%dma_wait3A_515, %dma_wait3A_516, %dma_wait3A_517] : memref<6x128x32xf32, #tpu.memory_space<vmem>> -> memref<1x128x32xf32, #tpu.memory_space<vmem>>
      %dma_wait3A_519 = tpu.memref_squeeze %dma_wait3A_518 : memref<1x128x32xf32, #tpu.memory_space<vmem>> -> memref<128x32xf32, #tpu.memory_space<vmem>>
      %dma_wait3A_520 = tpu.memref_slice %arg7[%mul3A_514] : memref<10000xi32, #tpu.memory_space<vmem>> -> memref<128xi32, #tpu.memory_space<vmem>>
      %dma_wait3A_521 = arith.constant 0 : i32
      %dma_wait3A_522 = arith.constant 0 : i32
      %dma_wait3A_523 = tpu.memref_slice %arg9[%dma_wait3A_521, %dma_wait3A_522] : memref<10240x32xf32, #tpu.memory_space<vmem_shared>> -> memref<10240x32xf32, #tpu.memory_space<vmem_shared>>
      tpu.wait_indirect_dma semaphore(%arg20 : memref<!tpu.dma_semaphore, #tpu.memory_space<semaphore_mem>>) src(%dma_wait3A_519 : memref<128x32xf32, #tpu.memory_space<vmem>>) dst(%dma_wait3A_523 : memref<10240x32xf32, #tpu.memory_space<vmem_shared>>)
      %add3A_524 = arith.constant 1 : i32
      %add3A_525 = arith.addi %add3A_508, %add3A_524 : i32
      %mul3A_526 = arith.constant 128 : i32
      %mul3A_527 = arith.muli %add3A_525, %mul3A_526 : i32
      %dma_start3A_528 = arith.constant 4 : i32
      %dma_start3A_529 = arith.constant 0 : i32
      %dma_start3A_530 = arith.constant 0 : i32
      %dma_start3A_531 = tpu.memref_slice %arg8[%dma_start3A_528, %dma_start3A_529, %dma_start3A_530] : memref<6x128x32xf32, #tpu.memory_space<vmem>> -> memref<1x128x32xf32, #tpu.memory_space<vmem>>
      %dma_start3A_532 = tpu.memref_squeeze %dma_start3A_531 : memref<1x128x32xf32, #tpu.memory_space<vmem>> -> memref<128x32xf32, #tpu.memory_space<vmem>>
      %dma_start3A_533 = tpu.memref_slice %arg6[%mul3A_527] : memref<10000xi32, #tpu.memory_space<vmem>> -> memref<128xi32, #tpu.memory_space<vmem>>
      %dma_start3A_534 = arith.constant 0 : i32
      %dma_start3A_535 = arith.constant 0 : i32
      %dma_start3A_536 = tpu.memref_slice %arg2[%dma_start3A_534, %dma_start3A_535] : memref<10000x32xf32, #tpu.memory_space<hbm>> -> memref<10000x32xf32, #tpu.memory_space<hbm>>
      tpu.enqueue_indirect_dma source(%dma_start3A_536 : memref<10000x32xf32, #tpu.memory_space<hbm>>) target(%dma_start3A_532 : memref<128x32xf32, #tpu.memory_space<vmem>>) offsets(%dma_start3A_533 : memref<128xi32, #tpu.memory_space<vmem>>) semaphore(%arg14 : memref<!tpu.dma_semaphore, #tpu.memory_space<semaphore_mem>>)
      %mul3A_537 = arith.constant 128 : i32
      %mul3A_538 = arith.muli %add3A_508, %mul3A_537 : i32
      %dma_wait3A_539 = arith.constant 3 : i32
      %dma_wait3A_540 = arith.constant 0 : i32
      %dma_wait3A_541 = arith.constant 0 : i32
      %dma_wait3A_542 = tpu.memref_slice %arg8[%dma_wait3A_539, %dma_wait3A_540, %dma_wait3A_541] : memref<6x128x32xf32, #tpu.memory_space<vmem>> -> memref<1x128x32xf32, #tpu.memory_space<vmem>>
      %dma_wait3A_543 = tpu.memref_squeeze %dma_wait3A_542 : memref<1x128x32xf32, #tpu.memory_space<vmem>> -> memref<128x32xf32, #tpu.memory_space<vmem>>
      %dma_wait3A_544 = tpu.memref_slice %arg6[%mul3A_538] : memref<10000xi32, #tpu.memory_space<vmem>> -> memref<128xi32, #tpu.memory_space<vmem>>
      %dma_wait3A_545 = arith.constant 0 : i32
      %dma_wait3A_546 = arith.constant 0 : i32
      %dma_wait3A_547 = tpu.memref_slice %arg2[%dma_wait3A_545, %dma_wait3A_546] : memref<10000x32xf32, #tpu.memory_space<hbm>> -> memref<10000x32xf32, #tpu.memory_space<hbm>>
      tpu.wait_indirect_dma semaphore(%arg13 : memref<!tpu.dma_semaphore, #tpu.memory_space<semaphore_mem>>) src(%dma_wait3A_547 : memref<10000x32xf32, #tpu.memory_space<hbm>>) dst(%dma_wait3A_543 : memref<128x32xf32, #tpu.memory_space<vmem>>)
      %mul3A_548 = arith.constant 128 : i32
      %mul3A_549 = arith.muli %add3A_508, %mul3A_548 : i32
      %dma_start3A_550 = arith.constant 3 : i32
      %dma_start3A_551 = arith.constant 0 : i32
      %dma_start3A_552 = arith.constant 0 : i32
      %dma_start3A_553 = tpu.memref_slice %arg8[%dma_start3A_550, %dma_start3A_551, %dma_start3A_552] : memref<6x128x32xf32, #tpu.memory_space<vmem>> -> memref<1x128x32xf32, #tpu.memory_space<vmem>>
      %dma_start3A_554 = tpu.memref_squeeze %dma_start3A_553 : memref<1x128x32xf32, #tpu.memory_space<vmem>> -> memref<128x32xf32, #tpu.memory_space<vmem>>
      %dma_start3A_555 = tpu.memref_slice %arg7[%mul3A_549] : memref<10000xi32, #tpu.memory_space<vmem>> -> memref<128xi32, #tpu.memory_space<vmem>>
      %dma_start3A_556 = arith.constant 0 : i32
      %dma_start3A_557 = arith.constant 0 : i32
      %dma_start3A_558 = tpu.memref_slice %arg9[%dma_start3A_556, %dma_start3A_557] : memref<10240x32xf32, #tpu.memory_space<vmem_shared>> -> memref<10240x32xf32, #tpu.memory_space<vmem_shared>>
      tpu.enqueue_indirect_dma source(%dma_start3A_554 : memref<128x32xf32, #tpu.memory_space<vmem>>) target(%dma_start3A_558 : memref<10240x32xf32, #tpu.memory_space<vmem_shared>>) offsets(%dma_start3A_555 : memref<128xi32, #tpu.memory_space<vmem>>) semaphore(%arg19 : memref<!tpu.dma_semaphore, #tpu.memory_space<semaphore_mem>>) {add = true}
      %mul3A_559 = arith.constant 6 : i32
      %mul3A_560 = arith.muli %add3A_279, %mul3A_559 : i32
      %add3A_561 = arith.constant 5 : i32
      %add3A_562 = arith.addi %add3A_561, %mul3A_560 : i32
      %add3A_563 = arith.constant 5 : i32
      %add3A_564 = arith.addi %add3A_562, %add3A_563 : i32
      %add3A_565 = arith.constant 1 : i32
      %add3A_566 = arith.addi %add3A_564, %add3A_565 : i32
      %sub3A_567 = arith.constant 6 : i32
      %sub3A_568 = arith.subi %add3A_566, %sub3A_567 : i32
      %mul3A_569 = arith.constant 128 : i32
      %mul3A_570 = arith.muli %sub3A_568, %mul3A_569 : i32
      %dma_wait3A_571 = arith.constant 5 : i32
      %dma_wait3A_572 = arith.constant 0 : i32
      %dma_wait3A_573 = arith.constant 0 : i32
      %dma_wait3A_574 = tpu.memref_slice %arg8[%dma_wait3A_571, %dma_wait3A_572, %dma_wait3A_573] : memref<6x128x32xf32, #tpu.memory_space<vmem>> -> memref<1x128x32xf32, #tpu.memory_space<vmem>>
      %dma_wait3A_575 = tpu.memref_squeeze %dma_wait3A_574 : memref<1x128x32xf32, #tpu.memory_space<vmem>> -> memref<128x32xf32, #tpu.memory_space<vmem>>
      %dma_wait3A_576 = tpu.memref_slice %arg7[%mul3A_570] : memref<10000xi32, #tpu.memory_space<vmem>> -> memref<128xi32, #tpu.memory_space<vmem>>
      %dma_wait3A_577 = arith.constant 0 : i32
      %dma_wait3A_578 = arith.constant 0 : i32
      %dma_wait3A_579 = tpu.memref_slice %arg9[%dma_wait3A_577, %dma_wait3A_578] : memref<10240x32xf32, #tpu.memory_space<vmem_shared>> -> memref<10240x32xf32, #tpu.memory_space<vmem_shared>>
      tpu.wait_indirect_dma semaphore(%arg21 : memref<!tpu.dma_semaphore, #tpu.memory_space<semaphore_mem>>) src(%dma_wait3A_575 : memref<128x32xf32, #tpu.memory_space<vmem>>) dst(%dma_wait3A_579 : memref<10240x32xf32, #tpu.memory_space<vmem_shared>>)
      %add3A_580 = arith.constant 1 : i32
      %add3A_581 = arith.addi %add3A_564, %add3A_580 : i32
      %mul3A_582 = arith.constant 128 : i32
      %mul3A_583 = arith.muli %add3A_581, %mul3A_582 : i32
      %dma_start3A_584 = arith.constant 5 : i32
      %dma_start3A_585 = arith.constant 0 : i32
      %dma_start3A_586 = arith.constant 0 : i32
      %dma_start3A_587 = tpu.memref_slice %arg8[%dma_start3A_584, %dma_start3A_585, %dma_start3A_586] : memref<6x128x32xf32, #tpu.memory_space<vmem>> -> memref<1x128x32xf32, #tpu.memory_space<vmem>>
      %dma_start3A_588 = tpu.memref_squeeze %dma_start3A_587 : memref<1x128x32xf32, #tpu.memory_space<vmem>> -> memref<128x32xf32, #tpu.memory_space<vmem>>
      %dma_start3A_589 = tpu.memref_slice %arg6[%mul3A_583] : memref<10000xi32, #tpu.memory_space<vmem>> -> memref<128xi32, #tpu.memory_space<vmem>>
      %dma_start3A_590 = arith.constant 0 : i32
      %dma_start3A_591 = arith.constant 0 : i32
      %dma_start3A_592 = tpu.memref_slice %arg2[%dma_start3A_590, %dma_start3A_591] : memref<10000x32xf32, #tpu.memory_space<hbm>> -> memref<10000x32xf32, #tpu.memory_space<hbm>>
      tpu.enqueue_indirect_dma source(%dma_start3A_592 : memref<10000x32xf32, #tpu.memory_space<hbm>>) target(%dma_start3A_588 : memref<128x32xf32, #tpu.memory_space<vmem>>) offsets(%dma_start3A_589 : memref<128xi32, #tpu.memory_space<vmem>>) semaphore(%arg15 : memref<!tpu.dma_semaphore, #tpu.memory_space<semaphore_mem>>)
      %mul3A_593 = arith.constant 128 : i32
      %mul3A_594 = arith.muli %add3A_564, %mul3A_593 : i32
      %dma_wait3A_595 = arith.constant 4 : i32
      %dma_wait3A_596 = arith.constant 0 : i32
      %dma_wait3A_597 = arith.constant 0 : i32
      %dma_wait3A_598 = tpu.memref_slice %arg8[%dma_wait3A_595, %dma_wait3A_596, %dma_wait3A_597] : memref<6x128x32xf32, #tpu.memory_space<vmem>> -> memref<1x128x32xf32, #tpu.memory_space<vmem>>
      %dma_wait3A_599 = tpu.memref_squeeze %dma_wait3A_598 : memref<1x128x32xf32, #tpu.memory_space<vmem>> -> memref<128x32xf32, #tpu.memory_space<vmem>>
      %dma_wait3A_600 = tpu.memref_slice %arg6[%mul3A_594] : memref<10000xi32, #tpu.memory_space<vmem>> -> memref<128xi32, #tpu.memory_space<vmem>>
      %dma_wait3A_601 = arith.constant 0 : i32
      %dma_wait3A_602 = arith.constant 0 : i32
      %dma_wait3A_603 = tpu.memref_slice %arg2[%dma_wait3A_601, %dma_wait3A_602] : memref<10000x32xf32, #tpu.memory_space<hbm>> -> memref<10000x32xf32, #tpu.memory_space<hbm>>
      tpu.wait_indirect_dma semaphore(%arg14 : memref<!tpu.dma_semaphore, #tpu.memory_space<semaphore_mem>>) src(%dma_wait3A_603 : memref<10000x32xf32, #tpu.memory_space<hbm>>) dst(%dma_wait3A_599 : memref<128x32xf32, #tpu.memory_space<vmem>>)
      %mul3A_604 = arith.constant 128 : i32
      %mul3A_605 = arith.muli %add3A_564, %mul3A_604 : i32
      %dma_start3A_606 = arith.constant 4 : i32
      %dma_start3A_607 = arith.constant 0 : i32
      %dma_start3A_608 = arith.constant 0 : i32
      %dma_start3A_609 = tpu.memref_slice %arg8[%dma_start3A_606, %dma_start3A_607, %dma_start3A_608] : memref<6x128x32xf32, #tpu.memory_space<vmem>> -> memref<1x128x32xf32, #tpu.memory_space<vmem>>
      %dma_start3A_610 = tpu.memref_squeeze %dma_start3A_609 : memref<1x128x32xf32, #tpu.memory_space<vmem>> -> memref<128x32xf32, #tpu.memory_space<vmem>>
      %dma_start3A_611 = tpu.memref_slice %arg7[%mul3A_605] : memref<10000xi32, #tpu.memory_space<vmem>> -> memref<128xi32, #tpu.memory_space<vmem>>
      %dma_start3A_612 = arith.constant 0 : i32
      %dma_start3A_613 = arith.constant 0 : i32
      %dma_start3A_614 = tpu.memref_slice %arg9[%dma_start3A_612, %dma_start3A_613] : memref<10240x32xf32, #tpu.memory_space<vmem_shared>> -> memref<10240x32xf32, #tpu.memory_space<vmem_shared>>
      tpu.enqueue_indirect_dma source(%dma_start3A_610 : memref<128x32xf32, #tpu.memory_space<vmem>>) target(%dma_start3A_614 : memref<10240x32xf32, #tpu.memory_space<vmem_shared>>) offsets(%dma_start3A_611 : memref<128xi32, #tpu.memory_space<vmem>>) semaphore(%arg20 : memref<!tpu.dma_semaphore, #tpu.memory_space<semaphore_mem>>) {add = true}
    }
    %scan3A_169 = arith.constant 12 : i32
    %dma_wait3A_170 = arith.constant 5 : i32
    %dma_wait3A_171 = arith.constant 0 : i32
    %dma_wait3A_172 = arith.constant 0 : i32
    %dma_wait3A_173 = tpu.memref_slice %arg8[%dma_wait3A_170, %dma_wait3A_171, %dma_wait3A_172] : memref<6x128x32xf32, #tpu.memory_space<vmem>> -> memref<1x128x32xf32, #tpu.memory_space<vmem>>
    %dma_wait3A_174 = tpu.memref_squeeze %dma_wait3A_173 : memref<1x128x32xf32, #tpu.memory_space<vmem>> -> memref<128x32xf32, #tpu.memory_space<vmem>>
    %dma_wait3A_175 = arith.constant 9856 : i32
    %dma_wait3A_176 = tpu.memref_slice %arg6[%dma_wait3A_175] : memref<10000xi32, #tpu.memory_space<vmem>> -> memref<128xi32, #tpu.memory_space<vmem>>
    %dma_wait3A_177 = arith.constant 0 : i32
    %dma_wait3A_178 = arith.constant 0 : i32
    %dma_wait3A_179 = tpu.memref_slice %arg2[%dma_wait3A_177, %dma_wait3A_178] : memref<10000x32xf32, #tpu.memory_space<hbm>> -> memref<10000x32xf32, #tpu.memory_space<hbm>>
    tpu.wait_indirect_dma semaphore(%arg15 : memref<!tpu.dma_semaphore, #tpu.memory_space<semaphore_mem>>) src(%dma_wait3A_179 : memref<10000x32xf32, #tpu.memory_space<hbm>>) dst(%dma_wait3A_174 : memref<128x32xf32, #tpu.memory_space<vmem>>)
    %dma_start3A_180 = arith.constant 5 : i32
    %dma_start3A_181 = arith.constant 0 : i32
    %dma_start3A_182 = arith.constant 0 : i32
    %dma_start3A_183 = tpu.memref_slice %arg8[%dma_start3A_180, %dma_start3A_181, %dma_start3A_182] : memref<6x128x32xf32, #tpu.memory_space<vmem>> -> memref<1x128x32xf32, #tpu.memory_space<vmem>>
    %dma_start3A_184 = tpu.memref_squeeze %dma_start3A_183 : memref<1x128x32xf32, #tpu.memory_space<vmem>> -> memref<128x32xf32, #tpu.memory_space<vmem>>
    %dma_start3A_185 = arith.constant 9856 : i32
    %dma_start3A_186 = tpu.memref_slice %arg7[%dma_start3A_185] : memref<10000xi32, #tpu.memory_space<vmem>> -> memref<128xi32, #tpu.memory_space<vmem>>
    %dma_start3A_187 = arith.constant 0 : i32
    %dma_start3A_188 = arith.constant 0 : i32
    %dma_start3A_189 = tpu.memref_slice %arg9[%dma_start3A_187, %dma_start3A_188] : memref<10240x32xf32, #tpu.memory_space<vmem_shared>> -> memref<10240x32xf32, #tpu.memory_space<vmem_shared>>
    tpu.enqueue_indirect_dma source(%dma_start3A_184 : memref<128x32xf32, #tpu.memory_space<vmem>>) target(%dma_start3A_189 : memref<10240x32xf32, #tpu.memory_space<vmem_shared>>) offsets(%dma_start3A_186 : memref<128xi32, #tpu.memory_space<vmem>>) semaphore(%arg21 : memref<!tpu.dma_semaphore, #tpu.memory_space<semaphore_mem>>) {add = true}
    %dma_wait3A_190 = arith.constant 0 : i32
    %dma_wait3A_191 = arith.constant 0 : i32
    %dma_wait3A_192 = arith.constant 0 : i32
    %dma_wait3A_193 = tpu.memref_slice %arg8[%dma_wait3A_190, %dma_wait3A_191, %dma_wait3A_192] : memref<6x128x32xf32, #tpu.memory_space<vmem>> -> memref<1x128x32xf32, #tpu.memory_space<vmem>>
    %dma_wait3A_194 = tpu.memref_squeeze %dma_wait3A_193 : memref<1x128x32xf32, #tpu.memory_space<vmem>> -> memref<128x32xf32, #tpu.memory_space<vmem>>
    %dma_wait3A_195 = arith.constant 9216 : i32
    %dma_wait3A_196 = tpu.memref_slice %arg7[%dma_wait3A_195] : memref<10000xi32, #tpu.memory_space<vmem>> -> memref<128xi32, #tpu.memory_space<vmem>>
    %dma_wait3A_197 = arith.constant 0 : i32
    %dma_wait3A_198 = arith.constant 0 : i32
    %dma_wait3A_199 = tpu.memref_slice %arg9[%dma_wait3A_197, %dma_wait3A_198] : memref<10240x32xf32, #tpu.memory_space<vmem_shared>> -> memref<10240x32xf32, #tpu.memory_space<vmem_shared>>
    tpu.wait_indirect_dma semaphore(%arg16 : memref<!tpu.dma_semaphore, #tpu.memory_space<semaphore_mem>>) src(%dma_wait3A_194 : memref<128x32xf32, #tpu.memory_space<vmem>>) dst(%dma_wait3A_199 : memref<10240x32xf32, #tpu.memory_space<vmem_shared>>)
    %dma_start3A_200 = arith.constant 0 : i32
    %dma_start3A_201 = arith.constant 0 : i32
    %dma_start3A_202 = arith.constant 0 : i32
    %dma_start3A_203 = tpu.memref_slice %arg8[%dma_start3A_200, %dma_start3A_201, %dma_start3A_202] : memref<6x128x32xf32, #tpu.memory_space<vmem>> -> memref<1x16x32xf32, #tpu.memory_space<vmem>>
    %dma_start3A_204 = tpu.memref_squeeze %dma_start3A_203 : memref<1x16x32xf32, #tpu.memory_space<vmem>> -> memref<16x32xf32, #tpu.memory_space<vmem>>
    %dma_start3A_205 = arith.constant 9984 : i32
    %dma_start3A_206 = tpu.memref_slice %arg6[%dma_start3A_205] : memref<10000xi32, #tpu.memory_space<vmem>> -> memref<16xi32, #tpu.memory_space<vmem>>
    %dma_start3A_207 = arith.constant 0 : i32
    %dma_start3A_208 = arith.constant 0 : i32
    %dma_start3A_209 = tpu.memref_slice %arg2[%dma_start3A_207, %dma_start3A_208] : memref<10000x32xf32, #tpu.memory_space<hbm>> -> memref<10000x32xf32, #tpu.memory_space<hbm>>
    tpu.enqueue_indirect_dma source(%dma_start3A_209 : memref<10000x32xf32, #tpu.memory_space<hbm>>) target(%dma_start3A_204 : memref<16x32xf32, #tpu.memory_space<vmem>>) offsets(%dma_start3A_206 : memref<16xi32, #tpu.memory_space<vmem>>) semaphore(%arg22 : memref<!tpu.dma_semaphore, #tpu.memory_space<semaphore_mem>>)
    %dma_wait3A_210 = arith.constant 1 : i32
    %dma_wait3A_211 = arith.constant 0 : i32
    %dma_wait3A_212 = arith.constant 0 : i32
    %dma_wait3A_213 = tpu.memref_slice %arg8[%dma_wait3A_210, %dma_wait3A_211, %dma_wait3A_212] : memref<6x128x32xf32, #tpu.memory_space<vmem>> -> memref<1x128x32xf32, #tpu.memory_space<vmem>>
    %dma_wait3A_214 = tpu.memref_squeeze %dma_wait3A_213 : memref<1x128x32xf32, #tpu.memory_space<vmem>> -> memref<128x32xf32, #tpu.memory_space<vmem>>
    %dma_wait3A_215 = arith.constant 9344 : i32
    %dma_wait3A_216 = tpu.memref_slice %arg7[%dma_wait3A_215] : memref<10000xi32, #tpu.memory_space<vmem>> -> memref<128xi32, #tpu.memory_space<vmem>>
    %dma_wait3A_217 = arith.constant 0 : i32
    %dma_wait3A_218 = arith.constant 0 : i32
    %dma_wait3A_219 = tpu.memref_slice %arg9[%dma_wait3A_217, %dma_wait3A_218] : memref<10240x32xf32, #tpu.memory_space<vmem_shared>> -> memref<10240x32xf32, #tpu.memory_space<vmem_shared>>
    tpu.wait_indirect_dma semaphore(%arg17 : memref<!tpu.dma_semaphore, #tpu.memory_space<semaphore_mem>>) src(%dma_wait3A_214 : memref<128x32xf32, #tpu.memory_space<vmem>>) dst(%dma_wait3A_219 : memref<10240x32xf32, #tpu.memory_space<vmem_shared>>)
    %dma_wait3A_220 = arith.constant 2 : i32
    %dma_wait3A_221 = arith.constant 0 : i32
    %dma_wait3A_222 = arith.constant 0 : i32
    %dma_wait3A_223 = tpu.memref_slice %arg8[%dma_wait3A_220, %dma_wait3A_221, %dma_wait3A_222] : memref<6x128x32xf32, #tpu.memory_space<vmem>> -> memref<1x128x32xf32, #tpu.memory_space<vmem>>
    %dma_wait3A_224 = tpu.memref_squeeze %dma_wait3A_223 : memref<1x128x32xf32, #tpu.memory_space<vmem>> -> memref<128x32xf32, #tpu.memory_space<vmem>>
    %dma_wait3A_225 = arith.constant 9472 : i32
    %dma_wait3A_226 = tpu.memref_slice %arg7[%dma_wait3A_225] : memref<10000xi32, #tpu.memory_space<vmem>> -> memref<128xi32, #tpu.memory_space<vmem>>
    %dma_wait3A_227 = arith.constant 0 : i32
    %dma_wait3A_228 = arith.constant 0 : i32
    %dma_wait3A_229 = tpu.memref_slice %arg9[%dma_wait3A_227, %dma_wait3A_228] : memref<10240x32xf32, #tpu.memory_space<vmem_shared>> -> memref<10240x32xf32, #tpu.memory_space<vmem_shared>>
    tpu.wait_indirect_dma semaphore(%arg18 : memref<!tpu.dma_semaphore, #tpu.memory_space<semaphore_mem>>) src(%dma_wait3A_224 : memref<128x32xf32, #tpu.memory_space<vmem>>) dst(%dma_wait3A_229 : memref<10240x32xf32, #tpu.memory_space<vmem_shared>>)
    %dma_wait3A_230 = arith.constant 3 : i32
    %dma_wait3A_231 = arith.constant 0 : i32
    %dma_wait3A_232 = arith.constant 0 : i32
    %dma_wait3A_233 = tpu.memref_slice %arg8[%dma_wait3A_230, %dma_wait3A_231, %dma_wait3A_232] : memref<6x128x32xf32, #tpu.memory_space<vmem>> -> memref<1x128x32xf32, #tpu.memory_space<vmem>>
    %dma_wait3A_234 = tpu.memref_squeeze %dma_wait3A_233 : memref<1x128x32xf32, #tpu.memory_space<vmem>> -> memref<128x32xf32, #tpu.memory_space<vmem>>
    %dma_wait3A_235 = arith.constant 9600 : i32
    %dma_wait3A_236 = tpu.memref_slice %arg7[%dma_wait3A_235] : memref<10000xi32, #tpu.memory_space<vmem>> -> memref<128xi32, #tpu.memory_space<vmem>>
    %dma_wait3A_237 = arith.constant 0 : i32
    %dma_wait3A_238 = arith.constant 0 : i32
    %dma_wait3A_239 = tpu.memref_slice %arg9[%dma_wait3A_237, %dma_wait3A_238] : memref<10240x32xf32, #tpu.memory_space<vmem_shared>> -> memref<10240x32xf32, #tpu.memory_space<vmem_shared>>
    tpu.wait_indirect_dma semaphore(%arg19 : memref<!tpu.dma_semaphore, #tpu.memory_space<semaphore_mem>>) src(%dma_wait3A_234 : memref<128x32xf32, #tpu.memory_space<vmem>>) dst(%dma_wait3A_239 : memref<10240x32xf32, #tpu.memory_space<vmem_shared>>)
    %dma_wait3A_240 = arith.constant 4 : i32
    %dma_wait3A_241 = arith.constant 0 : i32
    %dma_wait3A_242 = arith.constant 0 : i32
    %dma_wait3A_243 = tpu.memref_slice %arg8[%dma_wait3A_240, %dma_wait3A_241, %dma_wait3A_242] : memref<6x128x32xf32, #tpu.memory_space<vmem>> -> memref<1x128x32xf32, #tpu.memory_space<vmem>>
    %dma_wait3A_244 = tpu.memref_squeeze %dma_wait3A_243 : memref<1x128x32xf32, #tpu.memory_space<vmem>> -> memref<128x32xf32, #tpu.memory_space<vmem>>
    %dma_wait3A_245 = arith.constant 9728 : i32
    %dma_wait3A_246 = tpu.memref_slice %arg7[%dma_wait3A_245] : memref<10000xi32, #tpu.memory_space<vmem>> -> memref<128xi32, #tpu.memory_space<vmem>>
    %dma_wait3A_247 = arith.constant 0 : i32
    %dma_wait3A_248 = arith.constant 0 : i32
    %dma_wait3A_249 = tpu.memref_slice %arg9[%dma_wait3A_247, %dma_wait3A_248] : memref<10240x32xf32, #tpu.memory_space<vmem_shared>> -> memref<10240x32xf32, #tpu.memory_space<vmem_shared>>
    tpu.wait_indirect_dma semaphore(%arg20 : memref<!tpu.dma_semaphore, #tpu.memory_space<semaphore_mem>>) src(%dma_wait3A_244 : memref<128x32xf32, #tpu.memory_space<vmem>>) dst(%dma_wait3A_249 : memref<10240x32xf32, #tpu.memory_space<vmem_shared>>)
    %dma_wait3A_250 = arith.constant 5 : i32
    %dma_wait3A_251 = arith.constant 0 : i32
    %dma_wait3A_252 = arith.constant 0 : i32
    %dma_wait3A_253 = tpu.memref_slice %arg8[%dma_wait3A_250, %dma_wait3A_251, %dma_wait3A_252] : memref<6x128x32xf32, #tpu.memory_space<vmem>> -> memref<1x128x32xf32, #tpu.memory_space<vmem>>
    %dma_wait3A_254 = tpu.memref_squeeze %dma_wait3A_253 : memref<1x128x32xf32, #tpu.memory_space<vmem>> -> memref<128x32xf32, #tpu.memory_space<vmem>>
    %dma_wait3A_255 = arith.constant 9856 : i32
    %dma_wait3A_256 = tpu.memref_slice %arg7[%dma_wait3A_255] : memref<10000xi32, #tpu.memory_space<vmem>> -> memref<128xi32, #tpu.memory_space<vmem>>
    %dma_wait3A_257 = arith.constant 0 : i32
    %dma_wait3A_258 = arith.constant 0 : i32
    %dma_wait3A_259 = tpu.memref_slice %arg9[%dma_wait3A_257, %dma_wait3A_258] : memref<10240x32xf32, #tpu.memory_space<vmem_shared>> -> memref<10240x32xf32, #tpu.memory_space<vmem_shared>>
    tpu.wait_indirect_dma semaphore(%arg21 : memref<!tpu.dma_semaphore, #tpu.memory_space<semaphore_mem>>) src(%dma_wait3A_254 : memref<128x32xf32, #tpu.memory_space<vmem>>) dst(%dma_wait3A_259 : memref<10240x32xf32, #tpu.memory_space<vmem_shared>>)
    %dma_wait3A_260 = arith.constant 0 : i32
    %dma_wait3A_261 = arith.constant 0 : i32
    %dma_wait3A_262 = arith.constant 0 : i32
    %dma_wait3A_263 = tpu.memref_slice %arg8[%dma_wait3A_260, %dma_wait3A_261, %dma_wait3A_262] : memref<6x128x32xf32, #tpu.memory_space<vmem>> -> memref<1x16x32xf32, #tpu.memory_space<vmem>>
    %dma_wait3A_264 = tpu.memref_squeeze %dma_wait3A_263 : memref<1x16x32xf32, #tpu.memory_space<vmem>> -> memref<16x32xf32, #tpu.memory_space<vmem>>
    %dma_wait3A_265 = arith.constant 9984 : i32
    %dma_wait3A_266 = tpu.memref_slice %arg6[%dma_wait3A_265] : memref<10000xi32, #tpu.memory_space<vmem>> -> memref<16xi32, #tpu.memory_space<vmem>>
    %dma_wait3A_267 = arith.constant 0 : i32
    %dma_wait3A_268 = arith.constant 0 : i32
    %dma_wait3A_269 = tpu.memref_slice %arg2[%dma_wait3A_267, %dma_wait3A_268] : memref<10000x32xf32, #tpu.memory_space<hbm>> -> memref<10000x32xf32, #tpu.memory_space<hbm>>
    tpu.wait_indirect_dma semaphore(%arg22 : memref<!tpu.dma_semaphore, #tpu.memory_space<semaphore_mem>>) src(%dma_wait3A_269 : memref<10000x32xf32, #tpu.memory_space<hbm>>) dst(%dma_wait3A_264 : memref<16x32xf32, #tpu.memory_space<vmem>>)
    %run_scoped3A_270 = arith.constant 0 : i32
    "tpu.region"() ({
      %run_scoped3A_275 = tpu.sem_alloc : memref<!tpu.dma_semaphore, #tpu.memory_space<semaphore_mem>>
      %dma_start3A_276 = arith.constant 0 : i32
      %dma_start3A_277 = arith.constant 0 : i32
      %dma_start3A_278 = tpu.memref_slice %arg8[%run_scoped3A_270, %dma_start3A_276, %dma_start3A_277] : memref<6x128x32xf32, #tpu.memory_space<vmem>> -> memref<1x16x32xf32, #tpu.memory_space<vmem>>
      %dma_start3A_279 = tpu.memref_squeeze %dma_start3A_278 : memref<1x16x32xf32, #tpu.memory_space<vmem>> -> memref<16x32xf32, #tpu.memory_space<vmem>>
      %dma_start3A_280 = arith.constant 9984 : i32
      %dma_start3A_281 = tpu.memref_slice %arg7[%dma_start3A_280] : memref<10000xi32, #tpu.memory_space<vmem>> -> memref<16xi32, #tpu.memory_space<vmem>>
      %dma_start3A_282 = arith.constant 0 : i32
      %dma_start3A_283 = arith.constant 0 : i32
      %dma_start3A_284 = tpu.memref_slice %arg9[%dma_start3A_282, %dma_start3A_283] : memref<10240x32xf32, #tpu.memory_space<vmem_shared>> -> memref<10240x32xf32, #tpu.memory_space<vmem_shared>>
      tpu.enqueue_indirect_dma source(%dma_start3A_279 : memref<16x32xf32, #tpu.memory_space<vmem>>) target(%dma_start3A_284 : memref<10240x32xf32, #tpu.memory_space<vmem_shared>>) offsets(%dma_start3A_281 : memref<16xi32, #tpu.memory_space<vmem>>) semaphore(%run_scoped3A_275 : memref<!tpu.dma_semaphore, #tpu.memory_space<semaphore_mem>>) {add = true}
      %dma_wait3A_285 = arith.constant 0 : i32
      %dma_wait3A_286 = arith.constant 0 : i32
      %dma_wait3A_287 = tpu.memref_slice %arg8[%run_scoped3A_270, %dma_wait3A_285, %dma_wait3A_286] : memref<6x128x32xf32, #tpu.memory_space<vmem>> -> memref<1x16x32xf32, #tpu.memory_space<vmem>>
      %dma_wait3A_288 = tpu.memref_squeeze %dma_wait3A_287 : memref<1x16x32xf32, #tpu.memory_space<vmem>> -> memref<16x32xf32, #tpu.memory_space<vmem>>
      %dma_wait3A_289 = arith.constant 9984 : i32
      %dma_wait3A_290 = tpu.memref_slice %arg7[%dma_wait3A_289] : memref<10000xi32, #tpu.memory_space<vmem>> -> memref<16xi32, #tpu.memory_space<vmem>>
      %dma_wait3A_291 = arith.constant 0 : i32
      %dma_wait3A_292 = arith.constant 0 : i32
      %dma_wait3A_293 = tpu.memref_slice %arg9[%dma_wait3A_291, %dma_wait3A_292] : memref<10240x32xf32, #tpu.memory_space<vmem_shared>> -> memref<10240x32xf32, #tpu.memory_space<vmem_shared>>
      tpu.wait_indirect_dma semaphore(%run_scoped3A_275 : memref<!tpu.dma_semaphore, #tpu.memory_space<semaphore_mem>>) src(%dma_wait3A_288 : memref<16x32xf32, #tpu.memory_space<vmem>>) dst(%dma_wait3A_293 : memref<10240x32xf32, #tpu.memory_space<vmem_shared>>)
      tpu.yield
    }) : () -> ()
    %barrier3A_271 = arith.constant 0 : index
    tpu.barrier barrier_id(%barrier3A_271)
    %mul3A_272 = arith.constant 10240 : i32
    %mul3A_273 = arith.muli %arg0, %mul3A_272 : i32
    %add3A_274 = arith.addi %mul3A_273, %mul3A_2 : i32
    "tpu.region"() ({
      %run_scoped3A_275 = tpu.sem_alloc : memref<!tpu.dma_semaphore, #tpu.memory_space<semaphore_mem>>
      %dma_start3A_276 = arith.constant 0 : i32
      %dma_start3A_277 = tpu.memref_slice %arg5[%add3A_274, %dma_start3A_276] : memref<20480x32xf32, #tpu.memory_space<hbm>> -> memref<640x32xf32, #tpu.memory_space<hbm>>
      %dma_start3A_278 = arith.constant 0 : i32
      %dma_start3A_279 = tpu.memref_slice %arg9[%mul3A_2, %dma_start3A_278] : memref<10240x32xf32, #tpu.memory_space<vmem_shared>> -> memref<640x32xf32, #tpu.memory_space<vmem_shared>>
      tpu.enqueue_dma source(%dma_start3A_279 : memref<640x32xf32, #tpu.memory_space<vmem_shared>>) target(%dma_start3A_277 : memref<640x32xf32, #tpu.memory_space<hbm>>) target_semaphore(%run_scoped3A_275 : memref<!tpu.dma_semaphore, #tpu.memory_space<semaphore_mem>>)
      %dma_wait3A_280 = arith.constant 0 : i32
      %dma_wait3A_281 = tpu.memref_slice %arg5[%add3A_274, %dma_wait3A_280] : memref<20480x32xf32, #tpu.memory_space<hbm>> -> memref<640x32xf32, #tpu.memory_space<hbm>>
      %dma_wait3A_282 = arith.constant 0 : i32
      %dma_wait3A_283 = tpu.memref_slice %arg9[%mul3A_2, %dma_wait3A_282] : memref<10240x32xf32, #tpu.memory_space<vmem_shared>> -> memref<640x32xf32, #tpu.memory_space<vmem_shared>>
      tpu.wait_dma2 semaphore(%run_scoped3A_275 : memref<!tpu.dma_semaphore, #tpu.memory_space<semaphore_mem>>) src(%dma_wait3A_283 : memref<640x32xf32, #tpu.memory_space<vmem_shared>>) dst(%dma_wait3A_281 : memref<640x32xf32, #tpu.memory_space<hbm>>)
      tpu.yield
    }) : () -> ()
    return
  }
}

#map = affine_map<(d0, d1) -> (0, 0)>
#map1 = affine_map<(d0, d1) -> (0)>
module attributes {stable_mosaic.version = 14 : i64} {
  func.func @histk(%arg0: i32, %arg1: i32, %arg2: memref<2x320000xi32, #tpu.memory_space<hbm>>, %arg3: memref<128x8xf32, #tpu.memory_space<hbm>>, %arg4: memref<10240x8xf32, #tpu.memory_space<hbm>>, %arg5: memref<20480xf32, #tpu.memory_space<hbm>>, %arg6: memref<10000xi32, #tpu.memory_space<vmem>>, %arg7: memref<128x8xf32, #tpu.memory_space<vmem>>, %arg8: memref<640x8xf32, #tpu.memory_space<vmem>>, %arg9: memref<640xf32, #tpu.memory_space<vmem>>, %arg10: memref<10240x8xf32, #tpu.memory_space<vmem_shared>>, %arg11: memref<!tpu.dma_semaphore, #tpu.memory_space<semaphore_mem>>, %arg12: memref<!tpu.dma_semaphore, #tpu.memory_space<semaphore_mem>>, %arg13: memref<!tpu.dma_semaphore, #tpu.memory_space<semaphore_mem>>, %arg14: memref<!tpu.dma_semaphore, #tpu.memory_space<semaphore_mem>>, %arg15: memref<!tpu.dma_semaphore, #tpu.memory_space<semaphore_mem>>, %arg16: memref<!tpu.dma_semaphore, #tpu.memory_space<semaphore_mem>>) attributes {dimension_semantics = [#tpu.dimension_semantics<core_parallel>, #tpu.dimension_semantics<subcore_parallel>], iteration_bounds = array<i64: 2, 16>, scalar_prefetch = 0 : i64, scratch_operands = 11 : i64, tpu.core_type = #tpu.core_type<sc_vector_subcore>, window_params = [{transform_indices = #map}, {transform_indices = #map}, {transform_indices = #map}, {transform_indices = #map1}]} {
    %mul3A = arith.constant 16 : i32
    %mul3A_0 = arith.muli %arg0, %mul3A : i32
    %add3A = arith.addi %mul3A_0, %arg1 : i32
    %mul3A_1 = arith.constant 640 : i32
    %mul3A_2 = arith.muli %arg1, %mul3A_1 : i32
    "tpu.region"() ({
      %run_scoped3A_77 = tpu.sem_alloc : memref<!tpu.dma_semaphore, #tpu.memory_space<semaphore_mem>>
      %dma_start3A_78 = arith.constant 0 : i32
      %dma_start3A_79 = tpu.memref_slice %arg10[%mul3A_2, %dma_start3A_78] : memref<10240x8xf32, #tpu.memory_space<vmem_shared>> -> memref<640x8xf32, #tpu.memory_space<vmem_shared>>
      %dma_start3A_80 = arith.constant 0 : i32
      %dma_start3A_81 = tpu.memref_slice %arg4[%mul3A_2, %dma_start3A_80] : memref<10240x8xf32, #tpu.memory_space<hbm>> -> memref<640x8xf32, #tpu.memory_space<hbm>>
      tpu.enqueue_dma source(%dma_start3A_81 : memref<640x8xf32, #tpu.memory_space<hbm>>) target(%dma_start3A_79 : memref<640x8xf32, #tpu.memory_space<vmem_shared>>) target_semaphore(%run_scoped3A_77 : memref<!tpu.dma_semaphore, #tpu.memory_space<semaphore_mem>>)
      %dma_wait3A_82 = arith.constant 0 : i32
      %dma_wait3A_83 = tpu.memref_slice %arg10[%mul3A_2, %dma_wait3A_82] : memref<10240x8xf32, #tpu.memory_space<vmem_shared>> -> memref<640x8xf32, #tpu.memory_space<vmem_shared>>
      %dma_wait3A_84 = arith.constant 0 : i32
      %dma_wait3A_85 = tpu.memref_slice %arg4[%mul3A_2, %dma_wait3A_84] : memref<10240x8xf32, #tpu.memory_space<hbm>> -> memref<640x8xf32, #tpu.memory_space<hbm>>
      tpu.wait_dma2 semaphore(%run_scoped3A_77 : memref<!tpu.dma_semaphore, #tpu.memory_space<semaphore_mem>>) src(%dma_wait3A_85 : memref<640x8xf32, #tpu.memory_space<hbm>>) dst(%dma_wait3A_83 : memref<640x8xf32, #tpu.memory_space<vmem_shared>>)
      tpu.yield
    }) : () -> ()
    %mul3A_3 = arith.constant 10000 : i32
    %mul3A_4 = arith.muli %add3A, %mul3A_3 : i32
    %run_scoped3A = arith.constant 1 : i32
    "tpu.region"() ({
      %run_scoped3A_77 = tpu.sem_alloc : memref<!tpu.dma_semaphore, #tpu.memory_space<semaphore_mem>>
      %dma_start3A_78 = tpu.memref_slice %arg2[%run_scoped3A, %mul3A_4] : memref<2x320000xi32, #tpu.memory_space<hbm>> -> memref<1x10000xi32, #tpu.memory_space<hbm>>
      %dma_start3A_79 = tpu.memref_squeeze %dma_start3A_78 : memref<1x10000xi32, #tpu.memory_space<hbm>> -> memref<10000xi32, #tpu.memory_space<hbm>>
      %dma_start3A_80 = tpu.memref_slice %arg2[%run_scoped3A, %mul3A_4] : memref<2x320000xi32, #tpu.memory_space<hbm>> -> memref<1x10000xi32, #tpu.memory_space<hbm>>
      %dma_start3A_81 = tpu.memref_squeeze %dma_start3A_80 : memref<1x10000xi32, #tpu.memory_space<hbm>> -> memref<10000xi32, #tpu.memory_space<hbm>>
      tpu.enqueue_dma source(%dma_start3A_81 : memref<10000xi32, #tpu.memory_space<hbm>>) target(%arg6 : memref<10000xi32, #tpu.memory_space<vmem>>) target_semaphore(%run_scoped3A_77 : memref<!tpu.dma_semaphore, #tpu.memory_space<semaphore_mem>>)
      %dma_wait3A_82 = tpu.memref_slice %arg2[%run_scoped3A, %mul3A_4] : memref<2x320000xi32, #tpu.memory_space<hbm>> -> memref<1x10000xi32, #tpu.memory_space<hbm>>
      %dma_wait3A_83 = tpu.memref_squeeze %dma_wait3A_82 : memref<1x10000xi32, #tpu.memory_space<hbm>> -> memref<10000xi32, #tpu.memory_space<hbm>>
      %dma_wait3A_84 = tpu.memref_slice %arg2[%run_scoped3A, %mul3A_4] : memref<2x320000xi32, #tpu.memory_space<hbm>> -> memref<1x10000xi32, #tpu.memory_space<hbm>>
      %dma_wait3A_85 = tpu.memref_squeeze %dma_wait3A_84 : memref<1x10000xi32, #tpu.memory_space<hbm>> -> memref<10000xi32, #tpu.memory_space<hbm>>
      tpu.wait_dma2 semaphore(%run_scoped3A_77 : memref<!tpu.dma_semaphore, #tpu.memory_space<semaphore_mem>>) src(%dma_wait3A_85 : memref<10000xi32, #tpu.memory_space<hbm>>) dst(%arg6 : memref<10000xi32, #tpu.memory_space<vmem>>)
      tpu.yield
    }) : () -> ()
    "tpu.region"() ({
      %run_scoped3A_77 = tpu.sem_alloc : memref<!tpu.dma_semaphore, #tpu.memory_space<semaphore_mem>>
      tpu.enqueue_dma source(%arg3 : memref<128x8xf32, #tpu.memory_space<hbm>>) target(%arg7 : memref<128x8xf32, #tpu.memory_space<vmem>>) target_semaphore(%run_scoped3A_77 : memref<!tpu.dma_semaphore, #tpu.memory_space<semaphore_mem>>)
      tpu.wait_dma2 semaphore(%run_scoped3A_77 : memref<!tpu.dma_semaphore, #tpu.memory_space<semaphore_mem>>) src(%arg3 : memref<128x8xf32, #tpu.memory_space<hbm>>) dst(%arg7 : memref<128x8xf32, #tpu.memory_space<vmem>>)
      tpu.yield
    }) : () -> ()
    %barrier3A = arith.constant 0 : index
    tpu.barrier barrier_id(%barrier3A)
    %dma_start3A = arith.constant 0 : i32
    %dma_start3A_5 = tpu.memref_slice %arg6[%dma_start3A] : memref<10000xi32, #tpu.memory_space<vmem>> -> memref<128xi32, #tpu.memory_space<vmem>>
    %dma_start3A_6 = arith.constant 0 : i32
    %dma_start3A_7 = arith.constant 0 : i32
    %dma_start3A_8 = tpu.memref_slice %arg10[%dma_start3A_6, %dma_start3A_7] : memref<10240x8xf32, #tpu.memory_space<vmem_shared>> -> memref<10240x8xf32, #tpu.memory_space<vmem_shared>>
    tpu.enqueue_indirect_dma source(%arg7 : memref<128x8xf32, #tpu.memory_space<vmem>>) target(%dma_start3A_8 : memref<10240x8xf32, #tpu.memory_space<vmem_shared>>) offsets(%dma_start3A_5 : memref<128xi32, #tpu.memory_space<vmem>>) semaphore(%arg11 : memref<!tpu.dma_semaphore, #tpu.memory_space<semaphore_mem>>) {add = true}
    %dma_start3A_9 = arith.constant 128 : i32
    %dma_start3A_10 = tpu.memref_slice %arg6[%dma_start3A_9] : memref<10000xi32, #tpu.memory_space<vmem>> -> memref<128xi32, #tpu.memory_space<vmem>>
    %dma_start3A_11 = arith.constant 0 : i32
    %dma_start3A_12 = arith.constant 0 : i32
    %dma_start3A_13 = tpu.memref_slice %arg10[%dma_start3A_11, %dma_start3A_12] : memref<10240x8xf32, #tpu.memory_space<vmem_shared>> -> memref<10240x8xf32, #tpu.memory_space<vmem_shared>>
    tpu.enqueue_indirect_dma source(%arg7 : memref<128x8xf32, #tpu.memory_space<vmem>>) target(%dma_start3A_13 : memref<10240x8xf32, #tpu.memory_space<vmem_shared>>) offsets(%dma_start3A_10 : memref<128xi32, #tpu.memory_space<vmem>>) semaphore(%arg12 : memref<!tpu.dma_semaphore, #tpu.memory_space<semaphore_mem>>) {add = true}
    %dma_start3A_14 = arith.constant 256 : i32
    %dma_start3A_15 = tpu.memref_slice %arg6[%dma_start3A_14] : memref<10000xi32, #tpu.memory_space<vmem>> -> memref<128xi32, #tpu.memory_space<vmem>>
    %dma_start3A_16 = arith.constant 0 : i32
    %dma_start3A_17 = arith.constant 0 : i32
    %dma_start3A_18 = tpu.memref_slice %arg10[%dma_start3A_16, %dma_start3A_17] : memref<10240x8xf32, #tpu.memory_space<vmem_shared>> -> memref<10240x8xf32, #tpu.memory_space<vmem_shared>>
    tpu.enqueue_indirect_dma source(%arg7 : memref<128x8xf32, #tpu.memory_space<vmem>>) target(%dma_start3A_18 : memref<10240x8xf32, #tpu.memory_space<vmem_shared>>) offsets(%dma_start3A_15 : memref<128xi32, #tpu.memory_space<vmem>>) semaphore(%arg13 : memref<!tpu.dma_semaphore, #tpu.memory_space<semaphore_mem>>) {add = true}
    %dma_start3A_19 = arith.constant 384 : i32
    %dma_start3A_20 = tpu.memref_slice %arg6[%dma_start3A_19] : memref<10000xi32, #tpu.memory_space<vmem>> -> memref<128xi32, #tpu.memory_space<vmem>>
    %dma_start3A_21 = arith.constant 0 : i32
    %dma_start3A_22 = arith.constant 0 : i32
    %dma_start3A_23 = tpu.memref_slice %arg10[%dma_start3A_21, %dma_start3A_22] : memref<10240x8xf32, #tpu.memory_space<vmem_shared>> -> memref<10240x8xf32, #tpu.memory_space<vmem_shared>>
    tpu.enqueue_indirect_dma source(%arg7 : memref<128x8xf32, #tpu.memory_space<vmem>>) target(%dma_start3A_23 : memref<10240x8xf32, #tpu.memory_space<vmem_shared>>) offsets(%dma_start3A_20 : memref<128xi32, #tpu.memory_space<vmem>>) semaphore(%arg14 : memref<!tpu.dma_semaphore, #tpu.memory_space<semaphore_mem>>) {add = true}
    %dma_start3A_24 = arith.constant 512 : i32
    %dma_start3A_25 = tpu.memref_slice %arg6[%dma_start3A_24] : memref<10000xi32, #tpu.memory_space<vmem>> -> memref<128xi32, #tpu.memory_space<vmem>>
    %dma_start3A_26 = arith.constant 0 : i32
    %dma_start3A_27 = arith.constant 0 : i32
    %dma_start3A_28 = tpu.memref_slice %arg10[%dma_start3A_26, %dma_start3A_27] : memref<10240x8xf32, #tpu.memory_space<vmem_shared>> -> memref<10240x8xf32, #tpu.memory_space<vmem_shared>>
    tpu.enqueue_indirect_dma source(%arg7 : memref<128x8xf32, #tpu.memory_space<vmem>>) target(%dma_start3A_28 : memref<10240x8xf32, #tpu.memory_space<vmem_shared>>) offsets(%dma_start3A_25 : memref<128xi32, #tpu.memory_space<vmem>>) semaphore(%arg15 : memref<!tpu.dma_semaphore, #tpu.memory_space<semaphore_mem>>) {add = true}
    %dma_start3A_29 = arith.constant 640 : i32
    %dma_start3A_30 = tpu.memref_slice %arg6[%dma_start3A_29] : memref<10000xi32, #tpu.memory_space<vmem>> -> memref<128xi32, #tpu.memory_space<vmem>>
    %dma_start3A_31 = arith.constant 0 : i32
    %dma_start3A_32 = arith.constant 0 : i32
    %dma_start3A_33 = tpu.memref_slice %arg10[%dma_start3A_31, %dma_start3A_32] : memref<10240x8xf32, #tpu.memory_space<vmem_shared>> -> memref<10240x8xf32, #tpu.memory_space<vmem_shared>>
    tpu.enqueue_indirect_dma source(%arg7 : memref<128x8xf32, #tpu.memory_space<vmem>>) target(%dma_start3A_33 : memref<10240x8xf32, #tpu.memory_space<vmem_shared>>) offsets(%dma_start3A_30 : memref<128xi32, #tpu.memory_space<vmem>>) semaphore(%arg16 : memref<!tpu.dma_semaphore, #tpu.memory_space<semaphore_mem>>) {add = true}
    %scan3A = arith.constant 0 : i32
    %scan3A_34 = arith.constant 12 : i32
    %scan3A_35 = arith.addi %scan3A, %scan3A_34 : i32
    %scan3A_36 = arith.constant 1 : i32
    scf.for %scan3A_77 = %scan3A to %scan3A_35 step %scan3A_36  : i32 {
      %mul3A_78 = arith.constant 1 : i32
      %mul3A_79 = arith.muli %scan3A_77, %mul3A_78 : i32
      %add3A_80 = arith.constant 1 : i32
      %add3A_81 = arith.addi %add3A_80, %mul3A_79 : i32
      %sub3A = arith.constant 1 : i32
      %sub3A_82 = arith.subi %add3A_81, %sub3A : i32
      %mul3A_83 = arith.constant 6 : i32
      %mul3A_84 = arith.muli %sub3A_82, %mul3A_83 : i32
      %add3A_85 = arith.constant 0 : i32
      %add3A_86 = arith.addi %mul3A_84, %add3A_85 : i32
      %mul3A_87 = arith.constant 128 : i32
      %mul3A_88 = arith.muli %add3A_86, %mul3A_87 : i32
      %dma_wait3A_89 = tpu.memref_slice %arg6[%mul3A_88] : memref<10000xi32, #tpu.memory_space<vmem>> -> memref<128xi32, #tpu.memory_space<vmem>>
      %dma_wait3A_90 = arith.constant 0 : i32
      %dma_wait3A_91 = arith.constant 0 : i32
      %dma_wait3A_92 = tpu.memref_slice %arg10[%dma_wait3A_90, %dma_wait3A_91] : memref<10240x8xf32, #tpu.memory_space<vmem_shared>> -> memref<10240x8xf32, #tpu.memory_space<vmem_shared>>
      tpu.wait_indirect_dma semaphore(%arg11 : memref<!tpu.dma_semaphore, #tpu.memory_space<semaphore_mem>>) src(%arg7 : memref<128x8xf32, #tpu.memory_space<vmem>>) dst(%dma_wait3A_92 : memref<10240x8xf32, #tpu.memory_space<vmem_shared>>)
      %mul3A_93 = arith.constant 6 : i32
      %mul3A_94 = arith.muli %add3A_81, %mul3A_93 : i32
      %add3A_95 = arith.constant 0 : i32
      %add3A_96 = arith.addi %mul3A_94, %add3A_95 : i32
      %mul3A_97 = arith.constant 128 : i32
      %mul3A_98 = arith.muli %add3A_96, %mul3A_97 : i32
      %dma_start3A_99 = tpu.memref_slice %arg6[%mul3A_98] : memref<10000xi32, #tpu.memory_space<vmem>> -> memref<128xi32, #tpu.memory_space<vmem>>
      %dma_start3A_100 = arith.constant 0 : i32
      %dma_start3A_101 = arith.constant 0 : i32
      %dma_start3A_102 = tpu.memref_slice %arg10[%dma_start3A_100, %dma_start3A_101] : memref<10240x8xf32, #tpu.memory_space<vmem_shared>> -> memref<10240x8xf32, #tpu.memory_space<vmem_shared>>
      tpu.enqueue_indirect_dma source(%arg7 : memref<128x8xf32, #tpu.memory_space<vmem>>) target(%dma_start3A_102 : memref<10240x8xf32, #tpu.memory_space<vmem_shared>>) offsets(%dma_start3A_99 : memref<128xi32, #tpu.memory_space<vmem>>) semaphore(%arg11 : memref<!tpu.dma_semaphore, #tpu.memory_space<semaphore_mem>>) {add = true}
      %sub3A_103 = arith.constant 1 : i32
      %sub3A_104 = arith.subi %add3A_81, %sub3A_103 : i32
      %mul3A_105 = arith.constant 6 : i32
      %mul3A_106 = arith.muli %sub3A_104, %mul3A_105 : i32
      %add3A_107 = arith.constant 1 : i32
      %add3A_108 = arith.addi %mul3A_106, %add3A_107 : i32
      %mul3A_109 = arith.constant 128 : i32
      %mul3A_110 = arith.muli %add3A_108, %mul3A_109 : i32
      %dma_wait3A_111 = tpu.memref_slice %arg6[%mul3A_110] : memref<10000xi32, #tpu.memory_space<vmem>> -> memref<128xi32, #tpu.memory_space<vmem>>
      %dma_wait3A_112 = arith.constant 0 : i32
      %dma_wait3A_113 = arith.constant 0 : i32
      %dma_wait3A_114 = tpu.memref_slice %arg10[%dma_wait3A_112, %dma_wait3A_113] : memref<10240x8xf32, #tpu.memory_space<vmem_shared>> -> memref<10240x8xf32, #tpu.memory_space<vmem_shared>>
      tpu.wait_indirect_dma semaphore(%arg12 : memref<!tpu.dma_semaphore, #tpu.memory_space<semaphore_mem>>) src(%arg7 : memref<128x8xf32, #tpu.memory_space<vmem>>) dst(%dma_wait3A_114 : memref<10240x8xf32, #tpu.memory_space<vmem_shared>>)
      %mul3A_115 = arith.constant 6 : i32
      %mul3A_116 = arith.muli %add3A_81, %mul3A_115 : i32
      %add3A_117 = arith.constant 1 : i32
      %add3A_118 = arith.addi %mul3A_116, %add3A_117 : i32
      %mul3A_119 = arith.constant 128 : i32
      %mul3A_120 = arith.muli %add3A_118, %mul3A_119 : i32
      %dma_start3A_121 = tpu.memref_slice %arg6[%mul3A_120] : memref<10000xi32, #tpu.memory_space<vmem>> -> memref<128xi32, #tpu.memory_space<vmem>>
      %dma_start3A_122 = arith.constant 0 : i32
      %dma_start3A_123 = arith.constant 0 : i32
      %dma_start3A_124 = tpu.memref_slice %arg10[%dma_start3A_122, %dma_start3A_123] : memref<10240x8xf32, #tpu.memory_space<vmem_shared>> -> memref<10240x8xf32, #tpu.memory_space<vmem_shared>>
      tpu.enqueue_indirect_dma source(%arg7 : memref<128x8xf32, #tpu.memory_space<vmem>>) target(%dma_start3A_124 : memref<10240x8xf32, #tpu.memory_space<vmem_shared>>) offsets(%dma_start3A_121 : memref<128xi32, #tpu.memory_space<vmem>>) semaphore(%arg12 : memref<!tpu.dma_semaphore, #tpu.memory_space<semaphore_mem>>) {add = true}
      %sub3A_125 = arith.constant 1 : i32
      %sub3A_126 = arith.subi %add3A_81, %sub3A_125 : i32
      %mul3A_127 = arith.constant 6 : i32
      %mul3A_128 = arith.muli %sub3A_126, %mul3A_127 : i32
      %add3A_129 = arith.constant 2 : i32
      %add3A_130 = arith.addi %mul3A_128, %add3A_129 : i32
      %mul3A_131 = arith.constant 128 : i32
      %mul3A_132 = arith.muli %add3A_130, %mul3A_131 : i32
      %dma_wait3A_133 = tpu.memref_slice %arg6[%mul3A_132] : memref<10000xi32, #tpu.memory_space<vmem>> -> memref<128xi32, #tpu.memory_space<vmem>>
      %dma_wait3A_134 = arith.constant 0 : i32
      %dma_wait3A_135 = arith.constant 0 : i32
      %dma_wait3A_136 = tpu.memref_slice %arg10[%dma_wait3A_134, %dma_wait3A_135] : memref<10240x8xf32, #tpu.memory_space<vmem_shared>> -> memref<10240x8xf32, #tpu.memory_space<vmem_shared>>
      tpu.wait_indirect_dma semaphore(%arg13 : memref<!tpu.dma_semaphore, #tpu.memory_space<semaphore_mem>>) src(%arg7 : memref<128x8xf32, #tpu.memory_space<vmem>>) dst(%dma_wait3A_136 : memref<10240x8xf32, #tpu.memory_space<vmem_shared>>)
      %mul3A_137 = arith.constant 6 : i32
      %mul3A_138 = arith.muli %add3A_81, %mul3A_137 : i32
      %add3A_139 = arith.constant 2 : i32
      %add3A_140 = arith.addi %mul3A_138, %add3A_139 : i32
      %mul3A_141 = arith.constant 128 : i32
      %mul3A_142 = arith.muli %add3A_140, %mul3A_141 : i32
      %dma_start3A_143 = tpu.memref_slice %arg6[%mul3A_142] : memref<10000xi32, #tpu.memory_space<vmem>> -> memref<128xi32, #tpu.memory_space<vmem>>
      %dma_start3A_144 = arith.constant 0 : i32
      %dma_start3A_145 = arith.constant 0 : i32
      %dma_start3A_146 = tpu.memref_slice %arg10[%dma_start3A_144, %dma_start3A_145] : memref<10240x8xf32, #tpu.memory_space<vmem_shared>> -> memref<10240x8xf32, #tpu.memory_space<vmem_shared>>
      tpu.enqueue_indirect_dma source(%arg7 : memref<128x8xf32, #tpu.memory_space<vmem>>) target(%dma_start3A_146 : memref<10240x8xf32, #tpu.memory_space<vmem_shared>>) offsets(%dma_start3A_143 : memref<128xi32, #tpu.memory_space<vmem>>) semaphore(%arg13 : memref<!tpu.dma_semaphore, #tpu.memory_space<semaphore_mem>>) {add = true}
      %sub3A_147 = arith.constant 1 : i32
      %sub3A_148 = arith.subi %add3A_81, %sub3A_147 : i32
      %mul3A_149 = arith.constant 6 : i32
      %mul3A_150 = arith.muli %sub3A_148, %mul3A_149 : i32
      %add3A_151 = arith.constant 3 : i32
      %add3A_152 = arith.addi %mul3A_150, %add3A_151 : i32
      %mul3A_153 = arith.constant 128 : i32
      %mul3A_154 = arith.muli %add3A_152, %mul3A_153 : i32
      %dma_wait3A_155 = tpu.memref_slice %arg6[%mul3A_154] : memref<10000xi32, #tpu.memory_space<vmem>> -> memref<128xi32, #tpu.memory_space<vmem>>
      %dma_wait3A_156 = arith.constant 0 : i32
      %dma_wait3A_157 = arith.constant 0 : i32
      %dma_wait3A_158 = tpu.memref_slice %arg10[%dma_wait3A_156, %dma_wait3A_157] : memref<10240x8xf32, #tpu.memory_space<vmem_shared>> -> memref<10240x8xf32, #tpu.memory_space<vmem_shared>>
      tpu.wait_indirect_dma semaphore(%arg14 : memref<!tpu.dma_semaphore, #tpu.memory_space<semaphore_mem>>) src(%arg7 : memref<128x8xf32, #tpu.memory_space<vmem>>) dst(%dma_wait3A_158 : memref<10240x8xf32, #tpu.memory_space<vmem_shared>>)
      %mul3A_159 = arith.constant 6 : i32
      %mul3A_160 = arith.muli %add3A_81, %mul3A_159 : i32
      %add3A_161 = arith.constant 3 : i32
      %add3A_162 = arith.addi %mul3A_160, %add3A_161 : i32
      %mul3A_163 = arith.constant 128 : i32
      %mul3A_164 = arith.muli %add3A_162, %mul3A_163 : i32
      %dma_start3A_165 = tpu.memref_slice %arg6[%mul3A_164] : memref<10000xi32, #tpu.memory_space<vmem>> -> memref<128xi32, #tpu.memory_space<vmem>>
      %dma_start3A_166 = arith.constant 0 : i32
      %dma_start3A_167 = arith.constant 0 : i32
      %dma_start3A_168 = tpu.memref_slice %arg10[%dma_start3A_166, %dma_start3A_167] : memref<10240x8xf32, #tpu.memory_space<vmem_shared>> -> memref<10240x8xf32, #tpu.memory_space<vmem_shared>>
      tpu.enqueue_indirect_dma source(%arg7 : memref<128x8xf32, #tpu.memory_space<vmem>>) target(%dma_start3A_168 : memref<10240x8xf32, #tpu.memory_space<vmem_shared>>) offsets(%dma_start3A_165 : memref<128xi32, #tpu.memory_space<vmem>>) semaphore(%arg14 : memref<!tpu.dma_semaphore, #tpu.memory_space<semaphore_mem>>) {add = true}
      %sub3A_169 = arith.constant 1 : i32
      %sub3A_170 = arith.subi %add3A_81, %sub3A_169 : i32
      %mul3A_171 = arith.constant 6 : i32
      %mul3A_172 = arith.muli %sub3A_170, %mul3A_171 : i32
      %add3A_173 = arith.constant 4 : i32
      %add3A_174 = arith.addi %mul3A_172, %add3A_173 : i32
      %mul3A_175 = arith.constant 128 : i32
      %mul3A_176 = arith.muli %add3A_174, %mul3A_175 : i32
      %dma_wait3A_177 = tpu.memref_slice %arg6[%mul3A_176] : memref<10000xi32, #tpu.memory_space<vmem>> -> memref<128xi32, #tpu.memory_space<vmem>>
      %dma_wait3A_178 = arith.constant 0 : i32
      %dma_wait3A_179 = arith.constant 0 : i32
      %dma_wait3A_180 = tpu.memref_slice %arg10[%dma_wait3A_178, %dma_wait3A_179] : memref<10240x8xf32, #tpu.memory_space<vmem_shared>> -> memref<10240x8xf32, #tpu.memory_space<vmem_shared>>
      tpu.wait_indirect_dma semaphore(%arg15 : memref<!tpu.dma_semaphore, #tpu.memory_space<semaphore_mem>>) src(%arg7 : memref<128x8xf32, #tpu.memory_space<vmem>>) dst(%dma_wait3A_180 : memref<10240x8xf32, #tpu.memory_space<vmem_shared>>)
      %mul3A_181 = arith.constant 6 : i32
      %mul3A_182 = arith.muli %add3A_81, %mul3A_181 : i32
      %add3A_183 = arith.constant 4 : i32
      %add3A_184 = arith.addi %mul3A_182, %add3A_183 : i32
      %mul3A_185 = arith.constant 128 : i32
      %mul3A_186 = arith.muli %add3A_184, %mul3A_185 : i32
      %dma_start3A_187 = tpu.memref_slice %arg6[%mul3A_186] : memref<10000xi32, #tpu.memory_space<vmem>> -> memref<128xi32, #tpu.memory_space<vmem>>
      %dma_start3A_188 = arith.constant 0 : i32
      %dma_start3A_189 = arith.constant 0 : i32
      %dma_start3A_190 = tpu.memref_slice %arg10[%dma_start3A_188, %dma_start3A_189] : memref<10240x8xf32, #tpu.memory_space<vmem_shared>> -> memref<10240x8xf32, #tpu.memory_space<vmem_shared>>
      tpu.enqueue_indirect_dma source(%arg7 : memref<128x8xf32, #tpu.memory_space<vmem>>) target(%dma_start3A_190 : memref<10240x8xf32, #tpu.memory_space<vmem_shared>>) offsets(%dma_start3A_187 : memref<128xi32, #tpu.memory_space<vmem>>) semaphore(%arg15 : memref<!tpu.dma_semaphore, #tpu.memory_space<semaphore_mem>>) {add = true}
      %sub3A_191 = arith.constant 1 : i32
      %sub3A_192 = arith.subi %add3A_81, %sub3A_191 : i32
      %mul3A_193 = arith.constant 6 : i32
      %mul3A_194 = arith.muli %sub3A_192, %mul3A_193 : i32
      %add3A_195 = arith.constant 5 : i32
      %add3A_196 = arith.addi %mul3A_194, %add3A_195 : i32
      %mul3A_197 = arith.constant 128 : i32
      %mul3A_198 = arith.muli %add3A_196, %mul3A_197 : i32
      %dma_wait3A_199 = tpu.memref_slice %arg6[%mul3A_198] : memref<10000xi32, #tpu.memory_space<vmem>> -> memref<128xi32, #tpu.memory_space<vmem>>
      %dma_wait3A_200 = arith.constant 0 : i32
      %dma_wait3A_201 = arith.constant 0 : i32
      %dma_wait3A_202 = tpu.memref_slice %arg10[%dma_wait3A_200, %dma_wait3A_201] : memref<10240x8xf32, #tpu.memory_space<vmem_shared>> -> memref<10240x8xf32, #tpu.memory_space<vmem_shared>>
      tpu.wait_indirect_dma semaphore(%arg16 : memref<!tpu.dma_semaphore, #tpu.memory_space<semaphore_mem>>) src(%arg7 : memref<128x8xf32, #tpu.memory_space<vmem>>) dst(%dma_wait3A_202 : memref<10240x8xf32, #tpu.memory_space<vmem_shared>>)
      %mul3A_203 = arith.constant 6 : i32
      %mul3A_204 = arith.muli %add3A_81, %mul3A_203 : i32
      %add3A_205 = arith.constant 5 : i32
      %add3A_206 = arith.addi %mul3A_204, %add3A_205 : i32
      %mul3A_207 = arith.constant 128 : i32
      %mul3A_208 = arith.muli %add3A_206, %mul3A_207 : i32
      %dma_start3A_209 = tpu.memref_slice %arg6[%mul3A_208] : memref<10000xi32, #tpu.memory_space<vmem>> -> memref<128xi32, #tpu.memory_space<vmem>>
      %dma_start3A_210 = arith.constant 0 : i32
      %dma_start3A_211 = arith.constant 0 : i32
      %dma_start3A_212 = tpu.memref_slice %arg10[%dma_start3A_210, %dma_start3A_211] : memref<10240x8xf32, #tpu.memory_space<vmem_shared>> -> memref<10240x8xf32, #tpu.memory_space<vmem_shared>>
      tpu.enqueue_indirect_dma source(%arg7 : memref<128x8xf32, #tpu.memory_space<vmem>>) target(%dma_start3A_212 : memref<10240x8xf32, #tpu.memory_space<vmem_shared>>) offsets(%dma_start3A_209 : memref<128xi32, #tpu.memory_space<vmem>>) semaphore(%arg16 : memref<!tpu.dma_semaphore, #tpu.memory_space<semaphore_mem>>) {add = true}
    }
    %scan3A_37 = arith.constant 12 : i32
    %dma_wait3A = arith.constant 9216 : i32
    %dma_wait3A_38 = tpu.memref_slice %arg6[%dma_wait3A] : memref<10000xi32, #tpu.memory_space<vmem>> -> memref<128xi32, #tpu.memory_space<vmem>>
    %dma_wait3A_39 = arith.constant 0 : i32
    %dma_wait3A_40 = arith.constant 0 : i32
    %dma_wait3A_41 = tpu.memref_slice %arg10[%dma_wait3A_39, %dma_wait3A_40] : memref<10240x8xf32, #tpu.memory_space<vmem_shared>> -> memref<10240x8xf32, #tpu.memory_space<vmem_shared>>
    tpu.wait_indirect_dma semaphore(%arg11 : memref<!tpu.dma_semaphore, #tpu.memory_space<semaphore_mem>>) src(%arg7 : memref<128x8xf32, #tpu.memory_space<vmem>>) dst(%dma_wait3A_41 : memref<10240x8xf32, #tpu.memory_space<vmem_shared>>)
    %dma_wait3A_42 = arith.constant 9344 : i32
    %dma_wait3A_43 = tpu.memref_slice %arg6[%dma_wait3A_42] : memref<10000xi32, #tpu.memory_space<vmem>> -> memref<128xi32, #tpu.memory_space<vmem>>
    %dma_wait3A_44 = arith.constant 0 : i32
    %dma_wait3A_45 = arith.constant 0 : i32
    %dma_wait3A_46 = tpu.memref_slice %arg10[%dma_wait3A_44, %dma_wait3A_45] : memref<10240x8xf32, #tpu.memory_space<vmem_shared>> -> memref<10240x8xf32, #tpu.memory_space<vmem_shared>>
    tpu.wait_indirect_dma semaphore(%arg12 : memref<!tpu.dma_semaphore, #tpu.memory_space<semaphore_mem>>) src(%arg7 : memref<128x8xf32, #tpu.memory_space<vmem>>) dst(%dma_wait3A_46 : memref<10240x8xf32, #tpu.memory_space<vmem_shared>>)
    %dma_wait3A_47 = arith.constant 9472 : i32
    %dma_wait3A_48 = tpu.memref_slice %arg6[%dma_wait3A_47] : memref<10000xi32, #tpu.memory_space<vmem>> -> memref<128xi32, #tpu.memory_space<vmem>>
    %dma_wait3A_49 = arith.constant 0 : i32
    %dma_wait3A_50 = arith.constant 0 : i32
    %dma_wait3A_51 = tpu.memref_slice %arg10[%dma_wait3A_49, %dma_wait3A_50] : memref<10240x8xf32, #tpu.memory_space<vmem_shared>> -> memref<10240x8xf32, #tpu.memory_space<vmem_shared>>
    tpu.wait_indirect_dma semaphore(%arg13 : memref<!tpu.dma_semaphore, #tpu.memory_space<semaphore_mem>>) src(%arg7 : memref<128x8xf32, #tpu.memory_space<vmem>>) dst(%dma_wait3A_51 : memref<10240x8xf32, #tpu.memory_space<vmem_shared>>)
    %dma_wait3A_52 = arith.constant 9600 : i32
    %dma_wait3A_53 = tpu.memref_slice %arg6[%dma_wait3A_52] : memref<10000xi32, #tpu.memory_space<vmem>> -> memref<128xi32, #tpu.memory_space<vmem>>
    %dma_wait3A_54 = arith.constant 0 : i32
    %dma_wait3A_55 = arith.constant 0 : i32
    %dma_wait3A_56 = tpu.memref_slice %arg10[%dma_wait3A_54, %dma_wait3A_55] : memref<10240x8xf32, #tpu.memory_space<vmem_shared>> -> memref<10240x8xf32, #tpu.memory_space<vmem_shared>>
    tpu.wait_indirect_dma semaphore(%arg14 : memref<!tpu.dma_semaphore, #tpu.memory_space<semaphore_mem>>) src(%arg7 : memref<128x8xf32, #tpu.memory_space<vmem>>) dst(%dma_wait3A_56 : memref<10240x8xf32, #tpu.memory_space<vmem_shared>>)
    %dma_wait3A_57 = arith.constant 9728 : i32
    %dma_wait3A_58 = tpu.memref_slice %arg6[%dma_wait3A_57] : memref<10000xi32, #tpu.memory_space<vmem>> -> memref<128xi32, #tpu.memory_space<vmem>>
    %dma_wait3A_59 = arith.constant 0 : i32
    %dma_wait3A_60 = arith.constant 0 : i32
    %dma_wait3A_61 = tpu.memref_slice %arg10[%dma_wait3A_59, %dma_wait3A_60] : memref<10240x8xf32, #tpu.memory_space<vmem_shared>> -> memref<10240x8xf32, #tpu.memory_space<vmem_shared>>
    tpu.wait_indirect_dma semaphore(%arg15 : memref<!tpu.dma_semaphore, #tpu.memory_space<semaphore_mem>>) src(%arg7 : memref<128x8xf32, #tpu.memory_space<vmem>>) dst(%dma_wait3A_61 : memref<10240x8xf32, #tpu.memory_space<vmem_shared>>)
    %dma_wait3A_62 = arith.constant 9856 : i32
    %dma_wait3A_63 = tpu.memref_slice %arg6[%dma_wait3A_62] : memref<10000xi32, #tpu.memory_space<vmem>> -> memref<128xi32, #tpu.memory_space<vmem>>
    %dma_wait3A_64 = arith.constant 0 : i32
    %dma_wait3A_65 = arith.constant 0 : i32
    %dma_wait3A_66 = tpu.memref_slice %arg10[%dma_wait3A_64, %dma_wait3A_65] : memref<10240x8xf32, #tpu.memory_space<vmem_shared>> -> memref<10240x8xf32, #tpu.memory_space<vmem_shared>>
    tpu.wait_indirect_dma semaphore(%arg16 : memref<!tpu.dma_semaphore, #tpu.memory_space<semaphore_mem>>) src(%arg7 : memref<128x8xf32, #tpu.memory_space<vmem>>) dst(%dma_wait3A_66 : memref<10240x8xf32, #tpu.memory_space<vmem_shared>>)
    "tpu.region"() ({
      %run_scoped3A_77 = tpu.sem_alloc : memref<!tpu.dma_semaphore, #tpu.memory_space<semaphore_mem>>
      %dma_start3A_78 = arith.constant 0 : i32
      %dma_start3A_79 = arith.constant 0 : i32
      %dma_start3A_80 = tpu.memref_slice %arg7[%dma_start3A_78, %dma_start3A_79] : memref<128x8xf32, #tpu.memory_space<vmem>> -> memref<16x8xf32, #tpu.memory_space<vmem>>
      %dma_start3A_81 = arith.constant 9984 : i32
      %dma_start3A_82 = tpu.memref_slice %arg6[%dma_start3A_81] : memref<10000xi32, #tpu.memory_space<vmem>> -> memref<16xi32, #tpu.memory_space<vmem>>
      %dma_start3A_83 = arith.constant 0 : i32
      %dma_start3A_84 = arith.constant 0 : i32
      %dma_start3A_85 = tpu.memref_slice %arg10[%dma_start3A_83, %dma_start3A_84] : memref<10240x8xf32, #tpu.memory_space<vmem_shared>> -> memref<10240x8xf32, #tpu.memory_space<vmem_shared>>
      tpu.enqueue_indirect_dma source(%dma_start3A_80 : memref<16x8xf32, #tpu.memory_space<vmem>>) target(%dma_start3A_85 : memref<10240x8xf32, #tpu.memory_space<vmem_shared>>) offsets(%dma_start3A_82 : memref<16xi32, #tpu.memory_space<vmem>>) semaphore(%run_scoped3A_77 : memref<!tpu.dma_semaphore, #tpu.memory_space<semaphore_mem>>) {add = true}
      %dma_wait3A_86 = arith.constant 0 : i32
      %dma_wait3A_87 = arith.constant 0 : i32
      %dma_wait3A_88 = tpu.memref_slice %arg7[%dma_wait3A_86, %dma_wait3A_87] : memref<128x8xf32, #tpu.memory_space<vmem>> -> memref<16x8xf32, #tpu.memory_space<vmem>>
      %dma_wait3A_89 = arith.constant 9984 : i32
      %dma_wait3A_90 = tpu.memref_slice %arg6[%dma_wait3A_89] : memref<10000xi32, #tpu.memory_space<vmem>> -> memref<16xi32, #tpu.memory_space<vmem>>
      %dma_wait3A_91 = arith.constant 0 : i32
      %dma_wait3A_92 = arith.constant 0 : i32
      %dma_wait3A_93 = tpu.memref_slice %arg10[%dma_wait3A_91, %dma_wait3A_92] : memref<10240x8xf32, #tpu.memory_space<vmem_shared>> -> memref<10240x8xf32, #tpu.memory_space<vmem_shared>>
      tpu.wait_indirect_dma semaphore(%run_scoped3A_77 : memref<!tpu.dma_semaphore, #tpu.memory_space<semaphore_mem>>) src(%dma_wait3A_88 : memref<16x8xf32, #tpu.memory_space<vmem>>) dst(%dma_wait3A_93 : memref<10240x8xf32, #tpu.memory_space<vmem_shared>>)
      tpu.yield
    }) : () -> ()
    %barrier3A_67 = arith.constant 0 : index
    tpu.barrier barrier_id(%barrier3A_67)
    "tpu.region"() ({
      %run_scoped3A_77 = tpu.sem_alloc : memref<!tpu.dma_semaphore, #tpu.memory_space<semaphore_mem>>
      %dma_start3A_78 = arith.constant 0 : i32
      %dma_start3A_79 = tpu.memref_slice %arg10[%mul3A_2, %dma_start3A_78] : memref<10240x8xf32, #tpu.memory_space<vmem_shared>> -> memref<640x8xf32, #tpu.memory_space<vmem_shared>>
      %dma_start3A_80 = arith.constant 0 : i32
      %dma_start3A_81 = tpu.memref_slice %arg10[%mul3A_2, %dma_start3A_80] : memref<10240x8xf32, #tpu.memory_space<vmem_shared>> -> memref<640x8xf32, #tpu.memory_space<vmem_shared>>
      tpu.enqueue_dma source(%dma_start3A_81 : memref<640x8xf32, #tpu.memory_space<vmem_shared>>) target(%arg8 : memref<640x8xf32, #tpu.memory_space<vmem>>) target_semaphore(%run_scoped3A_77 : memref<!tpu.dma_semaphore, #tpu.memory_space<semaphore_mem>>)
      %dma_wait3A_82 = arith.constant 0 : i32
      %dma_wait3A_83 = tpu.memref_slice %arg10[%mul3A_2, %dma_wait3A_82] : memref<10240x8xf32, #tpu.memory_space<vmem_shared>> -> memref<640x8xf32, #tpu.memory_space<vmem_shared>>
      %dma_wait3A_84 = arith.constant 0 : i32
      %dma_wait3A_85 = tpu.memref_slice %arg10[%mul3A_2, %dma_wait3A_84] : memref<10240x8xf32, #tpu.memory_space<vmem_shared>> -> memref<640x8xf32, #tpu.memory_space<vmem_shared>>
      tpu.wait_dma2 semaphore(%run_scoped3A_77 : memref<!tpu.dma_semaphore, #tpu.memory_space<semaphore_mem>>) src(%dma_wait3A_85 : memref<640x8xf32, #tpu.memory_space<vmem_shared>>) dst(%arg8 : memref<640x8xf32, #tpu.memory_space<vmem>>)
      tpu.yield
    }) : () -> ()
    %iota3A = tpu.iota {dimensions = array<i32: 0>} : vector<16xi32>
    %broadcast_in_dim3A = arith.constant 0 : i32
    %broadcast_in_dim3A_68 = vector.broadcast %broadcast_in_dim3A : i32 to vector<16xi32>
    %scan3A_69 = arith.constant 0 : i32
    %scan3A_70 = arith.constant 40 : i32
    %scan3A_71 = arith.addi %scan3A_69, %scan3A_70 : i32
    %scan3A_72 = arith.constant 1 : i32
    scf.for %scan3A_77 = %scan3A_69 to %scan3A_71 step %scan3A_72  : i32 {
      %mul3A_78 = arith.constant 1 : i32
      %mul3A_79 = arith.muli %scan3A_77, %mul3A_78 : i32
      %add3A_80 = arith.constant 0 : i32
      %add3A_81 = arith.addi %add3A_80, %mul3A_79 : i32
      %mul3A_82 = arith.constant 16 : i32
      %mul3A_83 = arith.muli %add3A_81, %mul3A_82 : i32
      %add3A_84 = vector.broadcast %mul3A_83 : i32 to vector<16xi32>
      %add3A_85 = arith.addi %add3A_84, %iota3A : vector<16xi32>
      %gather3A = tpu.vector_load_idx %arg8[%add3A_85, %broadcast_in_dim3A_68] : memref<640x8xf32, #tpu.memory_space<vmem>>[vector<16xi32>, vector<16xi32>], vector<16xf32>,
      %mul3A_86 = arith.constant 16 : i32
      %mul3A_87 = arith.muli %add3A_81, %mul3A_86 : i32
      %swap3A = arith.index_cast %mul3A_87 : i32 to index
      %swap3A_88 = tpu.vector_load %arg9[%swap3A] {strides = array<i32>} : memref<640xf32, #tpu.memory_space<vmem>>, vector<16xf32>,
      tpu.vector_store %arg9[%swap3A], %gather3A {strides = array<i32>} : memref<640xf32, #tpu.memory_space<vmem>>, vector<16xf32>,
    }
    %scan3A_73 = arith.constant 40 : i32
    %mul3A_74 = arith.constant 10240 : i32
    %mul3A_75 = arith.muli %arg0, %mul3A_74 : i32
    %add3A_76 = arith.addi %mul3A_75, %mul3A_2 : i32
    "tpu.region"() ({
      %run_scoped3A_77 = tpu.sem_alloc : memref<!tpu.dma_semaphore, #tpu.memory_space<semaphore_mem>>
      %dma_start3A_78 = tpu.memref_slice %arg5[%add3A_76] : memref<20480xf32, #tpu.memory_space<hbm>> -> memref<640xf32, #tpu.memory_space<hbm>>
      %dma_start3A_79 = tpu.memref_slice %arg5[%add3A_76] : memref<20480xf32, #tpu.memory_space<hbm>> -> memref<640xf32, #tpu.memory_space<hbm>>
      tpu.enqueue_dma source(%arg9 : memref<640xf32, #tpu.memory_space<vmem>>) target(%dma_start3A_79 : memref<640xf32, #tpu.memory_space<hbm>>) target_semaphore(%run_scoped3A_77 : memref<!tpu.dma_semaphore, #tpu.memory_space<semaphore_mem>>)
      %dma_wait3A_80 = tpu.memref_slice %arg5[%add3A_76] : memref<20480xf32, #tpu.memory_space<hbm>> -> memref<640xf32, #tpu.memory_space<hbm>>
      %dma_wait3A_81 = tpu.memref_slice %arg5[%add3A_76] : memref<20480xf32, #tpu.memory_space<hbm>> -> memref<640xf32, #tpu.memory_space<hbm>>
      tpu.wait_dma2 semaphore(%run_scoped3A_77 : memref<!tpu.dma_semaphore, #tpu.memory_space<semaphore_mem>>) src(%arg9 : memref<640xf32, #tpu.memory_space<vmem>>) dst(%dma_wait3A_81 : memref<640xf32, #tpu.memory_space<hbm>>)
      tpu.yield
    }) : () -> ()
    return
  }
}

#map = affine_map<(d0, d1) -> (0, 0)>
module attributes {stable_mosaic.version = 14 : i64} {
  func.func @propk(%arg0: i32, %arg1: i32, %arg2: memref<10000x16xf32, #tpu.memory_space<hbm>>, %arg3: memref<2x320000xi32, #tpu.memory_space<hbm>>, %arg4: memref<10240x16xf32, #tpu.memory_space<hbm>>, %arg5: memref<20480x16xf32, #tpu.memory_space<hbm>>, %arg6: memref<10000xi32, #tpu.memory_space<vmem>>, %arg7: memref<10000xi32, #tpu.memory_space<vmem>>, %arg8: memref<6x128x16xf32, #tpu.memory_space<vmem>>, %arg9: memref<10240x16xf32, #tpu.memory_space<vmem_shared>>, %arg10: memref<!tpu.dma_semaphore, #tpu.memory_space<semaphore_mem>>, %arg11: memref<!tpu.dma_semaphore, #tpu.memory_space<semaphore_mem>>, %arg12: memref<!tpu.dma_semaphore, #tpu.memory_space<semaphore_mem>>, %arg13: memref<!tpu.dma_semaphore, #tpu.memory_space<semaphore_mem>>, %arg14: memref<!tpu.dma_semaphore, #tpu.memory_space<semaphore_mem>>, %arg15: memref<!tpu.dma_semaphore, #tpu.memory_space<semaphore_mem>>, %arg16: memref<!tpu.dma_semaphore, #tpu.memory_space<semaphore_mem>>, %arg17: memref<!tpu.dma_semaphore, #tpu.memory_space<semaphore_mem>>, %arg18: memref<!tpu.dma_semaphore, #tpu.memory_space<semaphore_mem>>, %arg19: memref<!tpu.dma_semaphore, #tpu.memory_space<semaphore_mem>>, %arg20: memref<!tpu.dma_semaphore, #tpu.memory_space<semaphore_mem>>, %arg21: memref<!tpu.dma_semaphore, #tpu.memory_space<semaphore_mem>>, %arg22: memref<!tpu.dma_semaphore, #tpu.memory_space<semaphore_mem>>) attributes {dimension_semantics = [#tpu.dimension_semantics<core_parallel>, #tpu.dimension_semantics<subcore_parallel>], iteration_bounds = array<i64: 2, 16>, scalar_prefetch = 0 : i64, scratch_operands = 17 : i64, tpu.core_type = #tpu.core_type<sc_vector_subcore>, window_params = [{transform_indices = #map}, {transform_indices = #map}, {transform_indices = #map}, {transform_indices = #map}]} {
    %mul3A = arith.constant 16 : i32
    %mul3A_0 = arith.muli %arg0, %mul3A : i32
    %add3A = arith.addi %mul3A_0, %arg1 : i32
    %mul3A_1 = arith.constant 640 : i32
    %mul3A_2 = arith.muli %arg1, %mul3A_1 : i32
    "tpu.region"() ({
      %run_scoped3A_275 = tpu.sem_alloc : memref<!tpu.dma_semaphore, #tpu.memory_space<semaphore_mem>>
      %dma_start3A_276 = arith.constant 0 : i32
      %dma_start3A_277 = tpu.memref_slice %arg9[%mul3A_2, %dma_start3A_276] : memref<10240x16xf32, #tpu.memory_space<vmem_shared>> -> memref<640x16xf32, #tpu.memory_space<vmem_shared>>
      %dma_start3A_278 = arith.constant 0 : i32
      %dma_start3A_279 = tpu.memref_slice %arg4[%mul3A_2, %dma_start3A_278] : memref<10240x16xf32, #tpu.memory_space<hbm>> -> memref<640x16xf32, #tpu.memory_space<hbm>>
      tpu.enqueue_dma source(%dma_start3A_279 : memref<640x16xf32, #tpu.memory_space<hbm>>) target(%dma_start3A_277 : memref<640x16xf32, #tpu.memory_space<vmem_shared>>) target_semaphore(%run_scoped3A_275 : memref<!tpu.dma_semaphore, #tpu.memory_space<semaphore_mem>>)
      %dma_wait3A_280 = arith.constant 0 : i32
      %dma_wait3A_281 = tpu.memref_slice %arg9[%mul3A_2, %dma_wait3A_280] : memref<10240x16xf32, #tpu.memory_space<vmem_shared>> -> memref<640x16xf32, #tpu.memory_space<vmem_shared>>
      %dma_wait3A_282 = arith.constant 0 : i32
      %dma_wait3A_283 = tpu.memref_slice %arg4[%mul3A_2, %dma_wait3A_282] : memref<10240x16xf32, #tpu.memory_space<hbm>> -> memref<640x16xf32, #tpu.memory_space<hbm>>
      tpu.wait_dma2 semaphore(%run_scoped3A_275 : memref<!tpu.dma_semaphore, #tpu.memory_space<semaphore_mem>>) src(%dma_wait3A_283 : memref<640x16xf32, #tpu.memory_space<hbm>>) dst(%dma_wait3A_281 : memref<640x16xf32, #tpu.memory_space<vmem_shared>>)
      tpu.yield
    }) : () -> ()
    %mul3A_3 = arith.constant 10000 : i32
    %mul3A_4 = arith.muli %add3A, %mul3A_3 : i32
    %run_scoped3A = arith.constant 0 : i32
    "tpu.region"() ({
      %run_scoped3A_275 = tpu.sem_alloc : memref<!tpu.dma_semaphore, #tpu.memory_space<semaphore_mem>>
      %dma_start3A_276 = tpu.memref_slice %arg3[%run_scoped3A, %mul3A_4] : memref<2x320000xi32, #tpu.memory_space<hbm>> -> memref<1x10000xi32, #tpu.memory_space<hbm>>
      %dma_start3A_277 = tpu.memref_squeeze %dma_start3A_276 : memref<1x10000xi32, #tpu.memory_space<hbm>> -> memref<10000xi32, #tpu.memory_space<hbm>>
      %dma_start3A_278 = tpu.memref_slice %arg3[%run_scoped3A, %mul3A_4] : memref<2x320000xi32, #tpu.memory_space<hbm>> -> memref<1x10000xi32, #tpu.memory_space<hbm>>
      %dma_start3A_279 = tpu.memref_squeeze %dma_start3A_278 : memref<1x10000xi32, #tpu.memory_space<hbm>> -> memref<10000xi32, #tpu.memory_space<hbm>>
      tpu.enqueue_dma source(%dma_start3A_279 : memref<10000xi32, #tpu.memory_space<hbm>>) target(%arg6 : memref<10000xi32, #tpu.memory_space<vmem>>) target_semaphore(%run_scoped3A_275 : memref<!tpu.dma_semaphore, #tpu.memory_space<semaphore_mem>>)
      %dma_wait3A_280 = tpu.memref_slice %arg3[%run_scoped3A, %mul3A_4] : memref<2x320000xi32, #tpu.memory_space<hbm>> -> memref<1x10000xi32, #tpu.memory_space<hbm>>
      %dma_wait3A_281 = tpu.memref_squeeze %dma_wait3A_280 : memref<1x10000xi32, #tpu.memory_space<hbm>> -> memref<10000xi32, #tpu.memory_space<hbm>>
      %dma_wait3A_282 = tpu.memref_slice %arg3[%run_scoped3A, %mul3A_4] : memref<2x320000xi32, #tpu.memory_space<hbm>> -> memref<1x10000xi32, #tpu.memory_space<hbm>>
      %dma_wait3A_283 = tpu.memref_squeeze %dma_wait3A_282 : memref<1x10000xi32, #tpu.memory_space<hbm>> -> memref<10000xi32, #tpu.memory_space<hbm>>
      tpu.wait_dma2 semaphore(%run_scoped3A_275 : memref<!tpu.dma_semaphore, #tpu.memory_space<semaphore_mem>>) src(%dma_wait3A_283 : memref<10000xi32, #tpu.memory_space<hbm>>) dst(%arg6 : memref<10000xi32, #tpu.memory_space<vmem>>)
      tpu.yield
    }) : () -> ()
    %mul3A_5 = arith.constant 10000 : i32
    %mul3A_6 = arith.muli %add3A, %mul3A_5 : i32
    %run_scoped3A_7 = arith.constant 1 : i32
    "tpu.region"() ({
      %run_scoped3A_275 = tpu.sem_alloc : memref<!tpu.dma_semaphore, #tpu.memory_space<semaphore_mem>>
      %dma_start3A_276 = tpu.memref_slice %arg3[%run_scoped3A_7, %mul3A_6] : memref<2x320000xi32, #tpu.memory_space<hbm>> -> memref<1x10000xi32, #tpu.memory_space<hbm>>
      %dma_start3A_277 = tpu.memref_squeeze %dma_start3A_276 : memref<1x10000xi32, #tpu.memory_space<hbm>> -> memref<10000xi32, #tpu.memory_space<hbm>>
      %dma_start3A_278 = tpu.memref_slice %arg3[%run_scoped3A_7, %mul3A_6] : memref<2x320000xi32, #tpu.memory_space<hbm>> -> memref<1x10000xi32, #tpu.memory_space<hbm>>
      %dma_start3A_279 = tpu.memref_squeeze %dma_start3A_278 : memref<1x10000xi32, #tpu.memory_space<hbm>> -> memref<10000xi32, #tpu.memory_space<hbm>>
      tpu.enqueue_dma source(%dma_start3A_279 : memref<10000xi32, #tpu.memory_space<hbm>>) target(%arg7 : memref<10000xi32, #tpu.memory_space<vmem>>) target_semaphore(%run_scoped3A_275 : memref<!tpu.dma_semaphore, #tpu.memory_space<semaphore_mem>>)
      %dma_wait3A_280 = tpu.memref_slice %arg3[%run_scoped3A_7, %mul3A_6] : memref<2x320000xi32, #tpu.memory_space<hbm>> -> memref<1x10000xi32, #tpu.memory_space<hbm>>
      %dma_wait3A_281 = tpu.memref_squeeze %dma_wait3A_280 : memref<1x10000xi32, #tpu.memory_space<hbm>> -> memref<10000xi32, #tpu.memory_space<hbm>>
      %dma_wait3A_282 = tpu.memref_slice %arg3[%run_scoped3A_7, %mul3A_6] : memref<2x320000xi32, #tpu.memory_space<hbm>> -> memref<1x10000xi32, #tpu.memory_space<hbm>>
      %dma_wait3A_283 = tpu.memref_squeeze %dma_wait3A_282 : memref<1x10000xi32, #tpu.memory_space<hbm>> -> memref<10000xi32, #tpu.memory_space<hbm>>
      tpu.wait_dma2 semaphore(%run_scoped3A_275 : memref<!tpu.dma_semaphore, #tpu.memory_space<semaphore_mem>>) src(%dma_wait3A_283 : memref<10000xi32, #tpu.memory_space<hbm>>) dst(%arg7 : memref<10000xi32, #tpu.memory_space<vmem>>)
      tpu.yield
    }) : () -> ()
    %barrier3A = arith.constant 0 : index
    tpu.barrier barrier_id(%barrier3A)
    %dma_start3A = arith.constant 0 : i32
    %dma_start3A_8 = arith.constant 0 : i32
    %dma_start3A_9 = arith.constant 0 : i32
    %dma_start3A_10 = tpu.memref_slice %arg8[%dma_start3A, %dma_start3A_8, %dma_start3A_9] : memref<6x128x16xf32, #tpu.memory_space<vmem>> -> memref<1x128x16xf32, #tpu.memory_space<vmem>>
    %dma_start3A_11 = tpu.memref_squeeze %dma_start3A_10 : memref<1x128x16xf32, #tpu.memory_space<vmem>> -> memref<128x16xf32, #tpu.memory_space<vmem>>
    %dma_start3A_12 = arith.constant 0 : i32
    %dma_start3A_13 = tpu.memref_slice %arg6[%dma_start3A_12] : memref<10000xi32, #tpu.memory_space<vmem>> -> memref<128xi32, #tpu.memory_space<vmem>>
    %dma_start3A_14 = arith.constant 0 : i32
    %dma_start3A_15 = arith.constant 0 : i32
    %dma_start3A_16 = tpu.memref_slice %arg2[%dma_start3A_14, %dma_start3A_15] : memref<10000x16xf32, #tpu.memory_space<hbm>> -> memref<10000x16xf32, #tpu.memory_space<hbm>>
    tpu.enqueue_indirect_dma source(%dma_start3A_16 : memref<10000x16xf32, #tpu.memory_space<hbm>>) target(%dma_start3A_11 : memref<128x16xf32, #tpu.memory_space<vmem>>) offsets(%dma_start3A_13 : memref<128xi32, #tpu.memory_space<vmem>>) semaphore(%arg10 : memref<!tpu.dma_semaphore, #tpu.memory_space<semaphore_mem>>)
    %dma_wait3A = arith.constant 0 : i32
    %dma_wait3A_17 = arith.constant 0 : i32
    %dma_wait3A_18 = arith.constant 0 : i32
    %dma_wait3A_19 = tpu.memref_slice %arg8[%dma_wait3A, %dma_wait3A_17, %dma_wait3A_18] : memref<6x128x16xf32, #tpu.memory_space<vmem>> -> memref<1x128x16xf32, #tpu.memory_space<vmem>>
    %dma_wait3A_20 = tpu.memref_squeeze %dma_wait3A_19 : memref<1x128x16xf32, #tpu.memory_space<vmem>> -> memref<128x16xf32, #tpu.memory_space<vmem>>
    %dma_wait3A_21 = arith.constant 0 : i32
    %dma_wait3A_22 = tpu.memref_slice %arg6[%dma_wait3A_21] : memref<10000xi32, #tpu.memory_space<vmem>> -> memref<128xi32, #tpu.memory_space<vmem>>
    %dma_wait3A_23 = arith.constant 0 : i32
    %dma_wait3A_24 = arith.constant 0 : i32
    %dma_wait3A_25 = tpu.memref_slice %arg2[%dma_wait3A_23, %dma_wait3A_24] : memref<10000x16xf32, #tpu.memory_space<hbm>> -> memref<10000x16xf32, #tpu.memory_space<hbm>>
    tpu.wait_indirect_dma semaphore(%arg10 : memref<!tpu.dma_semaphore, #tpu.memory_space<semaphore_mem>>) src(%dma_wait3A_25 : memref<10000x16xf32, #tpu.memory_space<hbm>>) dst(%dma_wait3A_20 : memref<128x16xf32, #tpu.memory_space<vmem>>)
    %dma_start3A_26 = arith.constant 0 : i32
    %dma_start3A_27 = arith.constant 0 : i32
    %dma_start3A_28 = arith.constant 0 : i32
    %dma_start3A_29 = tpu.memref_slice %arg8[%dma_start3A_26, %dma_start3A_27, %dma_start3A_28] : memref<6x128x16xf32, #tpu.memory_space<vmem>> -> memref<1x128x16xf32, #tpu.memory_space<vmem>>
    %dma_start3A_30 = tpu.memref_squeeze %dma_start3A_29 : memref<1x128x16xf32, #tpu.memory_space<vmem>> -> memref<128x16xf32, #tpu.memory_space<vmem>>
    %dma_start3A_31 = arith.constant 0 : i32
    %dma_start3A_32 = tpu.memref_slice %arg7[%dma_start3A_31] : memref<10000xi32, #tpu.memory_space<vmem>> -> memref<128xi32, #tpu.memory_space<vmem>>
    %dma_start3A_33 = arith.constant 0 : i32
    %dma_start3A_34 = arith.constant 0 : i32
    %dma_start3A_35 = tpu.memref_slice %arg9[%dma_start3A_33, %dma_start3A_34] : memref<10240x16xf32, #tpu.memory_space<vmem_shared>> -> memref<10240x16xf32, #tpu.memory_space<vmem_shared>>
    tpu.enqueue_indirect_dma source(%dma_start3A_30 : memref<128x16xf32, #tpu.memory_space<vmem>>) target(%dma_start3A_35 : memref<10240x16xf32, #tpu.memory_space<vmem_shared>>) offsets(%dma_start3A_32 : memref<128xi32, #tpu.memory_space<vmem>>) semaphore(%arg16 : memref<!tpu.dma_semaphore, #tpu.memory_space<semaphore_mem>>) {add = true}
    %dma_start3A_36 = arith.constant 1 : i32
    %dma_start3A_37 = arith.constant 0 : i32
    %dma_start3A_38 = arith.constant 0 : i32
    %dma_start3A_39 = tpu.memref_slice %arg8[%dma_start3A_36, %dma_start3A_37, %dma_start3A_38] : memref<6x128x16xf32, #tpu.memory_space<vmem>> -> memref<1x128x16xf32, #tpu.memory_space<vmem>>
    %dma_start3A_40 = tpu.memref_squeeze %dma_start3A_39 : memref<1x128x16xf32, #tpu.memory_space<vmem>> -> memref<128x16xf32, #tpu.memory_space<vmem>>
    %dma_start3A_41 = arith.constant 128 : i32
    %dma_start3A_42 = tpu.memref_slice %arg6[%dma_start3A_41] : memref<10000xi32, #tpu.memory_space<vmem>> -> memref<128xi32, #tpu.memory_space<vmem>>
    %dma_start3A_43 = arith.constant 0 : i32
    %dma_start3A_44 = arith.constant 0 : i32
    %dma_start3A_45 = tpu.memref_slice %arg2[%dma_start3A_43, %dma_start3A_44] : memref<10000x16xf32, #tpu.memory_space<hbm>> -> memref<10000x16xf32, #tpu.memory_space<hbm>>
    tpu.enqueue_indirect_dma source(%dma_start3A_45 : memref<10000x16xf32, #tpu.memory_space<hbm>>) target(%dma_start3A_40 : memref<128x16xf32, #tpu.memory_space<vmem>>) offsets(%dma_start3A_42 : memref<128xi32, #tpu.memory_space<vmem>>) semaphore(%arg11 : memref<!tpu.dma_semaphore, #tpu.memory_space<semaphore_mem>>)
    %dma_wait3A_46 = arith.constant 1 : i32
    %dma_wait3A_47 = arith.constant 0 : i32
    %dma_wait3A_48 = arith.constant 0 : i32
    %dma_wait3A_49 = tpu.memref_slice %arg8[%dma_wait3A_46, %dma_wait3A_47, %dma_wait3A_48] : memref<6x128x16xf32, #tpu.memory_space<vmem>> -> memref<1x128x16xf32, #tpu.memory_space<vmem>>
    %dma_wait3A_50 = tpu.memref_squeeze %dma_wait3A_49 : memref<1x128x16xf32, #tpu.memory_space<vmem>> -> memref<128x16xf32, #tpu.memory_space<vmem>>
    %dma_wait3A_51 = arith.constant 128 : i32
    %dma_wait3A_52 = tpu.memref_slice %arg6[%dma_wait3A_51] : memref<10000xi32, #tpu.memory_space<vmem>> -> memref<128xi32, #tpu.memory_space<vmem>>
    %dma_wait3A_53 = arith.constant 0 : i32
    %dma_wait3A_54 = arith.constant 0 : i32
    %dma_wait3A_55 = tpu.memref_slice %arg2[%dma_wait3A_53, %dma_wait3A_54] : memref<10000x16xf32, #tpu.memory_space<hbm>> -> memref<10000x16xf32, #tpu.memory_space<hbm>>
    tpu.wait_indirect_dma semaphore(%arg11 : memref<!tpu.dma_semaphore, #tpu.memory_space<semaphore_mem>>) src(%dma_wait3A_55 : memref<10000x16xf32, #tpu.memory_space<hbm>>) dst(%dma_wait3A_50 : memref<128x16xf32, #tpu.memory_space<vmem>>)
    %dma_start3A_56 = arith.constant 1 : i32
    %dma_start3A_57 = arith.constant 0 : i32
    %dma_start3A_58 = arith.constant 0 : i32
    %dma_start3A_59 = tpu.memref_slice %arg8[%dma_start3A_56, %dma_start3A_57, %dma_start3A_58] : memref<6x128x16xf32, #tpu.memory_space<vmem>> -> memref<1x128x16xf32, #tpu.memory_space<vmem>>
    %dma_start3A_60 = tpu.memref_squeeze %dma_start3A_59 : memref<1x128x16xf32, #tpu.memory_space<vmem>> -> memref<128x16xf32, #tpu.memory_space<vmem>>
    %dma_start3A_61 = arith.constant 128 : i32
    %dma_start3A_62 = tpu.memref_slice %arg7[%dma_start3A_61] : memref<10000xi32, #tpu.memory_space<vmem>> -> memref<128xi32, #tpu.memory_space<vmem>>
    %dma_start3A_63 = arith.constant 0 : i32
    %dma_start3A_64 = arith.constant 0 : i32
    %dma_start3A_65 = tpu.memref_slice %arg9[%dma_start3A_63, %dma_start3A_64] : memref<10240x16xf32, #tpu.memory_space<vmem_shared>> -> memref<10240x16xf32, #tpu.memory_space<vmem_shared>>
    tpu.enqueue_indirect_dma source(%dma_start3A_60 : memref<128x16xf32, #tpu.memory_space<vmem>>) target(%dma_start3A_65 : memref<10240x16xf32, #tpu.memory_space<vmem_shared>>) offsets(%dma_start3A_62 : memref<128xi32, #tpu.memory_space<vmem>>) semaphore(%arg17 : memref<!tpu.dma_semaphore, #tpu.memory_space<semaphore_mem>>) {add = true}
    %dma_start3A_66 = arith.constant 2 : i32
    %dma_start3A_67 = arith.constant 0 : i32
    %dma_start3A_68 = arith.constant 0 : i32
    %dma_start3A_69 = tpu.memref_slice %arg8[%dma_start3A_66, %dma_start3A_67, %dma_start3A_68] : memref<6x128x16xf32, #tpu.memory_space<vmem>> -> memref<1x128x16xf32, #tpu.memory_space<vmem>>
    %dma_start3A_70 = tpu.memref_squeeze %dma_start3A_69 : memref<1x128x16xf32, #tpu.memory_space<vmem>> -> memref<128x16xf32, #tpu.memory_space<vmem>>
    %dma_start3A_71 = arith.constant 256 : i32
    %dma_start3A_72 = tpu.memref_slice %arg6[%dma_start3A_71] : memref<10000xi32, #tpu.memory_space<vmem>> -> memref<128xi32, #tpu.memory_space<vmem>>
    %dma_start3A_73 = arith.constant 0 : i32
    %dma_start3A_74 = arith.constant 0 : i32
    %dma_start3A_75 = tpu.memref_slice %arg2[%dma_start3A_73, %dma_start3A_74] : memref<10000x16xf32, #tpu.memory_space<hbm>> -> memref<10000x16xf32, #tpu.memory_space<hbm>>
    tpu.enqueue_indirect_dma source(%dma_start3A_75 : memref<10000x16xf32, #tpu.memory_space<hbm>>) target(%dma_start3A_70 : memref<128x16xf32, #tpu.memory_space<vmem>>) offsets(%dma_start3A_72 : memref<128xi32, #tpu.memory_space<vmem>>) semaphore(%arg12 : memref<!tpu.dma_semaphore, #tpu.memory_space<semaphore_mem>>)
    %dma_wait3A_76 = arith.constant 2 : i32
    %dma_wait3A_77 = arith.constant 0 : i32
    %dma_wait3A_78 = arith.constant 0 : i32
    %dma_wait3A_79 = tpu.memref_slice %arg8[%dma_wait3A_76, %dma_wait3A_77, %dma_wait3A_78] : memref<6x128x16xf32, #tpu.memory_space<vmem>> -> memref<1x128x16xf32, #tpu.memory_space<vmem>>
    %dma_wait3A_80 = tpu.memref_squeeze %dma_wait3A_79 : memref<1x128x16xf32, #tpu.memory_space<vmem>> -> memref<128x16xf32, #tpu.memory_space<vmem>>
    %dma_wait3A_81 = arith.constant 256 : i32
    %dma_wait3A_82 = tpu.memref_slice %arg6[%dma_wait3A_81] : memref<10000xi32, #tpu.memory_space<vmem>> -> memref<128xi32, #tpu.memory_space<vmem>>
    %dma_wait3A_83 = arith.constant 0 : i32
    %dma_wait3A_84 = arith.constant 0 : i32
    %dma_wait3A_85 = tpu.memref_slice %arg2[%dma_wait3A_83, %dma_wait3A_84] : memref<10000x16xf32, #tpu.memory_space<hbm>> -> memref<10000x16xf32, #tpu.memory_space<hbm>>
    tpu.wait_indirect_dma semaphore(%arg12 : memref<!tpu.dma_semaphore, #tpu.memory_space<semaphore_mem>>) src(%dma_wait3A_85 : memref<10000x16xf32, #tpu.memory_space<hbm>>) dst(%dma_wait3A_80 : memref<128x16xf32, #tpu.memory_space<vmem>>)
    %dma_start3A_86 = arith.constant 2 : i32
    %dma_start3A_87 = arith.constant 0 : i32
    %dma_start3A_88 = arith.constant 0 : i32
    %dma_start3A_89 = tpu.memref_slice %arg8[%dma_start3A_86, %dma_start3A_87, %dma_start3A_88] : memref<6x128x16xf32, #tpu.memory_space<vmem>> -> memref<1x128x16xf32, #tpu.memory_space<vmem>>
    %dma_start3A_90 = tpu.memref_squeeze %dma_start3A_89 : memref<1x128x16xf32, #tpu.memory_space<vmem>> -> memref<128x16xf32, #tpu.memory_space<vmem>>
    %dma_start3A_91 = arith.constant 256 : i32
    %dma_start3A_92 = tpu.memref_slice %arg7[%dma_start3A_91] : memref<10000xi32, #tpu.memory_space<vmem>> -> memref<128xi32, #tpu.memory_space<vmem>>
    %dma_start3A_93 = arith.constant 0 : i32
    %dma_start3A_94 = arith.constant 0 : i32
    %dma_start3A_95 = tpu.memref_slice %arg9[%dma_start3A_93, %dma_start3A_94] : memref<10240x16xf32, #tpu.memory_space<vmem_shared>> -> memref<10240x16xf32, #tpu.memory_space<vmem_shared>>
    tpu.enqueue_indirect_dma source(%dma_start3A_90 : memref<128x16xf32, #tpu.memory_space<vmem>>) target(%dma_start3A_95 : memref<10240x16xf32, #tpu.memory_space<vmem_shared>>) offsets(%dma_start3A_92 : memref<128xi32, #tpu.memory_space<vmem>>) semaphore(%arg18 : memref<!tpu.dma_semaphore, #tpu.memory_space<semaphore_mem>>) {add = true}
    %dma_start3A_96 = arith.constant 3 : i32
    %dma_start3A_97 = arith.constant 0 : i32
    %dma_start3A_98 = arith.constant 0 : i32
    %dma_start3A_99 = tpu.memref_slice %arg8[%dma_start3A_96, %dma_start3A_97, %dma_start3A_98] : memref<6x128x16xf32, #tpu.memory_space<vmem>> -> memref<1x128x16xf32, #tpu.memory_space<vmem>>
    %dma_start3A_100 = tpu.memref_squeeze %dma_start3A_99 : memref<1x128x16xf32, #tpu.memory_space<vmem>> -> memref<128x16xf32, #tpu.memory_space<vmem>>
    %dma_start3A_101 = arith.constant 384 : i32
    %dma_start3A_102 = tpu.memref_slice %arg6[%dma_start3A_101] : memref<10000xi32, #tpu.memory_space<vmem>> -> memref<128xi32, #tpu.memory_space<vmem>>
    %dma_start3A_103 = arith.constant 0 : i32
    %dma_start3A_104 = arith.constant 0 : i32
    %dma_start3A_105 = tpu.memref_slice %arg2[%dma_start3A_103, %dma_start3A_104] : memref<10000x16xf32, #tpu.memory_space<hbm>> -> memref<10000x16xf32, #tpu.memory_space<hbm>>
    tpu.enqueue_indirect_dma source(%dma_start3A_105 : memref<10000x16xf32, #tpu.memory_space<hbm>>) target(%dma_start3A_100 : memref<128x16xf32, #tpu.memory_space<vmem>>) offsets(%dma_start3A_102 : memref<128xi32, #tpu.memory_space<vmem>>) semaphore(%arg13 : memref<!tpu.dma_semaphore, #tpu.memory_space<semaphore_mem>>)
    %dma_wait3A_106 = arith.constant 3 : i32
    %dma_wait3A_107 = arith.constant 0 : i32
    %dma_wait3A_108 = arith.constant 0 : i32
    %dma_wait3A_109 = tpu.memref_slice %arg8[%dma_wait3A_106, %dma_wait3A_107, %dma_wait3A_108] : memref<6x128x16xf32, #tpu.memory_space<vmem>> -> memref<1x128x16xf32, #tpu.memory_space<vmem>>
    %dma_wait3A_110 = tpu.memref_squeeze %dma_wait3A_109 : memref<1x128x16xf32, #tpu.memory_space<vmem>> -> memref<128x16xf32, #tpu.memory_space<vmem>>
    %dma_wait3A_111 = arith.constant 384 : i32
    %dma_wait3A_112 = tpu.memref_slice %arg6[%dma_wait3A_111] : memref<10000xi32, #tpu.memory_space<vmem>> -> memref<128xi32, #tpu.memory_space<vmem>>
    %dma_wait3A_113 = arith.constant 0 : i32
    %dma_wait3A_114 = arith.constant 0 : i32
    %dma_wait3A_115 = tpu.memref_slice %arg2[%dma_wait3A_113, %dma_wait3A_114] : memref<10000x16xf32, #tpu.memory_space<hbm>> -> memref<10000x16xf32, #tpu.memory_space<hbm>>
    tpu.wait_indirect_dma semaphore(%arg13 : memref<!tpu.dma_semaphore, #tpu.memory_space<semaphore_mem>>) src(%dma_wait3A_115 : memref<10000x16xf32, #tpu.memory_space<hbm>>) dst(%dma_wait3A_110 : memref<128x16xf32, #tpu.memory_space<vmem>>)
    %dma_start3A_116 = arith.constant 3 : i32
    %dma_start3A_117 = arith.constant 0 : i32
    %dma_start3A_118 = arith.constant 0 : i32
    %dma_start3A_119 = tpu.memref_slice %arg8[%dma_start3A_116, %dma_start3A_117, %dma_start3A_118] : memref<6x128x16xf32, #tpu.memory_space<vmem>> -> memref<1x128x16xf32, #tpu.memory_space<vmem>>
    %dma_start3A_120 = tpu.memref_squeeze %dma_start3A_119 : memref<1x128x16xf32, #tpu.memory_space<vmem>> -> memref<128x16xf32, #tpu.memory_space<vmem>>
    %dma_start3A_121 = arith.constant 384 : i32
    %dma_start3A_122 = tpu.memref_slice %arg7[%dma_start3A_121] : memref<10000xi32, #tpu.memory_space<vmem>> -> memref<128xi32, #tpu.memory_space<vmem>>
    %dma_start3A_123 = arith.constant 0 : i32
    %dma_start3A_124 = arith.constant 0 : i32
    %dma_start3A_125 = tpu.memref_slice %arg9[%dma_start3A_123, %dma_start3A_124] : memref<10240x16xf32, #tpu.memory_space<vmem_shared>> -> memref<10240x16xf32, #tpu.memory_space<vmem_shared>>
    tpu.enqueue_indirect_dma source(%dma_start3A_120 : memref<128x16xf32, #tpu.memory_space<vmem>>) target(%dma_start3A_125 : memref<10240x16xf32, #tpu.memory_space<vmem_shared>>) offsets(%dma_start3A_122 : memref<128xi32, #tpu.memory_space<vmem>>) semaphore(%arg19 : memref<!tpu.dma_semaphore, #tpu.memory_space<semaphore_mem>>) {add = true}
    %dma_start3A_126 = arith.constant 4 : i32
    %dma_start3A_127 = arith.constant 0 : i32
    %dma_start3A_128 = arith.constant 0 : i32
    %dma_start3A_129 = tpu.memref_slice %arg8[%dma_start3A_126, %dma_start3A_127, %dma_start3A_128] : memref<6x128x16xf32, #tpu.memory_space<vmem>> -> memref<1x128x16xf32, #tpu.memory_space<vmem>>
    %dma_start3A_130 = tpu.memref_squeeze %dma_start3A_129 : memref<1x128x16xf32, #tpu.memory_space<vmem>> -> memref<128x16xf32, #tpu.memory_space<vmem>>
    %dma_start3A_131 = arith.constant 512 : i32
    %dma_start3A_132 = tpu.memref_slice %arg6[%dma_start3A_131] : memref<10000xi32, #tpu.memory_space<vmem>> -> memref<128xi32, #tpu.memory_space<vmem>>
    %dma_start3A_133 = arith.constant 0 : i32
    %dma_start3A_134 = arith.constant 0 : i32
    %dma_start3A_135 = tpu.memref_slice %arg2[%dma_start3A_133, %dma_start3A_134] : memref<10000x16xf32, #tpu.memory_space<hbm>> -> memref<10000x16xf32, #tpu.memory_space<hbm>>
    tpu.enqueue_indirect_dma source(%dma_start3A_135 : memref<10000x16xf32, #tpu.memory_space<hbm>>) target(%dma_start3A_130 : memref<128x16xf32, #tpu.memory_space<vmem>>) offsets(%dma_start3A_132 : memref<128xi32, #tpu.memory_space<vmem>>) semaphore(%arg14 : memref<!tpu.dma_semaphore, #tpu.memory_space<semaphore_mem>>)
    %dma_wait3A_136 = arith.constant 4 : i32
    %dma_wait3A_137 = arith.constant 0 : i32
    %dma_wait3A_138 = arith.constant 0 : i32
    %dma_wait3A_139 = tpu.memref_slice %arg8[%dma_wait3A_136, %dma_wait3A_137, %dma_wait3A_138] : memref<6x128x16xf32, #tpu.memory_space<vmem>> -> memref<1x128x16xf32, #tpu.memory_space<vmem>>
    %dma_wait3A_140 = tpu.memref_squeeze %dma_wait3A_139 : memref<1x128x16xf32, #tpu.memory_space<vmem>> -> memref<128x16xf32, #tpu.memory_space<vmem>>
    %dma_wait3A_141 = arith.constant 512 : i32
    %dma_wait3A_142 = tpu.memref_slice %arg6[%dma_wait3A_141] : memref<10000xi32, #tpu.memory_space<vmem>> -> memref<128xi32, #tpu.memory_space<vmem>>
    %dma_wait3A_143 = arith.constant 0 : i32
    %dma_wait3A_144 = arith.constant 0 : i32
    %dma_wait3A_145 = tpu.memref_slice %arg2[%dma_wait3A_143, %dma_wait3A_144] : memref<10000x16xf32, #tpu.memory_space<hbm>> -> memref<10000x16xf32, #tpu.memory_space<hbm>>
    tpu.wait_indirect_dma semaphore(%arg14 : memref<!tpu.dma_semaphore, #tpu.memory_space<semaphore_mem>>) src(%dma_wait3A_145 : memref<10000x16xf32, #tpu.memory_space<hbm>>) dst(%dma_wait3A_140 : memref<128x16xf32, #tpu.memory_space<vmem>>)
    %dma_start3A_146 = arith.constant 4 : i32
    %dma_start3A_147 = arith.constant 0 : i32
    %dma_start3A_148 = arith.constant 0 : i32
    %dma_start3A_149 = tpu.memref_slice %arg8[%dma_start3A_146, %dma_start3A_147, %dma_start3A_148] : memref<6x128x16xf32, #tpu.memory_space<vmem>> -> memref<1x128x16xf32, #tpu.memory_space<vmem>>
    %dma_start3A_150 = tpu.memref_squeeze %dma_start3A_149 : memref<1x128x16xf32, #tpu.memory_space<vmem>> -> memref<128x16xf32, #tpu.memory_space<vmem>>
    %dma_start3A_151 = arith.constant 512 : i32
    %dma_start3A_152 = tpu.memref_slice %arg7[%dma_start3A_151] : memref<10000xi32, #tpu.memory_space<vmem>> -> memref<128xi32, #tpu.memory_space<vmem>>
    %dma_start3A_153 = arith.constant 0 : i32
    %dma_start3A_154 = arith.constant 0 : i32
    %dma_start3A_155 = tpu.memref_slice %arg9[%dma_start3A_153, %dma_start3A_154] : memref<10240x16xf32, #tpu.memory_space<vmem_shared>> -> memref<10240x16xf32, #tpu.memory_space<vmem_shared>>
    tpu.enqueue_indirect_dma source(%dma_start3A_150 : memref<128x16xf32, #tpu.memory_space<vmem>>) target(%dma_start3A_155 : memref<10240x16xf32, #tpu.memory_space<vmem_shared>>) offsets(%dma_start3A_152 : memref<128xi32, #tpu.memory_space<vmem>>) semaphore(%arg20 : memref<!tpu.dma_semaphore, #tpu.memory_space<semaphore_mem>>) {add = true}
    %dma_start3A_156 = arith.constant 5 : i32
    %dma_start3A_157 = arith.constant 0 : i32
    %dma_start3A_158 = arith.constant 0 : i32
    %dma_start3A_159 = tpu.memref_slice %arg8[%dma_start3A_156, %dma_start3A_157, %dma_start3A_158] : memref<6x128x16xf32, #tpu.memory_space<vmem>> -> memref<1x128x16xf32, #tpu.memory_space<vmem>>
    %dma_start3A_160 = tpu.memref_squeeze %dma_start3A_159 : memref<1x128x16xf32, #tpu.memory_space<vmem>> -> memref<128x16xf32, #tpu.memory_space<vmem>>
    %dma_start3A_161 = arith.constant 640 : i32
    %dma_start3A_162 = tpu.memref_slice %arg6[%dma_start3A_161] : memref<10000xi32, #tpu.memory_space<vmem>> -> memref<128xi32, #tpu.memory_space<vmem>>
    %dma_start3A_163 = arith.constant 0 : i32
    %dma_start3A_164 = arith.constant 0 : i32
    %dma_start3A_165 = tpu.memref_slice %arg2[%dma_start3A_163, %dma_start3A_164] : memref<10000x16xf32, #tpu.memory_space<hbm>> -> memref<10000x16xf32, #tpu.memory_space<hbm>>
    tpu.enqueue_indirect_dma source(%dma_start3A_165 : memref<10000x16xf32, #tpu.memory_space<hbm>>) target(%dma_start3A_160 : memref<128x16xf32, #tpu.memory_space<vmem>>) offsets(%dma_start3A_162 : memref<128xi32, #tpu.memory_space<vmem>>) semaphore(%arg15 : memref<!tpu.dma_semaphore, #tpu.memory_space<semaphore_mem>>)
    %scan3A = arith.constant 0 : i32
    %scan3A_166 = arith.constant 12 : i32
    %scan3A_167 = arith.addi %scan3A, %scan3A_166 : i32
    %scan3A_168 = arith.constant 1 : i32
    scf.for %scan3A_275 = %scan3A to %scan3A_167 step %scan3A_168  : i32 {
      %mul3A_276 = arith.constant 1 : i32
      %mul3A_277 = arith.muli %scan3A_275, %mul3A_276 : i32
      %add3A_278 = arith.constant 0 : i32
      %add3A_279 = arith.addi %add3A_278, %mul3A_277 : i32
      %mul3A_280 = arith.constant 6 : i32
      %mul3A_281 = arith.muli %add3A_279, %mul3A_280 : i32
      %add3A_282 = arith.constant 5 : i32
      %add3A_283 = arith.addi %add3A_282, %mul3A_281 : i32
      %add3A_284 = arith.constant 0 : i32
      %add3A_285 = arith.addi %add3A_283, %add3A_284 : i32
      %add3A_286 = arith.constant 1 : i32
      %add3A_287 = arith.addi %add3A_285, %add3A_286 : i32
      %sub3A = arith.constant 6 : i32
      %sub3A_288 = arith.subi %add3A_287, %sub3A : i32
      %mul3A_289 = arith.constant 128 : i32
      %mul3A_290 = arith.muli %sub3A_288, %mul3A_289 : i32
      %dma_wait3A_291 = arith.constant 0 : i32
      %dma_wait3A_292 = arith.constant 0 : i32
      %dma_wait3A_293 = arith.constant 0 : i32
      %dma_wait3A_294 = tpu.memref_slice %arg8[%dma_wait3A_291, %dma_wait3A_292, %dma_wait3A_293] : memref<6x128x16xf32, #tpu.memory_space<vmem>> -> memref<1x128x16xf32, #tpu.memory_space<vmem>>
      %dma_wait3A_295 = tpu.memref_squeeze %dma_wait3A_294 : memref<1x128x16xf32, #tpu.memory_space<vmem>> -> memref<128x16xf32, #tpu.memory_space<vmem>>
      %dma_wait3A_296 = tpu.memref_slice %arg7[%mul3A_290] : memref<10000xi32, #tpu.memory_space<vmem>> -> memref<128xi32, #tpu.memory_space<vmem>>
      %dma_wait3A_297 = arith.constant 0 : i32
      %dma_wait3A_298 = arith.constant 0 : i32
      %dma_wait3A_299 = tpu.memref_slice %arg9[%dma_wait3A_297, %dma_wait3A_298] : memref<10240x16xf32, #tpu.memory_space<vmem_shared>> -> memref<10240x16xf32, #tpu.memory_space<vmem_shared>>
      tpu.wait_indirect_dma semaphore(%arg16 : memref<!tpu.dma_semaphore, #tpu.memory_space<semaphore_mem>>) src(%dma_wait3A_295 : memref<128x16xf32, #tpu.memory_space<vmem>>) dst(%dma_wait3A_299 : memref<10240x16xf32, #tpu.memory_space<vmem_shared>>)
      %add3A_300 = arith.constant 1 : i32
      %add3A_301 = arith.addi %add3A_285, %add3A_300 : i32
      %mul3A_302 = arith.constant 128 : i32
      %mul3A_303 = arith.muli %add3A_301, %mul3A_302 : i32
      %dma_start3A_304 = arith.constant 0 : i32
      %dma_start3A_305 = arith.constant 0 : i32
      %dma_start3A_306 = arith.constant 0 : i32
      %dma_start3A_307 = tpu.memref_slice %arg8[%dma_start3A_304, %dma_start3A_305, %dma_start3A_306] : memref<6x128x16xf32, #tpu.memory_space<vmem>> -> memref<1x128x16xf32, #tpu.memory_space<vmem>>
      %dma_start3A_308 = tpu.memref_squeeze %dma_start3A_307 : memref<1x128x16xf32, #tpu.memory_space<vmem>> -> memref<128x16xf32, #tpu.memory_space<vmem>>
      %dma_start3A_309 = tpu.memref_slice %arg6[%mul3A_303] : memref<10000xi32, #tpu.memory_space<vmem>> -> memref<128xi32, #tpu.memory_space<vmem>>
      %dma_start3A_310 = arith.constant 0 : i32
      %dma_start3A_311 = arith.constant 0 : i32
      %dma_start3A_312 = tpu.memref_slice %arg2[%dma_start3A_310, %dma_start3A_311] : memref<10000x16xf32, #tpu.memory_space<hbm>> -> memref<10000x16xf32, #tpu.memory_space<hbm>>
      tpu.enqueue_indirect_dma source(%dma_start3A_312 : memref<10000x16xf32, #tpu.memory_space<hbm>>) target(%dma_start3A_308 : memref<128x16xf32, #tpu.memory_space<vmem>>) offsets(%dma_start3A_309 : memref<128xi32, #tpu.memory_space<vmem>>) semaphore(%arg10 : memref<!tpu.dma_semaphore, #tpu.memory_space<semaphore_mem>>)
      %mul3A_313 = arith.constant 128 : i32
      %mul3A_314 = arith.muli %add3A_285, %mul3A_313 : i32
      %dma_wait3A_315 = arith.constant 5 : i32
      %dma_wait3A_316 = arith.constant 0 : i32
      %dma_wait3A_317 = arith.constant 0 : i32
      %dma_wait3A_318 = tpu.memref_slice %arg8[%dma_wait3A_315, %dma_wait3A_316, %dma_wait3A_317] : memref<6x128x16xf32, #tpu.memory_space<vmem>> -> memref<1x128x16xf32, #tpu.memory_space<vmem>>
      %dma_wait3A_319 = tpu.memref_squeeze %dma_wait3A_318 : memref<1x128x16xf32, #tpu.memory_space<vmem>> -> memref<128x16xf32, #tpu.memory_space<vmem>>
      %dma_wait3A_320 = tpu.memref_slice %arg6[%mul3A_314] : memref<10000xi32, #tpu.memory_space<vmem>> -> memref<128xi32, #tpu.memory_space<vmem>>
      %dma_wait3A_321 = arith.constant 0 : i32
      %dma_wait3A_322 = arith.constant 0 : i32
      %dma_wait3A_323 = tpu.memref_slice %arg2[%dma_wait3A_321, %dma_wait3A_322] : memref<10000x16xf32, #tpu.memory_space<hbm>> -> memref<10000x16xf32, #tpu.memory_space<hbm>>
      tpu.wait_indirect_dma semaphore(%arg15 : memref<!tpu.dma_semaphore, #tpu.memory_space<semaphore_mem>>) src(%dma_wait3A_323 : memref<10000x16xf32, #tpu.memory_space<hbm>>) dst(%dma_wait3A_319 : memref<128x16xf32, #tpu.memory_space<vmem>>)
      %mul3A_324 = arith.constant 128 : i32
      %mul3A_325 = arith.muli %add3A_285, %mul3A_324 : i32
      %dma_start3A_326 = arith.constant 5 : i32
      %dma_start3A_327 = arith.constant 0 : i32
      %dma_start3A_328 = arith.constant 0 : i32
      %dma_start3A_329 = tpu.memref_slice %arg8[%dma_start3A_326, %dma_start3A_327, %dma_start3A_328] : memref<6x128x16xf32, #tpu.memory_space<vmem>> -> memref<1x128x16xf32, #tpu.memory_space<vmem>>
      %dma_start3A_330 = tpu.memref_squeeze %dma_start3A_329 : memref<1x128x16xf32, #tpu.memory_space<vmem>> -> memref<128x16xf32, #tpu.memory_space<vmem>>
      %dma_start3A_331 = tpu.memref_slice %arg7[%mul3A_325] : memref<10000xi32, #tpu.memory_space<vmem>> -> memref<128xi32, #tpu.memory_space<vmem>>
      %dma_start3A_332 = arith.constant 0 : i32
      %dma_start3A_333 = arith.constant 0 : i32
      %dma_start3A_334 = tpu.memref_slice %arg9[%dma_start3A_332, %dma_start3A_333] : memref<10240x16xf32, #tpu.memory_space<vmem_shared>> -> memref<10240x16xf32, #tpu.memory_space<vmem_shared>>
      tpu.enqueue_indirect_dma source(%dma_start3A_330 : memref<128x16xf32, #tpu.memory_space<vmem>>) target(%dma_start3A_334 : memref<10240x16xf32, #tpu.memory_space<vmem_shared>>) offsets(%dma_start3A_331 : memref<128xi32, #tpu.memory_space<vmem>>) semaphore(%arg21 : memref<!tpu.dma_semaphore, #tpu.memory_space<semaphore_mem>>) {add = true}
      %mul3A_335 = arith.constant 6 : i32
      %mul3A_336 = arith.muli %add3A_279, %mul3A_335 : i32
      %add3A_337 = arith.constant 5 : i32
      %add3A_338 = arith.addi %add3A_337, %mul3A_336 : i32
      %add3A_339 = arith.constant 1 : i32
      %add3A_340 = arith.addi %add3A_338, %add3A_339 : i32
      %add3A_341 = arith.constant 1 : i32
      %add3A_342 = arith.addi %add3A_340, %add3A_341 : i32
      %sub3A_343 = arith.constant 6 : i32
      %sub3A_344 = arith.subi %add3A_342, %sub3A_343 : i32
      %mul3A_345 = arith.constant 128 : i32
      %mul3A_346 = arith.muli %sub3A_344, %mul3A_345 : i32
      %dma_wait3A_347 = arith.constant 1 : i32
      %dma_wait3A_348 = arith.constant 0 : i32
      %dma_wait3A_349 = arith.constant 0 : i32
      %dma_wait3A_350 = tpu.memref_slice %arg8[%dma_wait3A_347, %dma_wait3A_348, %dma_wait3A_349] : memref<6x128x16xf32, #tpu.memory_space<vmem>> -> memref<1x128x16xf32, #tpu.memory_space<vmem>>
      %dma_wait3A_351 = tpu.memref_squeeze %dma_wait3A_350 : memref<1x128x16xf32, #tpu.memory_space<vmem>> -> memref<128x16xf32, #tpu.memory_space<vmem>>
      %dma_wait3A_352 = tpu.memref_slice %arg7[%mul3A_346] : memref<10000xi32, #tpu.memory_space<vmem>> -> memref<128xi32, #tpu.memory_space<vmem>>
      %dma_wait3A_353 = arith.constant 0 : i32
      %dma_wait3A_354 = arith.constant 0 : i32
      %dma_wait3A_355 = tpu.memref_slice %arg9[%dma_wait3A_353, %dma_wait3A_354] : memref<10240x16xf32, #tpu.memory_space<vmem_shared>> -> memref<10240x16xf32, #tpu.memory_space<vmem_shared>>
      tpu.wait_indirect_dma semaphore(%arg17 : memref<!tpu.dma_semaphore, #tpu.memory_space<semaphore_mem>>) src(%dma_wait3A_351 : memref<128x16xf32, #tpu.memory_space<vmem>>) dst(%dma_wait3A_355 : memref<10240x16xf32, #tpu.memory_space<vmem_shared>>)
      %add3A_356 = arith.constant 1 : i32
      %add3A_357 = arith.addi %add3A_340, %add3A_356 : i32
      %mul3A_358 = arith.constant 128 : i32
      %mul3A_359 = arith.muli %add3A_357, %mul3A_358 : i32
      %dma_start3A_360 = arith.constant 1 : i32
      %dma_start3A_361 = arith.constant 0 : i32
      %dma_start3A_362 = arith.constant 0 : i32
      %dma_start3A_363 = tpu.memref_slice %arg8[%dma_start3A_360, %dma_start3A_361, %dma_start3A_362] : memref<6x128x16xf32, #tpu.memory_space<vmem>> -> memref<1x128x16xf32, #tpu.memory_space<vmem>>
      %dma_start3A_364 = tpu.memref_squeeze %dma_start3A_363 : memref<1x128x16xf32, #tpu.memory_space<vmem>> -> memref<128x16xf32, #tpu.memory_space<vmem>>
      %dma_start3A_365 = tpu.memref_slice %arg6[%mul3A_359] : memref<10000xi32, #tpu.memory_space<vmem>> -> memref<128xi32, #tpu.memory_space<vmem>>
      %dma_start3A_366 = arith.constant 0 : i32
      %dma_start3A_367 = arith.constant 0 : i32
      %dma_start3A_368 = tpu.memref_slice %arg2[%dma_start3A_366, %dma_start3A_367] : memref<10000x16xf32, #tpu.memory_space<hbm>> -> memref<10000x16xf32, #tpu.memory_space<hbm>>
      tpu.enqueue_indirect_dma source(%dma_start3A_368 : memref<10000x16xf32, #tpu.memory_space<hbm>>) target(%dma_start3A_364 : memref<128x16xf32, #tpu.memory_space<vmem>>) offsets(%dma_start3A_365 : memref<128xi32, #tpu.memory_space<vmem>>) semaphore(%arg11 : memref<!tpu.dma_semaphore, #tpu.memory_space<semaphore_mem>>)
      %mul3A_369 = arith.constant 128 : i32
      %mul3A_370 = arith.muli %add3A_340, %mul3A_369 : i32
      %dma_wait3A_371 = arith.constant 0 : i32
      %dma_wait3A_372 = arith.constant 0 : i32
      %dma_wait3A_373 = arith.constant 0 : i32
      %dma_wait3A_374 = tpu.memref_slice %arg8[%dma_wait3A_371, %dma_wait3A_372, %dma_wait3A_373] : memref<6x128x16xf32, #tpu.memory_space<vmem>> -> memref<1x128x16xf32, #tpu.memory_space<vmem>>
      %dma_wait3A_375 = tpu.memref_squeeze %dma_wait3A_374 : memref<1x128x16xf32, #tpu.memory_space<vmem>> -> memref<128x16xf32, #tpu.memory_space<vmem>>
      %dma_wait3A_376 = tpu.memref_slice %arg6[%mul3A_370] : memref<10000xi32, #tpu.memory_space<vmem>> -> memref<128xi32, #tpu.memory_space<vmem>>
      %dma_wait3A_377 = arith.constant 0 : i32
      %dma_wait3A_378 = arith.constant 0 : i32
      %dma_wait3A_379 = tpu.memref_slice %arg2[%dma_wait3A_377, %dma_wait3A_378] : memref<10000x16xf32, #tpu.memory_space<hbm>> -> memref<10000x16xf32, #tpu.memory_space<hbm>>
      tpu.wait_indirect_dma semaphore(%arg10 : memref<!tpu.dma_semaphore, #tpu.memory_space<semaphore_mem>>) src(%dma_wait3A_379 : memref<10000x16xf32, #tpu.memory_space<hbm>>) dst(%dma_wait3A_375 : memref<128x16xf32, #tpu.memory_space<vmem>>)
      %mul3A_380 = arith.constant 128 : i32
      %mul3A_381 = arith.muli %add3A_340, %mul3A_380 : i32
      %dma_start3A_382 = arith.constant 0 : i32
      %dma_start3A_383 = arith.constant 0 : i32
      %dma_start3A_384 = arith.constant 0 : i32
      %dma_start3A_385 = tpu.memref_slice %arg8[%dma_start3A_382, %dma_start3A_383, %dma_start3A_384] : memref<6x128x16xf32, #tpu.memory_space<vmem>> -> memref<1x128x16xf32, #tpu.memory_space<vmem>>
      %dma_start3A_386 = tpu.memref_squeeze %dma_start3A_385 : memref<1x128x16xf32, #tpu.memory_space<vmem>> -> memref<128x16xf32, #tpu.memory_space<vmem>>
      %dma_start3A_387 = tpu.memref_slice %arg7[%mul3A_381] : memref<10000xi32, #tpu.memory_space<vmem>> -> memref<128xi32, #tpu.memory_space<vmem>>
      %dma_start3A_388 = arith.constant 0 : i32
      %dma_start3A_389 = arith.constant 0 : i32
      %dma_start3A_390 = tpu.memref_slice %arg9[%dma_start3A_388, %dma_start3A_389] : memref<10240x16xf32, #tpu.memory_space<vmem_shared>> -> memref<10240x16xf32, #tpu.memory_space<vmem_shared>>
      tpu.enqueue_indirect_dma source(%dma_start3A_386 : memref<128x16xf32, #tpu.memory_space<vmem>>) target(%dma_start3A_390 : memref<10240x16xf32, #tpu.memory_space<vmem_shared>>) offsets(%dma_start3A_387 : memref<128xi32, #tpu.memory_space<vmem>>) semaphore(%arg16 : memref<!tpu.dma_semaphore, #tpu.memory_space<semaphore_mem>>) {add = true}
      %mul3A_391 = arith.constant 6 : i32
      %mul3A_392 = arith.muli %add3A_279, %mul3A_391 : i32
      %add3A_393 = arith.constant 5 : i32
      %add3A_394 = arith.addi %add3A_393, %mul3A_392 : i32
      %add3A_395 = arith.constant 2 : i32
      %add3A_396 = arith.addi %add3A_394, %add3A_395 : i32
      %add3A_397 = arith.constant 1 : i32
      %add3A_398 = arith.addi %add3A_396, %add3A_397 : i32
      %sub3A_399 = arith.constant 6 : i32
      %sub3A_400 = arith.subi %add3A_398, %sub3A_399 : i32
      %mul3A_401 = arith.constant 128 : i32
      %mul3A_402 = arith.muli %sub3A_400, %mul3A_401 : i32
      %dma_wait3A_403 = arith.constant 2 : i32
      %dma_wait3A_404 = arith.constant 0 : i32
      %dma_wait3A_405 = arith.constant 0 : i32
      %dma_wait3A_406 = tpu.memref_slice %arg8[%dma_wait3A_403, %dma_wait3A_404, %dma_wait3A_405] : memref<6x128x16xf32, #tpu.memory_space<vmem>> -> memref<1x128x16xf32, #tpu.memory_space<vmem>>
      %dma_wait3A_407 = tpu.memref_squeeze %dma_wait3A_406 : memref<1x128x16xf32, #tpu.memory_space<vmem>> -> memref<128x16xf32, #tpu.memory_space<vmem>>
      %dma_wait3A_408 = tpu.memref_slice %arg7[%mul3A_402] : memref<10000xi32, #tpu.memory_space<vmem>> -> memref<128xi32, #tpu.memory_space<vmem>>
      %dma_wait3A_409 = arith.constant 0 : i32
      %dma_wait3A_410 = arith.constant 0 : i32
      %dma_wait3A_411 = tpu.memref_slice %arg9[%dma_wait3A_409, %dma_wait3A_410] : memref<10240x16xf32, #tpu.memory_space<vmem_shared>> -> memref<10240x16xf32, #tpu.memory_space<vmem_shared>>
      tpu.wait_indirect_dma semaphore(%arg18 : memref<!tpu.dma_semaphore, #tpu.memory_space<semaphore_mem>>) src(%dma_wait3A_407 : memref<128x16xf32, #tpu.memory_space<vmem>>) dst(%dma_wait3A_411 : memref<10240x16xf32, #tpu.memory_space<vmem_shared>>)
      %add3A_412 = arith.constant 1 : i32
      %add3A_413 = arith.addi %add3A_396, %add3A_412 : i32
      %mul3A_414 = arith.constant 128 : i32
      %mul3A_415 = arith.muli %add3A_413, %mul3A_414 : i32
      %dma_start3A_416 = arith.constant 2 : i32
      %dma_start3A_417 = arith.constant 0 : i32
      %dma_start3A_418 = arith.constant 0 : i32
      %dma_start3A_419 = tpu.memref_slice %arg8[%dma_start3A_416, %dma_start3A_417, %dma_start3A_418] : memref<6x128x16xf32, #tpu.memory_space<vmem>> -> memref<1x128x16xf32, #tpu.memory_space<vmem>>
      %dma_start3A_420 = tpu.memref_squeeze %dma_start3A_419 : memref<1x128x16xf32, #tpu.memory_space<vmem>> -> memref<128x16xf32, #tpu.memory_space<vmem>>
      %dma_start3A_421 = tpu.memref_slice %arg6[%mul3A_415] : memref<10000xi32, #tpu.memory_space<vmem>> -> memref<128xi32, #tpu.memory_space<vmem>>
      %dma_start3A_422 = arith.constant 0 : i32
      %dma_start3A_423 = arith.constant 0 : i32
      %dma_start3A_424 = tpu.memref_slice %arg2[%dma_start3A_422, %dma_start3A_423] : memref<10000x16xf32, #tpu.memory_space<hbm>> -> memref<10000x16xf32, #tpu.memory_space<hbm>>
      tpu.enqueue_indirect_dma source(%dma_start3A_424 : memref<10000x16xf32, #tpu.memory_space<hbm>>) target(%dma_start3A_420 : memref<128x16xf32, #tpu.memory_space<vmem>>) offsets(%dma_start3A_421 : memref<128xi32, #tpu.memory_space<vmem>>) semaphore(%arg12 : memref<!tpu.dma_semaphore, #tpu.memory_space<semaphore_mem>>)
      %mul3A_425 = arith.constant 128 : i32
      %mul3A_426 = arith.muli %add3A_396, %mul3A_425 : i32
      %dma_wait3A_427 = arith.constant 1 : i32
      %dma_wait3A_428 = arith.constant 0 : i32
      %dma_wait3A_429 = arith.constant 0 : i32
      %dma_wait3A_430 = tpu.memref_slice %arg8[%dma_wait3A_427, %dma_wait3A_428, %dma_wait3A_429] : memref<6x128x16xf32, #tpu.memory_space<vmem>> -> memref<1x128x16xf32, #tpu.memory_space<vmem>>
      %dma_wait3A_431 = tpu.memref_squeeze %dma_wait3A_430 : memref<1x128x16xf32, #tpu.memory_space<vmem>> -> memref<128x16xf32, #tpu.memory_space<vmem>>
      %dma_wait3A_432 = tpu.memref_slice %arg6[%mul3A_426] : memref<10000xi32, #tpu.memory_space<vmem>> -> memref<128xi32, #tpu.memory_space<vmem>>
      %dma_wait3A_433 = arith.constant 0 : i32
      %dma_wait3A_434 = arith.constant 0 : i32
      %dma_wait3A_435 = tpu.memref_slice %arg2[%dma_wait3A_433, %dma_wait3A_434] : memref<10000x16xf32, #tpu.memory_space<hbm>> -> memref<10000x16xf32, #tpu.memory_space<hbm>>
      tpu.wait_indirect_dma semaphore(%arg11 : memref<!tpu.dma_semaphore, #tpu.memory_space<semaphore_mem>>) src(%dma_wait3A_435 : memref<10000x16xf32, #tpu.memory_space<hbm>>) dst(%dma_wait3A_431 : memref<128x16xf32, #tpu.memory_space<vmem>>)
      %mul3A_436 = arith.constant 128 : i32
      %mul3A_437 = arith.muli %add3A_396, %mul3A_436 : i32
      %dma_start3A_438 = arith.constant 1 : i32
      %dma_start3A_439 = arith.constant 0 : i32
      %dma_start3A_440 = arith.constant 0 : i32
      %dma_start3A_441 = tpu.memref_slice %arg8[%dma_start3A_438, %dma_start3A_439, %dma_start3A_440] : memref<6x128x16xf32, #tpu.memory_space<vmem>> -> memref<1x128x16xf32, #tpu.memory_space<vmem>>
      %dma_start3A_442 = tpu.memref_squeeze %dma_start3A_441 : memref<1x128x16xf32, #tpu.memory_space<vmem>> -> memref<128x16xf32, #tpu.memory_space<vmem>>
      %dma_start3A_443 = tpu.memref_slice %arg7[%mul3A_437] : memref<10000xi32, #tpu.memory_space<vmem>> -> memref<128xi32, #tpu.memory_space<vmem>>
      %dma_start3A_444 = arith.constant 0 : i32
      %dma_start3A_445 = arith.constant 0 : i32
      %dma_start3A_446 = tpu.memref_slice %arg9[%dma_start3A_444, %dma_start3A_445] : memref<10240x16xf32, #tpu.memory_space<vmem_shared>> -> memref<10240x16xf32, #tpu.memory_space<vmem_shared>>
      tpu.enqueue_indirect_dma source(%dma_start3A_442 : memref<128x16xf32, #tpu.memory_space<vmem>>) target(%dma_start3A_446 : memref<10240x16xf32, #tpu.memory_space<vmem_shared>>) offsets(%dma_start3A_443 : memref<128xi32, #tpu.memory_space<vmem>>) semaphore(%arg17 : memref<!tpu.dma_semaphore, #tpu.memory_space<semaphore_mem>>) {add = true}
      %mul3A_447 = arith.constant 6 : i32
      %mul3A_448 = arith.muli %add3A_279, %mul3A_447 : i32
      %add3A_449 = arith.constant 5 : i32
      %add3A_450 = arith.addi %add3A_449, %mul3A_448 : i32
      %add3A_451 = arith.constant 3 : i32
      %add3A_452 = arith.addi %add3A_450, %add3A_451 : i32
      %add3A_453 = arith.constant 1 : i32
      %add3A_454 = arith.addi %add3A_452, %add3A_453 : i32
      %sub3A_455 = arith.constant 6 : i32
      %sub3A_456 = arith.subi %add3A_454, %sub3A_455 : i32
      %mul3A_457 = arith.constant 128 : i32
      %mul3A_458 = arith.muli %sub3A_456, %mul3A_457 : i32
      %dma_wait3A_459 = arith.constant 3 : i32
      %dma_wait3A_460 = arith.constant 0 : i32
      %dma_wait3A_461 = arith.constant 0 : i32
      %dma_wait3A_462 = tpu.memref_slice %arg8[%dma_wait3A_459, %dma_wait3A_460, %dma_wait3A_461] : memref<6x128x16xf32, #tpu.memory_space<vmem>> -> memref<1x128x16xf32, #tpu.memory_space<vmem>>
      %dma_wait3A_463 = tpu.memref_squeeze %dma_wait3A_462 : memref<1x128x16xf32, #tpu.memory_space<vmem>> -> memref<128x16xf32, #tpu.memory_space<vmem>>
      %dma_wait3A_464 = tpu.memref_slice %arg7[%mul3A_458] : memref<10000xi32, #tpu.memory_space<vmem>> -> memref<128xi32, #tpu.memory_space<vmem>>
      %dma_wait3A_465 = arith.constant 0 : i32
      %dma_wait3A_466 = arith.constant 0 : i32
      %dma_wait3A_467 = tpu.memref_slice %arg9[%dma_wait3A_465, %dma_wait3A_466] : memref<10240x16xf32, #tpu.memory_space<vmem_shared>> -> memref<10240x16xf32, #tpu.memory_space<vmem_shared>>
      tpu.wait_indirect_dma semaphore(%arg19 : memref<!tpu.dma_semaphore, #tpu.memory_space<semaphore_mem>>) src(%dma_wait3A_463 : memref<128x16xf32, #tpu.memory_space<vmem>>) dst(%dma_wait3A_467 : memref<10240x16xf32, #tpu.memory_space<vmem_shared>>)
      %add3A_468 = arith.constant 1 : i32
      %add3A_469 = arith.addi %add3A_452, %add3A_468 : i32
      %mul3A_470 = arith.constant 128 : i32
      %mul3A_471 = arith.muli %add3A_469, %mul3A_470 : i32
      %dma_start3A_472 = arith.constant 3 : i32
      %dma_start3A_473 = arith.constant 0 : i32
      %dma_start3A_474 = arith.constant 0 : i32
      %dma_start3A_475 = tpu.memref_slice %arg8[%dma_start3A_472, %dma_start3A_473, %dma_start3A_474] : memref<6x128x16xf32, #tpu.memory_space<vmem>> -> memref<1x128x16xf32, #tpu.memory_space<vmem>>
      %dma_start3A_476 = tpu.memref_squeeze %dma_start3A_475 : memref<1x128x16xf32, #tpu.memory_space<vmem>> -> memref<128x16xf32, #tpu.memory_space<vmem>>
      %dma_start3A_477 = tpu.memref_slice %arg6[%mul3A_471] : memref<10000xi32, #tpu.memory_space<vmem>> -> memref<128xi32, #tpu.memory_space<vmem>>
      %dma_start3A_478 = arith.constant 0 : i32
      %dma_start3A_479 = arith.constant 0 : i32
      %dma_start3A_480 = tpu.memref_slice %arg2[%dma_start3A_478, %dma_start3A_479] : memref<10000x16xf32, #tpu.memory_space<hbm>> -> memref<10000x16xf32, #tpu.memory_space<hbm>>
      tpu.enqueue_indirect_dma source(%dma_start3A_480 : memref<10000x16xf32, #tpu.memory_space<hbm>>) target(%dma_start3A_476 : memref<128x16xf32, #tpu.memory_space<vmem>>) offsets(%dma_start3A_477 : memref<128xi32, #tpu.memory_space<vmem>>) semaphore(%arg13 : memref<!tpu.dma_semaphore, #tpu.memory_space<semaphore_mem>>)
      %mul3A_481 = arith.constant 128 : i32
      %mul3A_482 = arith.muli %add3A_452, %mul3A_481 : i32
      %dma_wait3A_483 = arith.constant 2 : i32
      %dma_wait3A_484 = arith.constant 0 : i32
      %dma_wait3A_485 = arith.constant 0 : i32
      %dma_wait3A_486 = tpu.memref_slice %arg8[%dma_wait3A_483, %dma_wait3A_484, %dma_wait3A_485] : memref<6x128x16xf32, #tpu.memory_space<vmem>> -> memref<1x128x16xf32, #tpu.memory_space<vmem>>
      %dma_wait3A_487 = tpu.memref_squeeze %dma_wait3A_486 : memref<1x128x16xf32, #tpu.memory_space<vmem>> -> memref<128x16xf32, #tpu.memory_space<vmem>>
      %dma_wait3A_488 = tpu.memref_slice %arg6[%mul3A_482] : memref<10000xi32, #tpu.memory_space<vmem>> -> memref<128xi32, #tpu.memory_space<vmem>>
      %dma_wait3A_489 = arith.constant 0 : i32
      %dma_wait3A_490 = arith.constant 0 : i32
      %dma_wait3A_491 = tpu.memref_slice %arg2[%dma_wait3A_489, %dma_wait3A_490] : memref<10000x16xf32, #tpu.memory_space<hbm>> -> memref<10000x16xf32, #tpu.memory_space<hbm>>
      tpu.wait_indirect_dma semaphore(%arg12 : memref<!tpu.dma_semaphore, #tpu.memory_space<semaphore_mem>>) src(%dma_wait3A_491 : memref<10000x16xf32, #tpu.memory_space<hbm>>) dst(%dma_wait3A_487 : memref<128x16xf32, #tpu.memory_space<vmem>>)
      %mul3A_492 = arith.constant 128 : i32
      %mul3A_493 = arith.muli %add3A_452, %mul3A_492 : i32
      %dma_start3A_494 = arith.constant 2 : i32
      %dma_start3A_495 = arith.constant 0 : i32
      %dma_start3A_496 = arith.constant 0 : i32
      %dma_start3A_497 = tpu.memref_slice %arg8[%dma_start3A_494, %dma_start3A_495, %dma_start3A_496] : memref<6x128x16xf32, #tpu.memory_space<vmem>> -> memref<1x128x16xf32, #tpu.memory_space<vmem>>
      %dma_start3A_498 = tpu.memref_squeeze %dma_start3A_497 : memref<1x128x16xf32, #tpu.memory_space<vmem>> -> memref<128x16xf32, #tpu.memory_space<vmem>>
      %dma_start3A_499 = tpu.memref_slice %arg7[%mul3A_493] : memref<10000xi32, #tpu.memory_space<vmem>> -> memref<128xi32, #tpu.memory_space<vmem>>
      %dma_start3A_500 = arith.constant 0 : i32
      %dma_start3A_501 = arith.constant 0 : i32
      %dma_start3A_502 = tpu.memref_slice %arg9[%dma_start3A_500, %dma_start3A_501] : memref<10240x16xf32, #tpu.memory_space<vmem_shared>> -> memref<10240x16xf32, #tpu.memory_space<vmem_shared>>
      tpu.enqueue_indirect_dma source(%dma_start3A_498 : memref<128x16xf32, #tpu.memory_space<vmem>>) target(%dma_start3A_502 : memref<10240x16xf32, #tpu.memory_space<vmem_shared>>) offsets(%dma_start3A_499 : memref<128xi32, #tpu.memory_space<vmem>>) semaphore(%arg18 : memref<!tpu.dma_semaphore, #tpu.memory_space<semaphore_mem>>) {add = true}
      %mul3A_503 = arith.constant 6 : i32
      %mul3A_504 = arith.muli %add3A_279, %mul3A_503 : i32
      %add3A_505 = arith.constant 5 : i32
      %add3A_506 = arith.addi %add3A_505, %mul3A_504 : i32
      %add3A_507 = arith.constant 4 : i32
      %add3A_508 = arith.addi %add3A_506, %add3A_507 : i32
      %add3A_509 = arith.constant 1 : i32
      %add3A_510 = arith.addi %add3A_508, %add3A_509 : i32
      %sub3A_511 = arith.constant 6 : i32
      %sub3A_512 = arith.subi %add3A_510, %sub3A_511 : i32
      %mul3A_513 = arith.constant 128 : i32
      %mul3A_514 = arith.muli %sub3A_512, %mul3A_513 : i32
      %dma_wait3A_515 = arith.constant 4 : i32
      %dma_wait3A_516 = arith.constant 0 : i32
      %dma_wait3A_517 = arith.constant 0 : i32
      %dma_wait3A_518 = tpu.memref_slice %arg8[%dma_wait3A_515, %dma_wait3A_516, %dma_wait3A_517] : memref<6x128x16xf32, #tpu.memory_space<vmem>> -> memref<1x128x16xf32, #tpu.memory_space<vmem>>
      %dma_wait3A_519 = tpu.memref_squeeze %dma_wait3A_518 : memref<1x128x16xf32, #tpu.memory_space<vmem>> -> memref<128x16xf32, #tpu.memory_space<vmem>>
      %dma_wait3A_520 = tpu.memref_slice %arg7[%mul3A_514] : memref<10000xi32, #tpu.memory_space<vmem>> -> memref<128xi32, #tpu.memory_space<vmem>>
      %dma_wait3A_521 = arith.constant 0 : i32
      %dma_wait3A_522 = arith.constant 0 : i32
      %dma_wait3A_523 = tpu.memref_slice %arg9[%dma_wait3A_521, %dma_wait3A_522] : memref<10240x16xf32, #tpu.memory_space<vmem_shared>> -> memref<10240x16xf32, #tpu.memory_space<vmem_shared>>
      tpu.wait_indirect_dma semaphore(%arg20 : memref<!tpu.dma_semaphore, #tpu.memory_space<semaphore_mem>>) src(%dma_wait3A_519 : memref<128x16xf32, #tpu.memory_space<vmem>>) dst(%dma_wait3A_523 : memref<10240x16xf32, #tpu.memory_space<vmem_shared>>)
      %add3A_524 = arith.constant 1 : i32
      %add3A_525 = arith.addi %add3A_508, %add3A_524 : i32
      %mul3A_526 = arith.constant 128 : i32
      %mul3A_527 = arith.muli %add3A_525, %mul3A_526 : i32
      %dma_start3A_528 = arith.constant 4 : i32
      %dma_start3A_529 = arith.constant 0 : i32
      %dma_start3A_530 = arith.constant 0 : i32
      %dma_start3A_531 = tpu.memref_slice %arg8[%dma_start3A_528, %dma_start3A_529, %dma_start3A_530] : memref<6x128x16xf32, #tpu.memory_space<vmem>> -> memref<1x128x16xf32, #tpu.memory_space<vmem>>
      %dma_start3A_532 = tpu.memref_squeeze %dma_start3A_531 : memref<1x128x16xf32, #tpu.memory_space<vmem>> -> memref<128x16xf32, #tpu.memory_space<vmem>>
      %dma_start3A_533 = tpu.memref_slice %arg6[%mul3A_527] : memref<10000xi32, #tpu.memory_space<vmem>> -> memref<128xi32, #tpu.memory_space<vmem>>
      %dma_start3A_534 = arith.constant 0 : i32
      %dma_start3A_535 = arith.constant 0 : i32
      %dma_start3A_536 = tpu.memref_slice %arg2[%dma_start3A_534, %dma_start3A_535] : memref<10000x16xf32, #tpu.memory_space<hbm>> -> memref<10000x16xf32, #tpu.memory_space<hbm>>
      tpu.enqueue_indirect_dma source(%dma_start3A_536 : memref<10000x16xf32, #tpu.memory_space<hbm>>) target(%dma_start3A_532 : memref<128x16xf32, #tpu.memory_space<vmem>>) offsets(%dma_start3A_533 : memref<128xi32, #tpu.memory_space<vmem>>) semaphore(%arg14 : memref<!tpu.dma_semaphore, #tpu.memory_space<semaphore_mem>>)
      %mul3A_537 = arith.constant 128 : i32
      %mul3A_538 = arith.muli %add3A_508, %mul3A_537 : i32
      %dma_wait3A_539 = arith.constant 3 : i32
      %dma_wait3A_540 = arith.constant 0 : i32
      %dma_wait3A_541 = arith.constant 0 : i32
      %dma_wait3A_542 = tpu.memref_slice %arg8[%dma_wait3A_539, %dma_wait3A_540, %dma_wait3A_541] : memref<6x128x16xf32, #tpu.memory_space<vmem>> -> memref<1x128x16xf32, #tpu.memory_space<vmem>>
      %dma_wait3A_543 = tpu.memref_squeeze %dma_wait3A_542 : memref<1x128x16xf32, #tpu.memory_space<vmem>> -> memref<128x16xf32, #tpu.memory_space<vmem>>
      %dma_wait3A_544 = tpu.memref_slice %arg6[%mul3A_538] : memref<10000xi32, #tpu.memory_space<vmem>> -> memref<128xi32, #tpu.memory_space<vmem>>
      %dma_wait3A_545 = arith.constant 0 : i32
      %dma_wait3A_546 = arith.constant 0 : i32
      %dma_wait3A_547 = tpu.memref_slice %arg2[%dma_wait3A_545, %dma_wait3A_546] : memref<10000x16xf32, #tpu.memory_space<hbm>> -> memref<10000x16xf32, #tpu.memory_space<hbm>>
      tpu.wait_indirect_dma semaphore(%arg13 : memref<!tpu.dma_semaphore, #tpu.memory_space<semaphore_mem>>) src(%dma_wait3A_547 : memref<10000x16xf32, #tpu.memory_space<hbm>>) dst(%dma_wait3A_543 : memref<128x16xf32, #tpu.memory_space<vmem>>)
      %mul3A_548 = arith.constant 128 : i32
      %mul3A_549 = arith.muli %add3A_508, %mul3A_548 : i32
      %dma_start3A_550 = arith.constant 3 : i32
      %dma_start3A_551 = arith.constant 0 : i32
      %dma_start3A_552 = arith.constant 0 : i32
      %dma_start3A_553 = tpu.memref_slice %arg8[%dma_start3A_550, %dma_start3A_551, %dma_start3A_552] : memref<6x128x16xf32, #tpu.memory_space<vmem>> -> memref<1x128x16xf32, #tpu.memory_space<vmem>>
      %dma_start3A_554 = tpu.memref_squeeze %dma_start3A_553 : memref<1x128x16xf32, #tpu.memory_space<vmem>> -> memref<128x16xf32, #tpu.memory_space<vmem>>
      %dma_start3A_555 = tpu.memref_slice %arg7[%mul3A_549] : memref<10000xi32, #tpu.memory_space<vmem>> -> memref<128xi32, #tpu.memory_space<vmem>>
      %dma_start3A_556 = arith.constant 0 : i32
      %dma_start3A_557 = arith.constant 0 : i32
      %dma_start3A_558 = tpu.memref_slice %arg9[%dma_start3A_556, %dma_start3A_557] : memref<10240x16xf32, #tpu.memory_space<vmem_shared>> -> memref<10240x16xf32, #tpu.memory_space<vmem_shared>>
      tpu.enqueue_indirect_dma source(%dma_start3A_554 : memref<128x16xf32, #tpu.memory_space<vmem>>) target(%dma_start3A_558 : memref<10240x16xf32, #tpu.memory_space<vmem_shared>>) offsets(%dma_start3A_555 : memref<128xi32, #tpu.memory_space<vmem>>) semaphore(%arg19 : memref<!tpu.dma_semaphore, #tpu.memory_space<semaphore_mem>>) {add = true}
      %mul3A_559 = arith.constant 6 : i32
      %mul3A_560 = arith.muli %add3A_279, %mul3A_559 : i32
      %add3A_561 = arith.constant 5 : i32
      %add3A_562 = arith.addi %add3A_561, %mul3A_560 : i32
      %add3A_563 = arith.constant 5 : i32
      %add3A_564 = arith.addi %add3A_562, %add3A_563 : i32
      %add3A_565 = arith.constant 1 : i32
      %add3A_566 = arith.addi %add3A_564, %add3A_565 : i32
      %sub3A_567 = arith.constant 6 : i32
      %sub3A_568 = arith.subi %add3A_566, %sub3A_567 : i32
      %mul3A_569 = arith.constant 128 : i32
      %mul3A_570 = arith.muli %sub3A_568, %mul3A_569 : i32
      %dma_wait3A_571 = arith.constant 5 : i32
      %dma_wait3A_572 = arith.constant 0 : i32
      %dma_wait3A_573 = arith.constant 0 : i32
      %dma_wait3A_574 = tpu.memref_slice %arg8[%dma_wait3A_571, %dma_wait3A_572, %dma_wait3A_573] : memref<6x128x16xf32, #tpu.memory_space<vmem>> -> memref<1x128x16xf32, #tpu.memory_space<vmem>>
      %dma_wait3A_575 = tpu.memref_squeeze %dma_wait3A_574 : memref<1x128x16xf32, #tpu.memory_space<vmem>> -> memref<128x16xf32, #tpu.memory_space<vmem>>
      %dma_wait3A_576 = tpu.memref_slice %arg7[%mul3A_570] : memref<10000xi32, #tpu.memory_space<vmem>> -> memref<128xi32, #tpu.memory_space<vmem>>
      %dma_wait3A_577 = arith.constant 0 : i32
      %dma_wait3A_578 = arith.constant 0 : i32
      %dma_wait3A_579 = tpu.memref_slice %arg9[%dma_wait3A_577, %dma_wait3A_578] : memref<10240x16xf32, #tpu.memory_space<vmem_shared>> -> memref<10240x16xf32, #tpu.memory_space<vmem_shared>>
      tpu.wait_indirect_dma semaphore(%arg21 : memref<!tpu.dma_semaphore, #tpu.memory_space<semaphore_mem>>) src(%dma_wait3A_575 : memref<128x16xf32, #tpu.memory_space<vmem>>) dst(%dma_wait3A_579 : memref<10240x16xf32, #tpu.memory_space<vmem_shared>>)
      %add3A_580 = arith.constant 1 : i32
      %add3A_581 = arith.addi %add3A_564, %add3A_580 : i32
      %mul3A_582 = arith.constant 128 : i32
      %mul3A_583 = arith.muli %add3A_581, %mul3A_582 : i32
      %dma_start3A_584 = arith.constant 5 : i32
      %dma_start3A_585 = arith.constant 0 : i32
      %dma_start3A_586 = arith.constant 0 : i32
      %dma_start3A_587 = tpu.memref_slice %arg8[%dma_start3A_584, %dma_start3A_585, %dma_start3A_586] : memref<6x128x16xf32, #tpu.memory_space<vmem>> -> memref<1x128x16xf32, #tpu.memory_space<vmem>>
      %dma_start3A_588 = tpu.memref_squeeze %dma_start3A_587 : memref<1x128x16xf32, #tpu.memory_space<vmem>> -> memref<128x16xf32, #tpu.memory_space<vmem>>
      %dma_start3A_589 = tpu.memref_slice %arg6[%mul3A_583] : memref<10000xi32, #tpu.memory_space<vmem>> -> memref<128xi32, #tpu.memory_space<vmem>>
      %dma_start3A_590 = arith.constant 0 : i32
      %dma_start3A_591 = arith.constant 0 : i32
      %dma_start3A_592 = tpu.memref_slice %arg2[%dma_start3A_590, %dma_start3A_591] : memref<10000x16xf32, #tpu.memory_space<hbm>> -> memref<10000x16xf32, #tpu.memory_space<hbm>>
      tpu.enqueue_indirect_dma source(%dma_start3A_592 : memref<10000x16xf32, #tpu.memory_space<hbm>>) target(%dma_start3A_588 : memref<128x16xf32, #tpu.memory_space<vmem>>) offsets(%dma_start3A_589 : memref<128xi32, #tpu.memory_space<vmem>>) semaphore(%arg15 : memref<!tpu.dma_semaphore, #tpu.memory_space<semaphore_mem>>)
      %mul3A_593 = arith.constant 128 : i32
      %mul3A_594 = arith.muli %add3A_564, %mul3A_593 : i32
      %dma_wait3A_595 = arith.constant 4 : i32
      %dma_wait3A_596 = arith.constant 0 : i32
      %dma_wait3A_597 = arith.constant 0 : i32
      %dma_wait3A_598 = tpu.memref_slice %arg8[%dma_wait3A_595, %dma_wait3A_596, %dma_wait3A_597] : memref<6x128x16xf32, #tpu.memory_space<vmem>> -> memref<1x128x16xf32, #tpu.memory_space<vmem>>
      %dma_wait3A_599 = tpu.memref_squeeze %dma_wait3A_598 : memref<1x128x16xf32, #tpu.memory_space<vmem>> -> memref<128x16xf32, #tpu.memory_space<vmem>>
      %dma_wait3A_600 = tpu.memref_slice %arg6[%mul3A_594] : memref<10000xi32, #tpu.memory_space<vmem>> -> memref<128xi32, #tpu.memory_space<vmem>>
      %dma_wait3A_601 = arith.constant 0 : i32
      %dma_wait3A_602 = arith.constant 0 : i32
      %dma_wait3A_603 = tpu.memref_slice %arg2[%dma_wait3A_601, %dma_wait3A_602] : memref<10000x16xf32, #tpu.memory_space<hbm>> -> memref<10000x16xf32, #tpu.memory_space<hbm>>
      tpu.wait_indirect_dma semaphore(%arg14 : memref<!tpu.dma_semaphore, #tpu.memory_space<semaphore_mem>>) src(%dma_wait3A_603 : memref<10000x16xf32, #tpu.memory_space<hbm>>) dst(%dma_wait3A_599 : memref<128x16xf32, #tpu.memory_space<vmem>>)
      %mul3A_604 = arith.constant 128 : i32
      %mul3A_605 = arith.muli %add3A_564, %mul3A_604 : i32
      %dma_start3A_606 = arith.constant 4 : i32
      %dma_start3A_607 = arith.constant 0 : i32
      %dma_start3A_608 = arith.constant 0 : i32
      %dma_start3A_609 = tpu.memref_slice %arg8[%dma_start3A_606, %dma_start3A_607, %dma_start3A_608] : memref<6x128x16xf32, #tpu.memory_space<vmem>> -> memref<1x128x16xf32, #tpu.memory_space<vmem>>
      %dma_start3A_610 = tpu.memref_squeeze %dma_start3A_609 : memref<1x128x16xf32, #tpu.memory_space<vmem>> -> memref<128x16xf32, #tpu.memory_space<vmem>>
      %dma_start3A_611 = tpu.memref_slice %arg7[%mul3A_605] : memref<10000xi32, #tpu.memory_space<vmem>> -> memref<128xi32, #tpu.memory_space<vmem>>
      %dma_start3A_612 = arith.constant 0 : i32
      %dma_start3A_613 = arith.constant 0 : i32
      %dma_start3A_614 = tpu.memref_slice %arg9[%dma_start3A_612, %dma_start3A_613] : memref<10240x16xf32, #tpu.memory_space<vmem_shared>> -> memref<10240x16xf32, #tpu.memory_space<vmem_shared>>
      tpu.enqueue_indirect_dma source(%dma_start3A_610 : memref<128x16xf32, #tpu.memory_space<vmem>>) target(%dma_start3A_614 : memref<10240x16xf32, #tpu.memory_space<vmem_shared>>) offsets(%dma_start3A_611 : memref<128xi32, #tpu.memory_space<vmem>>) semaphore(%arg20 : memref<!tpu.dma_semaphore, #tpu.memory_space<semaphore_mem>>) {add = true}
    }
    %scan3A_169 = arith.constant 12 : i32
    %dma_wait3A_170 = arith.constant 5 : i32
    %dma_wait3A_171 = arith.constant 0 : i32
    %dma_wait3A_172 = arith.constant 0 : i32
    %dma_wait3A_173 = tpu.memref_slice %arg8[%dma_wait3A_170, %dma_wait3A_171, %dma_wait3A_172] : memref<6x128x16xf32, #tpu.memory_space<vmem>> -> memref<1x128x16xf32, #tpu.memory_space<vmem>>
    %dma_wait3A_174 = tpu.memref_squeeze %dma_wait3A_173 : memref<1x128x16xf32, #tpu.memory_space<vmem>> -> memref<128x16xf32, #tpu.memory_space<vmem>>
    %dma_wait3A_175 = arith.constant 9856 : i32
    %dma_wait3A_176 = tpu.memref_slice %arg6[%dma_wait3A_175] : memref<10000xi32, #tpu.memory_space<vmem>> -> memref<128xi32, #tpu.memory_space<vmem>>
    %dma_wait3A_177 = arith.constant 0 : i32
    %dma_wait3A_178 = arith.constant 0 : i32
    %dma_wait3A_179 = tpu.memref_slice %arg2[%dma_wait3A_177, %dma_wait3A_178] : memref<10000x16xf32, #tpu.memory_space<hbm>> -> memref<10000x16xf32, #tpu.memory_space<hbm>>
    tpu.wait_indirect_dma semaphore(%arg15 : memref<!tpu.dma_semaphore, #tpu.memory_space<semaphore_mem>>) src(%dma_wait3A_179 : memref<10000x16xf32, #tpu.memory_space<hbm>>) dst(%dma_wait3A_174 : memref<128x16xf32, #tpu.memory_space<vmem>>)
    %dma_start3A_180 = arith.constant 5 : i32
    %dma_start3A_181 = arith.constant 0 : i32
    %dma_start3A_182 = arith.constant 0 : i32
    %dma_start3A_183 = tpu.memref_slice %arg8[%dma_start3A_180, %dma_start3A_181, %dma_start3A_182] : memref<6x128x16xf32, #tpu.memory_space<vmem>> -> memref<1x128x16xf32, #tpu.memory_space<vmem>>
    %dma_start3A_184 = tpu.memref_squeeze %dma_start3A_183 : memref<1x128x16xf32, #tpu.memory_space<vmem>> -> memref<128x16xf32, #tpu.memory_space<vmem>>
    %dma_start3A_185 = arith.constant 9856 : i32
    %dma_start3A_186 = tpu.memref_slice %arg7[%dma_start3A_185] : memref<10000xi32, #tpu.memory_space<vmem>> -> memref<128xi32, #tpu.memory_space<vmem>>
    %dma_start3A_187 = arith.constant 0 : i32
    %dma_start3A_188 = arith.constant 0 : i32
    %dma_start3A_189 = tpu.memref_slice %arg9[%dma_start3A_187, %dma_start3A_188] : memref<10240x16xf32, #tpu.memory_space<vmem_shared>> -> memref<10240x16xf32, #tpu.memory_space<vmem_shared>>
    tpu.enqueue_indirect_dma source(%dma_start3A_184 : memref<128x16xf32, #tpu.memory_space<vmem>>) target(%dma_start3A_189 : memref<10240x16xf32, #tpu.memory_space<vmem_shared>>) offsets(%dma_start3A_186 : memref<128xi32, #tpu.memory_space<vmem>>) semaphore(%arg21 : memref<!tpu.dma_semaphore, #tpu.memory_space<semaphore_mem>>) {add = true}
    %dma_wait3A_190 = arith.constant 0 : i32
    %dma_wait3A_191 = arith.constant 0 : i32
    %dma_wait3A_192 = arith.constant 0 : i32
    %dma_wait3A_193 = tpu.memref_slice %arg8[%dma_wait3A_190, %dma_wait3A_191, %dma_wait3A_192] : memref<6x128x16xf32, #tpu.memory_space<vmem>> -> memref<1x128x16xf32, #tpu.memory_space<vmem>>
    %dma_wait3A_194 = tpu.memref_squeeze %dma_wait3A_193 : memref<1x128x16xf32, #tpu.memory_space<vmem>> -> memref<128x16xf32, #tpu.memory_space<vmem>>
    %dma_wait3A_195 = arith.constant 9216 : i32
    %dma_wait3A_196 = tpu.memref_slice %arg7[%dma_wait3A_195] : memref<10000xi32, #tpu.memory_space<vmem>> -> memref<128xi32, #tpu.memory_space<vmem>>
    %dma_wait3A_197 = arith.constant 0 : i32
    %dma_wait3A_198 = arith.constant 0 : i32
    %dma_wait3A_199 = tpu.memref_slice %arg9[%dma_wait3A_197, %dma_wait3A_198] : memref<10240x16xf32, #tpu.memory_space<vmem_shared>> -> memref<10240x16xf32, #tpu.memory_space<vmem_shared>>
    tpu.wait_indirect_dma semaphore(%arg16 : memref<!tpu.dma_semaphore, #tpu.memory_space<semaphore_mem>>) src(%dma_wait3A_194 : memref<128x16xf32, #tpu.memory_space<vmem>>) dst(%dma_wait3A_199 : memref<10240x16xf32, #tpu.memory_space<vmem_shared>>)
    %dma_start3A_200 = arith.constant 0 : i32
    %dma_start3A_201 = arith.constant 0 : i32
    %dma_start3A_202 = arith.constant 0 : i32
    %dma_start3A_203 = tpu.memref_slice %arg8[%dma_start3A_200, %dma_start3A_201, %dma_start3A_202] : memref<6x128x16xf32, #tpu.memory_space<vmem>> -> memref<1x16x16xf32, #tpu.memory_space<vmem>>
    %dma_start3A_204 = tpu.memref_squeeze %dma_start3A_203 : memref<1x16x16xf32, #tpu.memory_space<vmem>> -> memref<16x16xf32, #tpu.memory_space<vmem>>
    %dma_start3A_205 = arith.constant 9984 : i32
    %dma_start3A_206 = tpu.memref_slice %arg6[%dma_start3A_205] : memref<10000xi32, #tpu.memory_space<vmem>> -> memref<16xi32, #tpu.memory_space<vmem>>
    %dma_start3A_207 = arith.constant 0 : i32
    %dma_start3A_208 = arith.constant 0 : i32
    %dma_start3A_209 = tpu.memref_slice %arg2[%dma_start3A_207, %dma_start3A_208] : memref<10000x16xf32, #tpu.memory_space<hbm>> -> memref<10000x16xf32, #tpu.memory_space<hbm>>
    tpu.enqueue_indirect_dma source(%dma_start3A_209 : memref<10000x16xf32, #tpu.memory_space<hbm>>) target(%dma_start3A_204 : memref<16x16xf32, #tpu.memory_space<vmem>>) offsets(%dma_start3A_206 : memref<16xi32, #tpu.memory_space<vmem>>) semaphore(%arg22 : memref<!tpu.dma_semaphore, #tpu.memory_space<semaphore_mem>>)
    %dma_wait3A_210 = arith.constant 1 : i32
    %dma_wait3A_211 = arith.constant 0 : i32
    %dma_wait3A_212 = arith.constant 0 : i32
    %dma_wait3A_213 = tpu.memref_slice %arg8[%dma_wait3A_210, %dma_wait3A_211, %dma_wait3A_212] : memref<6x128x16xf32, #tpu.memory_space<vmem>> -> memref<1x128x16xf32, #tpu.memory_space<vmem>>
    %dma_wait3A_214 = tpu.memref_squeeze %dma_wait3A_213 : memref<1x128x16xf32, #tpu.memory_space<vmem>> -> memref<128x16xf32, #tpu.memory_space<vmem>>
    %dma_wait3A_215 = arith.constant 9344 : i32
    %dma_wait3A_216 = tpu.memref_slice %arg7[%dma_wait3A_215] : memref<10000xi32, #tpu.memory_space<vmem>> -> memref<128xi32, #tpu.memory_space<vmem>>
    %dma_wait3A_217 = arith.constant 0 : i32
    %dma_wait3A_218 = arith.constant 0 : i32
    %dma_wait3A_219 = tpu.memref_slice %arg9[%dma_wait3A_217, %dma_wait3A_218] : memref<10240x16xf32, #tpu.memory_space<vmem_shared>> -> memref<10240x16xf32, #tpu.memory_space<vmem_shared>>
    tpu.wait_indirect_dma semaphore(%arg17 : memref<!tpu.dma_semaphore, #tpu.memory_space<semaphore_mem>>) src(%dma_wait3A_214 : memref<128x16xf32, #tpu.memory_space<vmem>>) dst(%dma_wait3A_219 : memref<10240x16xf32, #tpu.memory_space<vmem_shared>>)
    %dma_wait3A_220 = arith.constant 2 : i32
    %dma_wait3A_221 = arith.constant 0 : i32
    %dma_wait3A_222 = arith.constant 0 : i32
    %dma_wait3A_223 = tpu.memref_slice %arg8[%dma_wait3A_220, %dma_wait3A_221, %dma_wait3A_222] : memref<6x128x16xf32, #tpu.memory_space<vmem>> -> memref<1x128x16xf32, #tpu.memory_space<vmem>>
    %dma_wait3A_224 = tpu.memref_squeeze %dma_wait3A_223 : memref<1x128x16xf32, #tpu.memory_space<vmem>> -> memref<128x16xf32, #tpu.memory_space<vmem>>
    %dma_wait3A_225 = arith.constant 9472 : i32
    %dma_wait3A_226 = tpu.memref_slice %arg7[%dma_wait3A_225] : memref<10000xi32, #tpu.memory_space<vmem>> -> memref<128xi32, #tpu.memory_space<vmem>>
    %dma_wait3A_227 = arith.constant 0 : i32
    %dma_wait3A_228 = arith.constant 0 : i32
    %dma_wait3A_229 = tpu.memref_slice %arg9[%dma_wait3A_227, %dma_wait3A_228] : memref<10240x16xf32, #tpu.memory_space<vmem_shared>> -> memref<10240x16xf32, #tpu.memory_space<vmem_shared>>
    tpu.wait_indirect_dma semaphore(%arg18 : memref<!tpu.dma_semaphore, #tpu.memory_space<semaphore_mem>>) src(%dma_wait3A_224 : memref<128x16xf32, #tpu.memory_space<vmem>>) dst(%dma_wait3A_229 : memref<10240x16xf32, #tpu.memory_space<vmem_shared>>)
    %dma_wait3A_230 = arith.constant 3 : i32
    %dma_wait3A_231 = arith.constant 0 : i32
    %dma_wait3A_232 = arith.constant 0 : i32
    %dma_wait3A_233 = tpu.memref_slice %arg8[%dma_wait3A_230, %dma_wait3A_231, %dma_wait3A_232] : memref<6x128x16xf32, #tpu.memory_space<vmem>> -> memref<1x128x16xf32, #tpu.memory_space<vmem>>
    %dma_wait3A_234 = tpu.memref_squeeze %dma_wait3A_233 : memref<1x128x16xf32, #tpu.memory_space<vmem>> -> memref<128x16xf32, #tpu.memory_space<vmem>>
    %dma_wait3A_235 = arith.constant 9600 : i32
    %dma_wait3A_236 = tpu.memref_slice %arg7[%dma_wait3A_235] : memref<10000xi32, #tpu.memory_space<vmem>> -> memref<128xi32, #tpu.memory_space<vmem>>
    %dma_wait3A_237 = arith.constant 0 : i32
    %dma_wait3A_238 = arith.constant 0 : i32
    %dma_wait3A_239 = tpu.memref_slice %arg9[%dma_wait3A_237, %dma_wait3A_238] : memref<10240x16xf32, #tpu.memory_space<vmem_shared>> -> memref<10240x16xf32, #tpu.memory_space<vmem_shared>>
    tpu.wait_indirect_dma semaphore(%arg19 : memref<!tpu.dma_semaphore, #tpu.memory_space<semaphore_mem>>) src(%dma_wait3A_234 : memref<128x16xf32, #tpu.memory_space<vmem>>) dst(%dma_wait3A_239 : memref<10240x16xf32, #tpu.memory_space<vmem_shared>>)
    %dma_wait3A_240 = arith.constant 4 : i32
    %dma_wait3A_241 = arith.constant 0 : i32
    %dma_wait3A_242 = arith.constant 0 : i32
    %dma_wait3A_243 = tpu.memref_slice %arg8[%dma_wait3A_240, %dma_wait3A_241, %dma_wait3A_242] : memref<6x128x16xf32, #tpu.memory_space<vmem>> -> memref<1x128x16xf32, #tpu.memory_space<vmem>>
    %dma_wait3A_244 = tpu.memref_squeeze %dma_wait3A_243 : memref<1x128x16xf32, #tpu.memory_space<vmem>> -> memref<128x16xf32, #tpu.memory_space<vmem>>
    %dma_wait3A_245 = arith.constant 9728 : i32
    %dma_wait3A_246 = tpu.memref_slice %arg7[%dma_wait3A_245] : memref<10000xi32, #tpu.memory_space<vmem>> -> memref<128xi32, #tpu.memory_space<vmem>>
    %dma_wait3A_247 = arith.constant 0 : i32
    %dma_wait3A_248 = arith.constant 0 : i32
    %dma_wait3A_249 = tpu.memref_slice %arg9[%dma_wait3A_247, %dma_wait3A_248] : memref<10240x16xf32, #tpu.memory_space<vmem_shared>> -> memref<10240x16xf32, #tpu.memory_space<vmem_shared>>
    tpu.wait_indirect_dma semaphore(%arg20 : memref<!tpu.dma_semaphore, #tpu.memory_space<semaphore_mem>>) src(%dma_wait3A_244 : memref<128x16xf32, #tpu.memory_space<vmem>>) dst(%dma_wait3A_249 : memref<10240x16xf32, #tpu.memory_space<vmem_shared>>)
    %dma_wait3A_250 = arith.constant 5 : i32
    %dma_wait3A_251 = arith.constant 0 : i32
    %dma_wait3A_252 = arith.constant 0 : i32
    %dma_wait3A_253 = tpu.memref_slice %arg8[%dma_wait3A_250, %dma_wait3A_251, %dma_wait3A_252] : memref<6x128x16xf32, #tpu.memory_space<vmem>> -> memref<1x128x16xf32, #tpu.memory_space<vmem>>
    %dma_wait3A_254 = tpu.memref_squeeze %dma_wait3A_253 : memref<1x128x16xf32, #tpu.memory_space<vmem>> -> memref<128x16xf32, #tpu.memory_space<vmem>>
    %dma_wait3A_255 = arith.constant 9856 : i32
    %dma_wait3A_256 = tpu.memref_slice %arg7[%dma_wait3A_255] : memref<10000xi32, #tpu.memory_space<vmem>> -> memref<128xi32, #tpu.memory_space<vmem>>
    %dma_wait3A_257 = arith.constant 0 : i32
    %dma_wait3A_258 = arith.constant 0 : i32
    %dma_wait3A_259 = tpu.memref_slice %arg9[%dma_wait3A_257, %dma_wait3A_258] : memref<10240x16xf32, #tpu.memory_space<vmem_shared>> -> memref<10240x16xf32, #tpu.memory_space<vmem_shared>>
    tpu.wait_indirect_dma semaphore(%arg21 : memref<!tpu.dma_semaphore, #tpu.memory_space<semaphore_mem>>) src(%dma_wait3A_254 : memref<128x16xf32, #tpu.memory_space<vmem>>) dst(%dma_wait3A_259 : memref<10240x16xf32, #tpu.memory_space<vmem_shared>>)
    %dma_wait3A_260 = arith.constant 0 : i32
    %dma_wait3A_261 = arith.constant 0 : i32
    %dma_wait3A_262 = arith.constant 0 : i32
    %dma_wait3A_263 = tpu.memref_slice %arg8[%dma_wait3A_260, %dma_wait3A_261, %dma_wait3A_262] : memref<6x128x16xf32, #tpu.memory_space<vmem>> -> memref<1x16x16xf32, #tpu.memory_space<vmem>>
    %dma_wait3A_264 = tpu.memref_squeeze %dma_wait3A_263 : memref<1x16x16xf32, #tpu.memory_space<vmem>> -> memref<16x16xf32, #tpu.memory_space<vmem>>
    %dma_wait3A_265 = arith.constant 9984 : i32
    %dma_wait3A_266 = tpu.memref_slice %arg6[%dma_wait3A_265] : memref<10000xi32, #tpu.memory_space<vmem>> -> memref<16xi32, #tpu.memory_space<vmem>>
    %dma_wait3A_267 = arith.constant 0 : i32
    %dma_wait3A_268 = arith.constant 0 : i32
    %dma_wait3A_269 = tpu.memref_slice %arg2[%dma_wait3A_267, %dma_wait3A_268] : memref<10000x16xf32, #tpu.memory_space<hbm>> -> memref<10000x16xf32, #tpu.memory_space<hbm>>
    tpu.wait_indirect_dma semaphore(%arg22 : memref<!tpu.dma_semaphore, #tpu.memory_space<semaphore_mem>>) src(%dma_wait3A_269 : memref<10000x16xf32, #tpu.memory_space<hbm>>) dst(%dma_wait3A_264 : memref<16x16xf32, #tpu.memory_space<vmem>>)
    %run_scoped3A_270 = arith.constant 0 : i32
    "tpu.region"() ({
      %run_scoped3A_275 = tpu.sem_alloc : memref<!tpu.dma_semaphore, #tpu.memory_space<semaphore_mem>>
      %dma_start3A_276 = arith.constant 0 : i32
      %dma_start3A_277 = arith.constant 0 : i32
      %dma_start3A_278 = tpu.memref_slice %arg8[%run_scoped3A_270, %dma_start3A_276, %dma_start3A_277] : memref<6x128x16xf32, #tpu.memory_space<vmem>> -> memref<1x16x16xf32, #tpu.memory_space<vmem>>
      %dma_start3A_279 = tpu.memref_squeeze %dma_start3A_278 : memref<1x16x16xf32, #tpu.memory_space<vmem>> -> memref<16x16xf32, #tpu.memory_space<vmem>>
      %dma_start3A_280 = arith.constant 9984 : i32
      %dma_start3A_281 = tpu.memref_slice %arg7[%dma_start3A_280] : memref<10000xi32, #tpu.memory_space<vmem>> -> memref<16xi32, #tpu.memory_space<vmem>>
      %dma_start3A_282 = arith.constant 0 : i32
      %dma_start3A_283 = arith.constant 0 : i32
      %dma_start3A_284 = tpu.memref_slice %arg9[%dma_start3A_282, %dma_start3A_283] : memref<10240x16xf32, #tpu.memory_space<vmem_shared>> -> memref<10240x16xf32, #tpu.memory_space<vmem_shared>>
      tpu.enqueue_indirect_dma source(%dma_start3A_279 : memref<16x16xf32, #tpu.memory_space<vmem>>) target(%dma_start3A_284 : memref<10240x16xf32, #tpu.memory_space<vmem_shared>>) offsets(%dma_start3A_281 : memref<16xi32, #tpu.memory_space<vmem>>) semaphore(%run_scoped3A_275 : memref<!tpu.dma_semaphore, #tpu.memory_space<semaphore_mem>>) {add = true}
      %dma_wait3A_285 = arith.constant 0 : i32
      %dma_wait3A_286 = arith.constant 0 : i32
      %dma_wait3A_287 = tpu.memref_slice %arg8[%run_scoped3A_270, %dma_wait3A_285, %dma_wait3A_286] : memref<6x128x16xf32, #tpu.memory_space<vmem>> -> memref<1x16x16xf32, #tpu.memory_space<vmem>>
      %dma_wait3A_288 = tpu.memref_squeeze %dma_wait3A_287 : memref<1x16x16xf32, #tpu.memory_space<vmem>> -> memref<16x16xf32, #tpu.memory_space<vmem>>
      %dma_wait3A_289 = arith.constant 9984 : i32
      %dma_wait3A_290 = tpu.memref_slice %arg7[%dma_wait3A_289] : memref<10000xi32, #tpu.memory_space<vmem>> -> memref<16xi32, #tpu.memory_space<vmem>>
      %dma_wait3A_291 = arith.constant 0 : i32
      %dma_wait3A_292 = arith.constant 0 : i32
      %dma_wait3A_293 = tpu.memref_slice %arg9[%dma_wait3A_291, %dma_wait3A_292] : memref<10240x16xf32, #tpu.memory_space<vmem_shared>> -> memref<10240x16xf32, #tpu.memory_space<vmem_shared>>
      tpu.wait_indirect_dma semaphore(%run_scoped3A_275 : memref<!tpu.dma_semaphore, #tpu.memory_space<semaphore_mem>>) src(%dma_wait3A_288 : memref<16x16xf32, #tpu.memory_space<vmem>>) dst(%dma_wait3A_293 : memref<10240x16xf32, #tpu.memory_space<vmem_shared>>)
      tpu.yield
    }) : () -> ()
    %barrier3A_271 = arith.constant 0 : index
    tpu.barrier barrier_id(%barrier3A_271)
    %mul3A_272 = arith.constant 10240 : i32
    %mul3A_273 = arith.muli %arg0, %mul3A_272 : i32
    %add3A_274 = arith.addi %mul3A_273, %mul3A_2 : i32
    "tpu.region"() ({
      %run_scoped3A_275 = tpu.sem_alloc : memref<!tpu.dma_semaphore, #tpu.memory_space<semaphore_mem>>
      %dma_start3A_276 = arith.constant 0 : i32
      %dma_start3A_277 = tpu.memref_slice %arg5[%add3A_274, %dma_start3A_276] : memref<20480x16xf32, #tpu.memory_space<hbm>> -> memref<640x16xf32, #tpu.memory_space<hbm>>
      %dma_start3A_278 = arith.constant 0 : i32
      %dma_start3A_279 = tpu.memref_slice %arg9[%mul3A_2, %dma_start3A_278] : memref<10240x16xf32, #tpu.memory_space<vmem_shared>> -> memref<640x16xf32, #tpu.memory_space<vmem_shared>>
      tpu.enqueue_dma source(%dma_start3A_279 : memref<640x16xf32, #tpu.memory_space<vmem_shared>>) target(%dma_start3A_277 : memref<640x16xf32, #tpu.memory_space<hbm>>) target_semaphore(%run_scoped3A_275 : memref<!tpu.dma_semaphore, #tpu.memory_space<semaphore_mem>>)
      %dma_wait3A_280 = arith.constant 0 : i32
      %dma_wait3A_281 = tpu.memref_slice %arg5[%add3A_274, %dma_wait3A_280] : memref<20480x16xf32, #tpu.memory_space<hbm>> -> memref<640x16xf32, #tpu.memory_space<hbm>>
      %dma_wait3A_282 = arith.constant 0 : i32
      %dma_wait3A_283 = tpu.memref_slice %arg9[%mul3A_2, %dma_wait3A_282] : memref<10240x16xf32, #tpu.memory_space<vmem_shared>> -> memref<640x16xf32, #tpu.memory_space<vmem_shared>>
      tpu.wait_dma2 semaphore(%run_scoped3A_275 : memref<!tpu.dma_semaphore, #tpu.memory_space<semaphore_mem>>) src(%dma_wait3A_283 : memref<640x16xf32, #tpu.memory_space<vmem_shared>>) dst(%dma_wait3A_281 : memref<640x16xf32, #tpu.memory_space<hbm>>)
      tpu.yield
    }) : () -> ()
    return
  }
}

module attributes {stable_mosaic.version = 14 : i64} {
  func.func @body(%arg0: memref<10000x128xf32, #tpu.memory_space<vmem>>, %arg1: memref<128x32xf32, #tpu.memory_space<vmem>>, %arg2: memref<128x32xf32, #tpu.memory_space<vmem>>, %arg3: memref<20480x1xf32, #tpu.memory_space<vmem>>, %arg4: memref<10000x32xf32, #tpu.memory_space<vmem>>, %arg5: memref<10000x32xf32, #tpu.memory_space<vmem>>, %arg6: memref<10000x1xf32, #tpu.memory_space<vmem>>) attributes {dimension_semantics = [], scalar_prefetch = 0 : i64, scratch_operands = 0 : i64, tpu.core_type = #tpu.core_type<tc>} {
    %get3A = arith.constant 0 : index
    %get3A_0 = arith.constant 0 : index
    %get3A_1 = vector.load %arg3[%get3A, %get3A_0] : memref<20480x1xf32, #tpu.memory_space<vmem>>, vector<10000x1xf32>
    %get3A_2 = arith.constant 10240 : index
    %get3A_3 = arith.constant 0 : index
    %get3A_4 = vector.load %arg3[%get3A_2, %get3A_3] : memref<20480x1xf32, #tpu.memory_space<vmem>>, vector<10000x1xf32>
    %add3A = arith.addf %get3A_1, %get3A_4 : vector<10000x1xf32>
    %gt3A = arith.constant 0.000000e+00 : f32
    %gt3A_5 = vector.broadcast %gt3A : f32 to vector<10000x1xf32>
    %gt3A_6 = arith.cmpf ogt, %add3A, %gt3A_5 : vector<10000x1xf32>
    %max3A = arith.constant 9.99999996E-13 : f32
    %max3A_7 = vector.broadcast %max3A : f32 to vector<10000x1xf32>
    %max3A_8 = arith.maximumf %add3A, %max3A_7 : vector<10000x1xf32>
    %sqrt3A = math.sqrt %max3A_8 : vector<10000x1xf32>
    %div3A = arith.constant 1.000000e+00 : f32
    %div3A_9 = vector.broadcast %div3A : f32 to vector<10000x1xf32>
    %div3A_10 = arith.divf %div3A_9, %sqrt3A : vector<10000x1xf32>
    %jit3A = arith.constant 0.000000e+00 : f32
    %broadcast_in_dim3A = vector.broadcast %jit3A : f32 to vector<10000x1xf32>
    %select_n3A = arith.select %gt3A_6, %div3A_10, %broadcast_in_dim3A : vector<10000x1xi1>, vector<10000x1xf32>
    %get3A_11 = arith.constant 0 : index
    %get3A_12 = arith.constant 0 : index
    %get3A_13 = vector.load %arg0[%get3A_11, %get3A_12] : memref<10000x128xf32, #tpu.memory_space<vmem>>, vector<10000x128xf32>
    %get3A_14 = arith.constant 0 : index
    %get3A_15 = arith.constant 0 : index
    %get3A_16 = vector.load %arg1[%get3A_14, %get3A_15] : memref<128x32xf32, #tpu.memory_space<vmem>>, vector<128x32xf32>
    %dot_general3A = arith.constant dense<0.000000e+00> : vector<10000x32xf32>
    %dot_general3A_17 = tpu.matmul %get3A_13, %get3A_16, %dot_general3A {dimension_numbers = #tpu.dot_dimension_numbers<[1], [0], [0], [1], [0, 0, 1, 1], [], []>, transpose_lhs_hint = false} : vector<10000x128xf32>, vector<128x32xf32>, vector<10000x32xf32> -> vector<10000x32xf32>
    %mul3A = vector.broadcast %select_n3A : vector<10000x1xf32> to vector<10000x32xf32>
    %mul3A_18 = arith.mulf %mul3A, %dot_general3A_17 : vector<10000x32xf32>
    %swap3A = arith.constant 0 : index
    %swap3A_19 = arith.constant 0 : index
    %swap3A_20 = vector.load %arg4[%swap3A, %swap3A_19] : memref<10000x32xf32, #tpu.memory_space<vmem>>, vector<10000x32xf32>
    tpu.vector_store %arg4[%swap3A, %swap3A_19], %mul3A_18 {strides = array<i32>} : memref<10000x32xf32, #tpu.memory_space<vmem>>, vector<10000x32xf32>,
    %get3A_21 = arith.constant 0 : index
    %get3A_22 = arith.constant 0 : index
    %get3A_23 = vector.load %arg2[%get3A_21, %get3A_22] : memref<128x32xf32, #tpu.memory_space<vmem>>, vector<128x32xf32>
    %dot_general3A_24 = arith.constant dense<0.000000e+00> : vector<10000x32xf32>
    %dot_general3A_25 = tpu.matmul %get3A_13, %get3A_23, %dot_general3A_24 {dimension_numbers = #tpu.dot_dimension_numbers<[1], [0], [0], [1], [0, 0, 1, 1], [], []>, transpose_lhs_hint = false} : vector<10000x128xf32>, vector<128x32xf32>, vector<10000x32xf32> -> vector<10000x32xf32>
    %swap3A_26 = arith.constant 0 : index
    %swap3A_27 = arith.constant 0 : index
    %swap3A_28 = vector.load %arg5[%swap3A_26, %swap3A_27] : memref<10000x32xf32, #tpu.memory_space<vmem>>, vector<10000x32xf32>
    tpu.vector_store %arg5[%swap3A_26, %swap3A_27], %dot_general3A_25 {strides = array<i32>} : memref<10000x32xf32, #tpu.memory_space<vmem>>, vector<10000x32xf32>,
    %swap3A_29 = arith.constant 0 : index
    %swap3A_30 = arith.constant 0 : index
    %swap3A_31 = vector.load %arg6[%swap3A_29, %swap3A_30] : memref<10000x1xf32, #tpu.memory_space<vmem>>, vector<10000x1xf32>
    tpu.vector_store %arg6[%swap3A_29, %swap3A_30], %select_n3A {strides = array<i32>} : memref<10000x1xf32, #tpu.memory_space<vmem>>, vector<10000x1xf32>,
    return
  }
}

module attributes {stable_mosaic.version = 14 : i64} {
  func.func @body(%arg0: memref<20480x32xf32, #tpu.memory_space<vmem>>, %arg1: memref<10000x32xf32, #tpu.memory_space<vmem>>, %arg2: memref<10000x1xf32, #tpu.memory_space<vmem>>, %arg3: memref<1x32xf32, #tpu.memory_space<vmem>>, %arg4: memref<32x16xf32, #tpu.memory_space<vmem>>, %arg5: memref<32x16xf32, #tpu.memory_space<vmem>>, %arg6: memref<10000x16xf32, #tpu.memory_space<vmem>>, %arg7: memref<10000x16xf32, #tpu.memory_space<vmem>>) attributes {dimension_semantics = [], scalar_prefetch = 0 : i64, scratch_operands = 0 : i64, tpu.core_type = #tpu.core_type<tc>} {
    %get3A = arith.constant 0 : index
    %get3A_0 = arith.constant 0 : index
    %get3A_1 = vector.load %arg2[%get3A, %get3A_0] : memref<10000x1xf32, #tpu.memory_space<vmem>>, vector<10000x1xf32>
    %get3A_2 = arith.constant 0 : index
    %get3A_3 = arith.constant 0 : index
    %get3A_4 = vector.load %arg0[%get3A_2, %get3A_3] : memref<20480x32xf32, #tpu.memory_space<vmem>>, vector<10000x32xf32>
    %get3A_5 = arith.constant 10240 : index
    %get3A_6 = arith.constant 0 : index
    %get3A_7 = vector.load %arg0[%get3A_5, %get3A_6] : memref<20480x32xf32, #tpu.memory_space<vmem>>, vector<10000x32xf32>
    %add3A = arith.addf %get3A_4, %get3A_7 : vector<10000x32xf32>
    %mul3A = vector.broadcast %get3A_1 : vector<10000x1xf32> to vector<10000x32xf32>
    %mul3A_8 = arith.mulf %mul3A, %add3A : vector<10000x32xf32>
    %get3A_9 = arith.constant 0 : index
    %get3A_10 = arith.constant 0 : index
    %get3A_11 = vector.load %arg1[%get3A_9, %get3A_10] : memref<10000x32xf32, #tpu.memory_space<vmem>>, vector<10000x32xf32>
    %add3A_12 = arith.addf %mul3A_8, %get3A_11 : vector<10000x32xf32>
    %get3A_13 = arith.constant 0 : index
    %get3A_14 = arith.constant 0 : index
    %get3A_15 = vector.load %arg3[%get3A_13, %get3A_14] : memref<1x32xf32, #tpu.memory_space<vmem>>, vector<1x32xf32>
    %add3A_16 = vector.broadcast %get3A_15 : vector<1x32xf32> to vector<10000x32xf32>
    %add3A_17 = arith.addf %add3A_12, %add3A_16 : vector<10000x32xf32>
    %max3A = arith.constant 0.000000e+00 : f32
    %max3A_18 = vector.broadcast %max3A : f32 to vector<10000x32xf32>
    %max3A_19 = arith.maximumf %add3A_17, %max3A_18 : vector<10000x32xf32>
    %get3A_20 = arith.constant 0 : index
    %get3A_21 = arith.constant 0 : index
    %get3A_22 = vector.load %arg4[%get3A_20, %get3A_21] : memref<32x16xf32, #tpu.memory_space<vmem>>, vector<32x16xf32>
    %dot_general3A = arith.constant dense<0.000000e+00> : vector<10000x16xf32>
    %dot_general3A_23 = tpu.matmul %max3A_19, %get3A_22, %dot_general3A {dimension_numbers = #tpu.dot_dimension_numbers<[1], [0], [0], [1], [0, 0, 1, 1], [], []>, transpose_lhs_hint = false} : vector<10000x32xf32>, vector<32x16xf32>, vector<10000x16xf32> -> vector<10000x16xf32>
    %mul3A_24 = vector.broadcast %get3A_1 : vector<10000x1xf32> to vector<10000x16xf32>
    %mul3A_25 = arith.mulf %mul3A_24, %dot_general3A_23 : vector<10000x16xf32>
    %swap3A = arith.constant 0 : index
    %swap3A_26 = arith.constant 0 : index
    %swap3A_27 = vector.load %arg6[%swap3A, %swap3A_26] : memref<10000x16xf32, #tpu.memory_space<vmem>>, vector<10000x16xf32>
    tpu.vector_store %arg6[%swap3A, %swap3A_26], %mul3A_25 {strides = array<i32>} : memref<10000x16xf32, #tpu.memory_space<vmem>>, vector<10000x16xf32>,
    %get3A_28 = arith.constant 0 : index
    %get3A_29 = arith.constant 0 : index
    %get3A_30 = vector.load %arg5[%get3A_28, %get3A_29] : memref<32x16xf32, #tpu.memory_space<vmem>>, vector<32x16xf32>
    %dot_general3A_31 = arith.constant dense<0.000000e+00> : vector<10000x16xf32>
    %dot_general3A_32 = tpu.matmul %max3A_19, %get3A_30, %dot_general3A_31 {dimension_numbers = #tpu.dot_dimension_numbers<[1], [0], [0], [1], [0, 0, 1, 1], [], []>, transpose_lhs_hint = false} : vector<10000x32xf32>, vector<32x16xf32>, vector<10000x16xf32> -> vector<10000x16xf32>
    %swap3A_33 = arith.constant 0 : index
    %swap3A_34 = arith.constant 0 : index
    %swap3A_35 = vector.load %arg7[%swap3A_33, %swap3A_34] : memref<10000x16xf32, #tpu.memory_space<vmem>>, vector<10000x16xf32>
    tpu.vector_store %arg7[%swap3A_33, %swap3A_34], %dot_general3A_32 {strides = array<i32>} : memref<10000x16xf32, #tpu.memory_space<vmem>>, vector<10000x16xf32>,
    return
  }
}

module attributes {stable_mosaic.version = 14 : i64} {
  func.func @body(%arg0: memref<20480x16xf32, #tpu.memory_space<vmem>>, %arg1: memref<10000x16xf32, #tpu.memory_space<vmem>>, %arg2: memref<10000x1xf32, #tpu.memory_space<vmem>>, %arg3: memref<1x16xf32, #tpu.memory_space<vmem>>, %arg4: memref<10000x16xf32, #tpu.memory_space<vmem>>) attributes {dimension_semantics = [], scalar_prefetch = 0 : i64, scratch_operands = 0 : i64, tpu.core_type = #tpu.core_type<tc>} {
    %get3A = arith.constant 0 : index
    %get3A_0 = arith.constant 0 : index
    %get3A_1 = vector.load %arg2[%get3A, %get3A_0] : memref<10000x1xf32, #tpu.memory_space<vmem>>, vector<10000x1xf32>
    %get3A_2 = arith.constant 0 : index
    %get3A_3 = arith.constant 0 : index
    %get3A_4 = vector.load %arg0[%get3A_2, %get3A_3] : memref<20480x16xf32, #tpu.memory_space<vmem>>, vector<10000x16xf32>
    %get3A_5 = arith.constant 10240 : index
    %get3A_6 = arith.constant 0 : index
    %get3A_7 = vector.load %arg0[%get3A_5, %get3A_6] : memref<20480x16xf32, #tpu.memory_space<vmem>>, vector<10000x16xf32>
    %add3A = arith.addf %get3A_4, %get3A_7 : vector<10000x16xf32>
    %mul3A = vector.broadcast %get3A_1 : vector<10000x1xf32> to vector<10000x16xf32>
    %mul3A_8 = arith.mulf %mul3A, %add3A : vector<10000x16xf32>
    %get3A_9 = arith.constant 0 : index
    %get3A_10 = arith.constant 0 : index
    %get3A_11 = vector.load %arg1[%get3A_9, %get3A_10] : memref<10000x16xf32, #tpu.memory_space<vmem>>, vector<10000x16xf32>
    %add3A_12 = arith.addf %mul3A_8, %get3A_11 : vector<10000x16xf32>
    %get3A_13 = arith.constant 0 : index
    %get3A_14 = arith.constant 0 : index
    %get3A_15 = vector.load %arg3[%get3A_13, %get3A_14] : memref<1x16xf32, #tpu.memory_space<vmem>>, vector<1x16xf32>
    %add3A_16 = vector.broadcast %get3A_15 : vector<1x16xf32> to vector<10000x16xf32>
    %add3A_17 = arith.addf %add3A_12, %add3A_16 : vector<10000x16xf32>
    %max3A = arith.constant 0.000000e+00 : f32
    %max3A_18 = vector.broadcast %max3A : f32 to vector<10000x16xf32>
    %max3A_19 = arith.maximumf %add3A_17, %max3A_18 : vector<10000x16xf32>
    %iota3A = tpu.iota {dimensions = array<i32: 1>} : vector<10000x16xi32>
    %lt3A = arith.constant 10 : i32
    %lt3A_20 = vector.broadcast %lt3A : i32 to vector<10000x16xi32>
    %lt3A_21 = arith.cmpi slt, %iota3A, %lt3A_20 : vector<10000x16xi32>
    %jit3A = arith.constant 0xFF800000 : f32
    %broadcast_in_dim3A = vector.broadcast %jit3A : f32 to vector<10000x16xf32>
    %select_n3A = arith.select %lt3A_21, %max3A_19, %broadcast_in_dim3A : vector<10000x16xi1>, vector<10000x16xf32>
    %reduce_max3A = arith.constant dense<0xFF800000> : vector<10000xf32>
    %reduce_max3A_22 = vector.multi_reduction <maximumf>, %select_n3A, %reduce_max3A [1] : vector<10000x16xf32> to vector<10000xf32>
    %broadcast_in_dim3A_23 = vector.shape_cast %reduce_max3A_22 : vector<10000xf32> to vector<10000x1xf32>
    %sub3A = vector.broadcast %broadcast_in_dim3A_23 : vector<10000x1xf32> to vector<10000x16xf32>
    %sub3A_24 = arith.subf %max3A_19, %sub3A : vector<10000x16xf32>
    %exp3A = math.exp %sub3A_24 : vector<10000x16xf32>
    %jit3A_25 = arith.constant 0.000000e+00 : f32
    %broadcast_in_dim3A_26 = vector.broadcast %jit3A_25 : f32 to vector<10000x16xf32>
    %select_n3A_27 = arith.select %lt3A_21, %exp3A, %broadcast_in_dim3A_26 : vector<10000x16xi1>, vector<10000x16xf32>
    %reduce_sum3A = arith.constant dense<0.000000e+00> : vector<10000xf32>
    %reduce_sum3A_28 = vector.multi_reduction <add>, %select_n3A_27, %reduce_sum3A [1] : vector<10000x16xf32> to vector<10000xf32>
    %broadcast_in_dim3A_29 = vector.shape_cast %reduce_sum3A_28 : vector<10000xf32> to vector<10000x1xf32>
    %log3A = math.log %broadcast_in_dim3A_29 : vector<10000x1xf32>
    %sub3A_30 = vector.broadcast %broadcast_in_dim3A_23 : vector<10000x1xf32> to vector<10000x16xf32>
    %sub3A_31 = arith.subf %max3A_19, %sub3A_30 : vector<10000x16xf32>
    %sub3A_32 = vector.broadcast %log3A : vector<10000x1xf32> to vector<10000x16xf32>
    %sub3A_33 = arith.subf %sub3A_31, %sub3A_32 : vector<10000x16xf32>
    %swap3A = arith.constant 0 : index
    %swap3A_34 = arith.constant 0 : index
    %swap3A_35 = vector.load %arg4[%swap3A, %swap3A_34] : memref<10000x16xf32, #tpu.memory_space<vmem>>, vector<10000x16xf32>
    tpu.vector_store %arg4[%swap3A, %swap3A_34], %sub3A_33 {strides = array<i32>} : memref<10000x16xf32, #tpu.memory_space<vmem>>, vector<10000x16xf32>,
    return
  }
}

</mosaic_0001>

<sc_bundles>
// kernel: kernel.11.cloned.1.call-start
scs
__scs_entry_jumppad:
0x0: {  	(pc) =	sbr.rel $0x88, $3  }
0x1: {  	(tag) =	ssettag $0x0;
	lr =	simm.s32 $0x1  }
0x2: {  	[smem:$0x3F99] =	sst lr;
	_ =	strace $0xD0000000  }
0x3: {  	_ = 	snop  }
0x4: {  	_ = 	snop  }
0x5: {  	_ = 	snop  }
0x6: {  	_ = 	snop  }
0x7: {  	_ = 	snop  }
__scs_overlays_trampoline_lowered:
0x8: {  	[smem:$0x3FA8] =	sst s0  }
0x9: {  	[smem:$0x3FA9] =	sst s1  }
0xa: {  	[smem:$0x3FAA] =	sst s2  }
0xb: {  	[smem:$0x3FAB] =	sst s3  }
0xc: {  	[smem:$0x3FAC] =	sst s4  }
0xd: {  	[smem:$0x3FAD] =	sst s5  }
0xe: {  	[smem:$0x3FAE] =	sst s6  }
0xf: {  	[smem:$0x3FAF] =	sst s7  }
0x10: {  	[smem:$0x3FB0] =	sst s8  }
0x11: {  	[smem:$0x3FB1] =	sst s9;
	s0 =	simm.s32 @!p0 $0x0  }
0x12: {  	s1 =	sld [smem:$0x3F97];
	s0 =	simm.s32 @p0 $0x1  }
0x13: {  	[smem:$0x3FB2] =	sst s0;
	s0 =	simm.s32 @!p1 $0x0  }
0x14: {  	s2 =	sld [smem:$0x3F96];
	s0 =	simm.s32 @p1 $0x1  }
0x15: {  	[smem:$0x3FB3] =	sst s0;
	s0 =	simm.s32 @!p2 $0x0  }
0x16: {  	s3 =	sld [smem:$0x3FDB];
	s0 =	simm.s32 @p2 $0x1  }
0x17: {  	s4 =	simm.s32 $0x1BF5;
	[smem:$0x3FB5] =	sst s0  }
0x18: {  	s0 =	sld [smem:$0x3F98];
	_ =	swait.ge [sflag:s4], $0x0  }
0x19: {  	s7 =	sld [smem:$0x3F99]  }
0x1a: {  	s8 =	sadd.s32 $0xFFFFE003, lr  }
0x1b: {  	s9 =	sadd.s32 $0xFFFFFEF7, lr;
	s5 =	simm.s32 $0xFFFFFFFF;
	p2 =	slt.u32 s8, $0xFFFFF086  }
0x1c: {  	p1 =	slt.u32 s9, $0xF7A;
	s5 =	simm.s32 @!p2 $0x0  }
0x1d: {  	s5 =	simm.s32 @p1 $0x1;
	p0 =	seq.s32 s7, s2  }
0x1e: {  	s7 =	smul.u32 @!p0 $0xF7A, s2;
	p2 =	seq.s32 @!p0 s5, $0x0  }
0x1f: {  	s9 =	smul.u32 $0xF7A, s1;
	s8 =	simm.s32 @!p0 $0x1BF5;
	p2 =	por !p2, p0  }
0x20: {  	[sflag:s8] =	ssyncset.s32 @!p0 $0xFFFFF086;
	s6 =	sadd.s32 @!p0 s3, s7;
	s7 =	simm.s32 @!p0 $0x108  }
0x21: {  	s3 =	sadd.s32 s3, s9;
	s6 =	sadd.s32 @!p0 $0x88, s6;
	s7 =	simm.s32 @p2 $0x1082  }
0x22: {  	[simem:s7], [sflag:s8] =	dma.local @!p0 [hbm:s6], $0xF7A  }
0x23: {  	s9 =	sor.u32 $0xD0000000, s2;
	s6 =	simm.s32 $0x108;
	_ =	swait.ge @!p0 [sflag:s8], $0x0  }
0x24: {  	s3 =	sadd.s32 $0x88, s3;
	s6 =	simm.s32 @!p1 $0x1082;
	[sflag:s4] =	ssyncset.s32 $0xFFFFF086  }
0x25: {  	[simem:s6], [sflag:s4] =	dma.local [hbm:s3], $0xF7A  }
0x26: {  	[smem:$0x3F99] =	sst s1;
	(tag) =	ssettag s2;
	_ =	strace s9  }
0x27: {  	s1 =	sld [smem:$0x3FA9]  }
0x28: {  	s2 =	sld [smem:$0x3FAA]  }
0x29: {  	s4 =	sld [smem:$0x3FAC]  }
0x2a: {  	p0 =	seq.s32 s5, $0x0;
	s5 =	sld [smem:$0x3FAD]  }
0x2b: {  	s6 =	sld [smem:$0x3FAE]  }
0x2c: {  	s7 =	sld [smem:$0x3FAF]  }
0x2d: {  	s3 =	simm.s32 $0x108;
	s8 =	sld [smem:$0x3FB0]  }
0x2e: {  	s3 =	simm.s32 @!p0 $0x1082;
	s9 =	sld [smem:$0x3FB1]  }
0x2f: {  	lr =	sadd.s32 s0, s3;
	s0 =	sld [smem:$0x3FA8]  }
0x30: {  	s3 =	sld [smem:$0x3FAB]  }
0x31: {  	[smem:$0x3FB4] =	sst s10  }
0x32: {  	s10 =	sld [smem:$0x3FB2];
	_ =	sdelay $0x3  }
0x33: {  	p0 =	seq.s32 s10, $0x1;
	s10 =	sld [smem:$0x3FB4];
	_ =	sdelay $0x3  }
0x34: {  	[smem:$0x3FB4] =	sst s10  }
0x35: {  	s10 =	sld [smem:$0x3FB3];
	_ =	sdelay $0x3  }
0x36: {  	p1 =	seq.s32 s10, $0x1;
	s10 =	sld [smem:$0x3FB4];
	_ =	sdelay $0x3  }
0x37: {  	[smem:$0x3FB4] =	sst s10  }
0x38: {  	s10 =	sld [smem:$0x3FB5]  }
0x39: {  	_ = 	snop;
	(pc) =	sbr.ind lr, $3  }
0x3a: {  	_ = 	snop  }
0x3b: {  	_ = 	snop  }
0x3c: {  	p2 =	seq.s32 s10, $0x1;
	s10 =	sld [smem:$0x3FB4]  }
0x3d: {  	_ =	shalt  }
0x3e: {  	_ =	shalt  }
0x3f: {  	_ =	shalt  }
0x40: {  	_ =	shalt  }
0x41: {  	_ =	shalt  }
0x42: {  	_ =	shalt  }
0x43: {  	_ =	shalt  }
0x44: {  	_ =	shalt  }
0x45: {  	_ =	shalt  }
0x46: {  	_ =	shalt  }
0x47: {  	_ =	shalt  }
0x48: {  	_ =	shalt  }
0x49: {  	_ =	shalt  }
0x4a: {  	_ =	shalt  }
0x4b: {  	_ =	shalt  }
0x4c: {  	_ =	shalt  }
0x4d: {  	_ =	shalt  }
0x4e: {  	_ =	shalt  }
0x4f: {  	_ =	shalt  }
0x50: {  	_ =	shalt  }
0x51: {  	_ =	shalt  }
0x52: {  	_ =	shalt  }
0x53: {  	_ =	shalt  }
0x54: {  	_ =	shalt  }
0x55: {  	_ =	shalt  }
0x56: {  	_ =	shalt  }
0x57: {  	_ =	shalt  }
0x58: {  	_ =	shalt  }
0x59: {  	_ =	shalt  }
0x5a: {  	_ =	shalt  }
0x5b: {  	_ =	shalt  }
0x5c: {  	_ =	shalt  }
0x5d: {  	_ =	shalt  }
0x5e: {  	_ =	shalt  }
0x5f: {  	_ =	shalt  }
0x60: {  	_ =	shalt  }
0x61: {  	_ =	shalt  }
0x62: {  	_ =	shalt  }
0x63: {  	_ =	shalt  }
0x64: {  	_ =	shalt  }
0x65: {  	_ =	shalt  }
0x66: {  	_ =	shalt  }
0x67: {  	_ =	shalt  }
0x68: {  	_ =	shalt  }
0x69: {  	_ =	shalt  }
0x6a: {  	_ =	shalt  }
0x6b: {  	_ =	shalt  }
0x6c: {  	_ =	shalt  }
0x6d: {  	_ =	shalt  }
0x6e: {  	_ =	shalt  }
0x6f: {  	_ =	shalt  }
0x70: {  	_ =	shalt  }
0x71: {  	_ =	shalt  }
0x72: {  	_ =	shalt  }
0x73: {  	_ =	shalt  }
0x74: {  	_ =	shalt  }
0x75: {  	_ =	shalt  }
0x76: {  	_ =	shalt  }
0x77: {  	_ =	shalt  }
0x78: {  	_ =	shalt  }
0x79: {  	_ =	shalt  }
0x7a: {  	_ =	shalt  }
0x7b: {  	_ =	shalt  }
0x7c: {  	_ =	shalt  }
0x7d: {  	_ =	shalt  }
0x7e: {  	_ =	shalt  }
0x7f: {  	_ =	shalt  }
0x80: {  	_ =	shalt  }
0x81: {  	_ =	shalt  }
0x82: {  	_ =	shalt  }
0x83: {  	_ =	shalt  }
0x84: {  	_ =	shalt  }
0x85: {  	_ =	shalt  }
0x86: {  	_ =	shalt  }
0x87: {  	_ =	shalt  }
.Lfunc_end0:
.L_simem_size_0:
called_computation.1_lowered:
.L_overlay_start_0:
0x88: {  	s2 =	sld [smem:$0x3FD9]  }
0x89: {  	s3 =	sld [smem:$0x3FFE];
	_ =	sdelay $0x1  }
0x8a: {  	s1 =	srdreg.scid  }
0x8b: {  	s0 =	sand.u32 $0x1, s1  }
0x8c: {  	s16 =	sshll.u32 s0, $0xA;
	s2 =	sadd.s32 s3, s2  }
0x8d: {  	s2 =	sadd.s32 s2, s16  }
0x8e: {  	[smem:$0x3FC0] =	sst s2  }
0x8f: {  	_ = 	snop  }
0x90: {  	(tm) =	ssettm $0x1  }
0x91: {  	s17 =	sld [smem:$0x3FFB];
	_ =	sdelay $0x3  }
0x92: {  	_ =	strace s17  }
0x93: {  	s2 =	sld [smem:$0x3FFC];
	_ =	sdelay $0x3  }
0x94: {  	_ =	strace s2  }
0x95: {  	s2 =	sld [smem:$0x3FFD];
	_ =	sdelay $0x3  }
0x96: {  	_ =	strace s2  }
0x97: {  	_ =	strace $0x8FFFFFFF  }
0x98: {  	s18 =	sld [smem:$0x3FDB];
	_ =	sdelay $0x1  }
0x99: {  	s19 =	simm.s32 $_scs_section_size  }
0x9a: {  	s4 =	simm.s32 $_size__tile_overlayer_lowered;
	s5 =	simm.s32 $_tile_overlayer_lowered  }
0x9b: {  	s22 =	simm.s32 $0x1BFF;
	s21 =	sshll.u32 s5, $0x1;
	s2 =	sadd.s32 s19, s18  }
0x9c: {  	s6 =	simm.s32 $0x0;
	s20 =	sshll.u32 s4, $0x1;
	s4 =	sadd.s32 s21, s2  }
0x9d: {  	[timem:s6], [sflag:s22] =	dma.local [hbm:s4], s20  }
0x9e: {  	_ =	swait.ge [sflag:s22], s20  }
0x9f: {  	s3 =	ssub.s32 $0x0, s20;
	[sflag:s22] =	ssyncset.done $0x0  }
0xa0: {  	[sflag:s22] =	ssyncadd.s32 s3;
	_ =	sdelay $0x1  }
0xa1: {  	s23 =	simm.s32 $0x1B8B  }
0xa2: {  	_ =	swait.ge [sflag:s23], $0x1  }
0xa3: {  	[sflag:s23] =	ssyncset.done $0x0  }
0xa4: {  	s25 =	simm.s32 $0x1B8E;
	s24 =	sld [smem:$0x3FFE];
	[sflag:s23] =	ssyncadd.s32 $0xFFFFFFFF  }
0xa5: {  	s26 =	simm.s32 $execute0_lowered;
	[smem:$0x3FD2] =	sst s25  }
0xa6: {  	s4 =	sshll.u32 s26, $0x1;
	_ =	strace $0x80000049;
	[dreg:$0x1] =	wrdreg $0xFFFFFFFF  }
0xa7: {  	s28 =	simm.s32 $_size_execute0_lowered;
	s2 =	sadd.s32 s2, s4;
	[dreg:$0x0] =	wrdreg $0x0  }
0xa8: {  	s4 =	sshll.u32 s28, $0x1;
	[dreg:$0x2] =	wrdreg s2  }
0xa9: {  	[dreg:$0x3] =	wrdreg s4  }
0xaa: {  	[dreg:$0x4] =	wrdreg $0xC0  }
0xab: {  	_ =	task [dreg:s6], $0x5FFFF  }
0xac: {  	[dreg:$0x1] =	wrdreg $0xFFFFFFFF  }
0xad: {  	[dreg:$0x0] =	wrdreg $0x60  }
0xae: {  	[dreg:$0x2] =	wrdreg s24  }
0xaf: {  	[dreg:$0x3] =	wrdreg $0xAE200  }
0xb0: {  	[dreg:$0x4] =	wrdreg $0x9  }
0xb1: {  	_ =	task.clear_ibuf [dreg:s6], $0x5FFFF;
	_ =	strace $0x90000049  }
0xb2: {  	s29 =	simm.s32 $0x9;
	_ =	strace $0x8000004B  }
0xb3: {  	_ =	swait.ge [sflag:s29], $0x1  }
0xb4: {  	[sflag:s29] =	ssyncadd.s32 $0xFFFFFFFF  }
0xb5: {  	_ =	strace $0x9000004B  }
0xb6: {  	_ =	sfence  }
0xb7: {  	s30 =	sld [smem:$0x0];
	_ =	sdelay $0x2  }
0xb8: {  	s31 =	sshll.u32 s1, $0xD;
	s1 =	sshrl.u32 s1, $0x2  }
0xb9: {  	s3 =	sand.u32 $0x4000, s31;
	s1 =	sadd.s32 s1, s30  }
0xba: {  	s0 =	sor.u32 s3, s0;
	s1 =	sshll.u32 s1, $0x11  }
0xbb: {  	s0 =	sor.u32 s1, s0  }
0xbc: {  	s0 =	sadd.s32 $0x8F2B, s0  }
0xbd: {  	[sflag:s0] =	ssyncadd.remote.s32 $0x1  }
0xbe: {  	_ =	sfence.sel $0xFFFF  }
0xbf: {  	[dreg:$0x0] =	wrdreg $0xFFFFFFFF;
	(pc) =	sbr.abs _section_cstart, $3  }
0xc0: {  	[dreg:$0x1] =	wrdreg $0xFFFFFFFF  }
0xc1: {  	_ =	task.clear_ibuf [dreg:s6], $0x2FFFF;
	_ =	strace $0x9FFFFFFF  }
0xc2: {  	(tm) =	ssettm $0x7FFFFFFF  }
0xc3: {  	_ =	shalt  }
tec
execute0_lowered:
.L_overlay_start_1:
0x0: {  	(tag) =	ssettag $0x1  }
0x1: {  	s0 =	srdreg.scid;
	s5 =	rddreg [dreg:$0x0]  }
0x2: {  	s10 =	stileid.u32;
	s2 =	rddreg [dreg:$0x1]  }
0x3: {  	s3 =	simm.s32 $0x0;
	s12 =	simm.s32 $0xE;
	s14 =	simm.s32 $0x80  }
0x4: {  	s15 =	simm.s32 $0x4E20;
	s16 =	simm.s32 $0x1;
	s17 =	simm.s32 $0x5E20  }
0x5: {  	s18 =	simm.s32 $0x2;
	s30 =	simm.s32 $0x8E20;
	s31 =	simm.s32 $0x5  }
0x6: {  	s19 =	simm.s32 $0x9E20;
	s20 =	simm.s32 $0x7;
	s28 =	simm.s32 $0x9  }
0x7: {  	s29 =	simm.s32 $0xA;
	s0 =	sand.u32 $0x1, s0;
	s6 =	smul.u32 $0x5000, s10  }
0x8: {  	s7 =	smul.u32 $0xA00, s10;
	[smem:$0x7FF] =	sst s3;
	s4 =	sadd.s32 $0x15E00, s5  }
0x9: {  	s24 =	sshll.u32 s10, $0x6;
	s1 =	sshll.u32 s0, $0x4;
	s8 =	smul.u32 $0xA000, s0  }
0xa: {  	_ =	strace $0x8000004A;
	s0 =	ssub.s32 $0x2, s0;
	s1 =	sor.u32 s10, s1  }
0xb: {  	s9 =	sshrl.u32 s6, $0x3;
	s22 =	sshrl.u32 s0, $0x1;
	s23 =	sadd.s32 s6, s2  }
0xc: {  	s6 =	sor.u32 $0x1C0E, s24;
	s24 =	simm.s32 $0x8;
	s1 =	smul.u32 $0x2710, s1  }
0xd: {  	s7 =	sadd.s32 s7, s8;
	s21 =	sadd.s32 s9, s5;
	s0 =	ssub.s32 s0, s22  }
0xe: {  	s11 =	sshrl.u32 s23, $0x3;
	s22 =	simm.s32 $0x3;
	s23 =	simm.s32 $0x6  }
0xf: {  	s8 =	sadd.s32 $0x1FC00, s21;
	s0 =	smax.u32 s0, $0x1;
	s1 =	sshrl.u32 s1, $0x3  }
0x10: {  	s21 =	simm.s32 $0x6E20;
	[dreg:$0x3] =	wrdreg s8;
	s1 =	sadd.s32 s1, s5  }
0x11: {  	[dreg:$0x7] =	wrdreg s0;
	s0 =	simm.s32 $0xC;
	s25 =	sadd.s32 $0x2400, s1  }
0x12: {  	s5 =	sadd.s32 s7, s5;
	s1 =	sadd.s32 $0xC040, s1;
	[dreg:$0x4] =	wrdreg s25  }
0x13: {  	s8 =	simm.s32 $0x0;
	s26 =	sadd.s32 $0x29C00, s5;
	[dreg:$0x5] =	wrdreg s1  }
0x14: {  	s7 =	simm.s32 $0xD;
	s5 =	simm.s32 $0x10;
	[dreg:$0x6] =	wrdreg s26  }
0x15: {  	s25 =	simm.s32 $0x7E20;
	s26 =	simm.s32 $0x4;
	s1 =	simm.s32 $0xB  }
.LBB2_1:
0x16: {  	s9 =	rddreg [dreg:$0x3]  }
0x17: {  	[spmem:s11], [sflag:s6] =	dma.local [hbm:s9], $0xA00  }
0x18: {  	_ =	swait.ge [sflag:s12], $0xA00  }
0x19: {  	[sflag:s12] =	ssyncset.done $0x0  }
0x1a: {  	s10 =	rddreg [dreg:$0x4];
	[sflag:s12] =	ssyncadd.s32 $0xFFFFF600  }
0x1b: {  	[tilespmem:s3], [sflag:$0xE] =	stream.linear.gather [hbm4b:s10+s3], $0x2710, $0x38;
	[tilespmem:$0xFE20] =	vst v63  }
0x1c: {  	_ =	swait.ge [sflag:s12], $0x2710  }
0x1d: {  	[sflag:s12] =	ssyncset.done $0x0  }
0x1e: {  	s10 =	simm.s32 $0x2710;
	s13 =	rddreg [dreg:$0x5];
	[sflag:s12] =	ssyncadd.s32 $0xFFFFD8F0  }
0x1f: {  	[tilespmem:s10], [sflag:$0xE] =	stream.linear.gather [hbm4b:s13+s3], $0x2710, $0x38;
	[tilespmem:$0xFE20] =	vst v63  }
0x20: {  	_ =	swait.ge [sflag:s12], $0x2710  }
0x21: {  	[sflag:s12] =	ssyncset.done $0x0  }
0x22: {  	[sflag:s12] =	ssyncadd.s32 $0xFFFFD8F0  }
0x23: {  	[bflag:$0x0] =	sbarrier.arrive $0xFFFF  }
0x24: {  	[tilespmem:s15], [sflag:$0x1] =	stream.indirect.gather [hbm4b:s4+s14], $0x20, s3, s14, $0xb8;
	[tilespmem:$0xFE20] =	vst v63  }
0x25: {  	_ =	swait.ge [sflag:s16], $0x1000  }
0x26: {  	[sflag:s16] =	ssyncset.done $0x0  }
0x27: {  	[sflag:s16] =	ssyncadd.s32 $0xFFFFF000  }
0x28: {  	[spmem:s2] =	stream.indirect.scatter.add.f32 [tilespmem:s15], [sflag:$0x7], $0x20, s10, s14, $0xb8;
	[tilespmem:$0xFE20] =	vst v63  }
0x29: {  	_ = 	snop  }
0x2a: {  	[tilespmem:s17], [sflag:$0x2] =	stream.indirect.gather [hbm4b:s4+s14], $0x20, s14, s14, $0xb8;
	[tilespmem:$0xFE20] =	vst v63  }
0x2b: {  	_ =	swait.ge [sflag:s18], $0x1000  }
0x2c: {  	[sflag:s18] =	ssyncset.done $0x0  }
0x2d: {  	s13 =	simm.s32 $0x2790;
	[sflag:s18] =	ssyncadd.s32 $0xFFFFF000  }
0x2e: {  	[spmem:s2] =	stream.indirect.scatter.add.f32 [tilespmem:s17], [sflag:$0x8], $0x20, s13, s14, $0xb8;
	[tilespmem:$0xFE20] =	vst v63  }
0x2f: {  	s10 =	simm.s32 $0x100  }
0x30: {  	[tilespmem:s21], [sflag:$0x3] =	stream.indirect.gather [hbm4b:s4+s14], $0x20, s10, s14, $0xb8;
	[tilespmem:$0xFE20] =	vst v63  }
0x31: {  	_ =	swait.ge [sflag:s22], $0x1000  }
0x32: {  	[sflag:s22] =	ssyncset.done $0x0  }
0x33: {  	s13 =	simm.s32 $0x2810;
	[sflag:s22] =	ssyncadd.s32 $0xFFFFF000  }
0x34: {  	[spmem:s2] =	stream.indirect.scatter.add.f32 [tilespmem:s21], [sflag:$0x9], $0x20, s13, s14, $0xb8;
	[tilespmem:$0xFE20] =	vst v63  }
0x35: {  	s10 =	simm.s32 $0x180  }
0x36: {  	[tilespmem:s25], [sflag:$0x4] =	stream.indirect.gather [hbm4b:s4+s14], $0x20, s10, s14, $0xb8;
	[tilespmem:$0xFE20] =	vst v63  }
0x37: {  	_ =	swait.ge [sflag:s26], $0x1000  }
0x38: {  	[sflag:s26] =	ssyncset.done $0x0  }
0x39: {  	s13 =	simm.s32 $0x2890;
	[sflag:s26] =	ssyncadd.s32 $0xFFFFF000  }
0x3a: {  	[spmem:s2] =	stream.indirect.scatter.add.f32 [tilespmem:s25], [sflag:$0xA], $0x20, s13, s14, $0xb8;
	[tilespmem:$0xFE20] =	vst v63  }
0x3b: {  	s10 =	simm.s32 $0x200  }
0x3c: {  	[tilespmem:s30], [sflag:$0x5] =	stream.indirect.gather [hbm4b:s4+s14], $0x20, s10, s14, $0xb8;
	[tilespmem:$0xFE20] =	vst v63  }
0x3d: {  	_ =	swait.ge [sflag:s31], $0x1000  }
0x3e: {  	[sflag:s31] =	ssyncset.done $0x0  }
0x3f: {  	s13 =	simm.s32 $0x2910;
	[sflag:s31] =	ssyncadd.s32 $0xFFFFF000  }
0x40: {  	[spmem:s2] =	stream.indirect.scatter.add.f32 [tilespmem:s30], [sflag:$0xB], $0x20, s13, s14, $0xb8;
	[tilespmem:$0xFE20] =	vst v63  }
0x41: {  	s10 =	simm.s32 $0x280  }
0x42: {  	[tilespmem:s19], [sflag:$0x6] =	stream.indirect.gather [hbm4b:s4+s14], $0x20, s10, s14, $0xb8;
	[tilespmem:$0xFE20] =	vst v63  }
0x43: {  	_ =	swait.ge [sflag:s20], $0x1000  }
0x44: {  	[sflag:s20] =	ssyncset.done $0x0  }
0x45: {  	s13 =	simm.s32 $0x300;
	[sflag:s20] =	ssyncadd.s32 $0xFFFFF000  }
0x46: {  	[tilespmem:s15], [sflag:$0x1] =	stream.indirect.gather [hbm4b:s4+s14], $0x20, s13, s14, $0xb8;
	[tilespmem:$0xFE20] =	vst v63  }
0x47: {  	_ =	swait.ge [sflag:s23], $0x1000  }
0x48: {  	[sflag:s23] =	ssyncset.done $0x0  }
0x49: {  	s10 =	simm.s32 $0x2990;
	[sflag:s23] =	ssyncadd.s32 $0xFFFFF000  }
0x4a: {  	[spmem:s2] =	stream.indirect.scatter.add.f32 [tilespmem:s19], [sflag:$0xC], $0x20, s10, s14, $0xb8;
	[tilespmem:$0xFE20] =	vst v63  }
0x4b: {  	_ =	swait.ge [sflag:s24], $0x1000  }
0x4c: {  	[sflag:s24] =	ssyncset.done $0x0  }
0x4d: {  	s13 =	simm.s32 $0x380;
	[sflag:s24] =	ssyncadd.s32 $0xFFFFF000  }
0x4e: {  	[tilespmem:s17], [sflag:$0x2] =	stream.indirect.gather [hbm4b:s4+s14], $0x20, s13, s14, $0xb8;
	[tilespmem:$0xFE20] =	vst v63  }
0x4f: {  	_ =	swait.ge [sflag:s16], $0x1000  }
0x50: {  	[sflag:s16] =	ssyncset.done $0x0  }
0x51: {  	s10 =	simm.s32 $0x2A10;
	[sflag:s16] =	ssyncadd.s32 $0xFFFFF000  }
0x52: {  	[spmem:s2] =	stream.indirect.scatter.add.f32 [tilespmem:s15], [sflag:$0x7], $0x20, s10, s14, $0xb8;
	[tilespmem:$0xFE20] =	vst v63  }
0x53: {  	_ =	swait.ge [sflag:s28], $0x1000  }
0x54: {  	[sflag:s28] =	ssyncset.done $0x0  }
0x55: {  	s13 =	simm.s32 $0x400;
	[sflag:s28] =	ssyncadd.s32 $0xFFFFF000  }
0x56: {  	[tilespmem:s21], [sflag:$0x3] =	stream.indirect.gather [hbm4b:s4+s14], $0x20, s13, s14, $0xb8;
	[tilespmem:$0xFE20] =	vst v63  }
0x57: {  	_ =	swait.ge [sflag:s18], $0x1000  }
0x58: {  	[sflag:s18] =	ssyncset.done $0x0  }
0x59: {  	s10 =	simm.s32 $0x2A90;
	[sflag:s18] =	ssyncadd.s32 $0xFFFFF000  }
0x5a: {  	[spmem:s2] =	stream.indirect.scatter.add.f32 [tilespmem:s17], [sflag:$0x8], $0x20, s10, s14, $0xb8;
	[tilespmem:$0xFE20] =	vst v63  }
0x5b: {  	_ =	swait.ge [sflag:s29], $0x1000  }
0x5c: {  	[sflag:s29] =	ssyncset.done $0x0  }
0x5d: {  	s13 =	simm.s32 $0x480;
	[sflag:s29] =	ssyncadd.s32 $0xFFFFF000  }
0x5e: {  	[tilespmem:s25], [sflag:$0x4] =	stream.indirect.gather [hbm4b:s4+s14], $0x20, s13, s14, $0xb8;
	[tilespmem:$0xFE20] =	vst v63  }
0x5f: {  	_ =	swait.ge [sflag:s22], $0x1000  }
0x60: {  	[sflag:s22] =	ssyncset.done $0x0  }
0x61: {  	s10 =	simm.s32 $0x2B10;
	[sflag:s22] =	ssyncadd.s32 $0xFFFFF000  }
0x62: {  	[spmem:s2] =	stream.indirect.scatter.add.f32 [tilespmem:s21], [sflag:$0x9], $0x20, s10, s14, $0xb8;
	[tilespmem:$0xFE20] =	vst v63  }
0x63: {  	_ =	swait.ge [sflag:s1], $0x1000  }
0x64: {  	[sflag:s1] =	ssyncset.done $0x0  }
0x65: {  	s13 =	simm.s32 $0x500;
	[sflag:s1] =	ssyncadd.s32 $0xFFFFF000  }
0x66: {  	[tilespmem:s30], [sflag:$0x5] =	stream.indirect.gather [hbm4b:s4+s14], $0x20, s13, s14, $0xb8;
	[tilespmem:$0xFE20] =	vst v63  }
0x67: {  	_ =	swait.ge [sflag:s26], $0x1000  }
0x68: {  	[sflag:s26] =	ssyncset.done $0x0  }
0x69: {  	s10 =	simm.s32 $0x2B90;
	[sflag:s26] =	ssyncadd.s32 $0xFFFFF000  }
0x6a: {  	[spmem:s2] =	stream.indirect.scatter.add.f32 [tilespmem:s25], [sflag:$0xA], $0x20, s10, s14, $0xb8;
	[tilespmem:$0xFE20] =	vst v63  }
0x6b: {  	_ =	swait.ge [sflag:s0], $0x1000  }
0x6c: {  	[sflag:s0] =	ssyncset.done $0x0  }
0x6d: {  	s13 =	simm.s32 $0x580;
	[sflag:s0] =	ssyncadd.s32 $0xFFFFF000  }
0x6e: {  	[tilespmem:s19], [sflag:$0x6] =	stream.indirect.gather [hbm4b:s4+s14], $0x20, s13, s14, $0xb8;
	[tilespmem:$0xFE20] =	vst v63  }
0x6f: {  	_ =	swait.ge [sflag:s31], $0x1000  }
0x70: {  	[sflag:s31] =	ssyncset.done $0x0  }
0x71: {  	s9 =	simm.s32 $0x2C10;
	s13 =	simm.s32 $0xC00;
	[sflag:s31] =	ssyncadd.s32 $0xFFFFF000  }
.LBB2_2:
0x72: {  	[spmem:s2] =	stream.indirect.scatter.add.f32 [tilespmem:s30], [sflag:$0xB], $0x20, s9, s14, $0xb8;
	[tilespmem:$0xFE20] =	vst v63  }
0x73: {  	s9 =	smov.u32 s13  }
0x74: {  	p0 =	sne.s32 s13, $0x8400;
	s13 =	sadd.s32 $0xC00, s13;
	_ =	swait.ge [sflag:s20], $0x1000  }
0x75: {  	s9 =	sshra.s32 s9, $0x2;
	[sflag:s20] =	ssyncset.done $0x0  }
0x76: {  	s10 =	sadd.s32 $0x300, s9;
	[sflag:s20] =	ssyncadd.s32 $0xFFFFF000  }
0x77: {  	[tilespmem:s15], [sflag:$0x1] =	stream.indirect.gather [hbm4b:s4+s14], $0x20, s10, s14, $0xb8;
	[tilespmem:$0xFE20] =	vst v63  }
0x78: {  	_ =	swait.ge [sflag:s23], $0x1000  }
0x79: {  	[sflag:s23] =	ssyncset.done $0x0  }
0x7a: {  	s10 =	sadd.s32 $0x2990, s9;
	[sflag:s23] =	ssyncadd.s32 $0xFFFFF000  }
0x7b: {  	[spmem:s2] =	stream.indirect.scatter.add.f32 [tilespmem:s19], [sflag:$0xC], $0x20, s10, s14, $0xb8;
	[tilespmem:$0xFE20] =	vst v63  }
0x7c: {  	_ =	swait.ge [sflag:s24], $0x1000  }
0x7d: {  	[sflag:s24] =	ssyncset.done $0x0  }
0x7e: {  	s10 =	sadd.s32 $0x380, s9;
	[sflag:s24] =	ssyncadd.s32 $0xFFFFF000  }
0x7f: {  	[tilespmem:s17], [sflag:$0x2] =	stream.indirect.gather [hbm4b:s4+s14], $0x20, s10, s14, $0xb8;
	[tilespmem:$0xFE20] =	vst v63  }
0x80: {  	_ =	swait.ge [sflag:s16], $0x1000  }
0x81: {  	[sflag:s16] =	ssyncset.done $0x0  }
0x82: {  	s10 =	sadd.s32 $0x2A10, s9;
	[sflag:s16] =	ssyncadd.s32 $0xFFFFF000  }
0x83: {  	[spmem:s2] =	stream.indirect.scatter.add.f32 [tilespmem:s15], [sflag:$0x7], $0x20, s10, s14, $0xb8;
	[tilespmem:$0xFE20] =	vst v63  }
0x84: {  	_ =	swait.ge [sflag:s28], $0x1000  }
0x85: {  	[sflag:s28] =	ssyncset.done $0x0  }
0x86: {  	s10 =	sadd.s32 $0x400, s9;
	[sflag:s28] =	ssyncadd.s32 $0xFFFFF000  }
0x87: {  	[tilespmem:s21], [sflag:$0x3] =	stream.indirect.gather [hbm4b:s4+s14], $0x20, s10, s14, $0xb8;
	[tilespmem:$0xFE20] =	vst v63  }
0x88: {  	_ =	swait.ge [sflag:s18], $0x1000  }
0x89: {  	[sflag:s18] =	ssyncset.done $0x0  }
0x8a: {  	s10 =	sadd.s32 $0x2A90, s9;
	[sflag:s18] =	ssyncadd.s32 $0xFFFFF000  }
0x8b: {  	[spmem:s2] =	stream.indirect.scatter.add.f32 [tilespmem:s17], [sflag:$0x8], $0x20, s10, s14, $0xb8;
	[tilespmem:$0xFE20] =	vst v63  }
0x8c: {  	_ =	swait.ge [sflag:s29], $0x1000  }
0x8d: {  	[sflag:s29] =	ssyncset.done $0x0  }
0x8e: {  	s10 =	sadd.s32 $0x480, s9;
	[sflag:s29] =	ssyncadd.s32 $0xFFFFF000  }
0x8f: {  	[tilespmem:s25], [sflag:$0x4] =	stream.indirect.gather [hbm4b:s4+s14], $0x20, s10, s14, $0xb8;
	[tilespmem:$0xFE20] =	vst v63  }
0x90: {  	_ =	swait.ge [sflag:s22], $0x1000  }
0x91: {  	[sflag:s22] =	ssyncset.done $0x0  }
0x92: {  	s10 =	sadd.s32 $0x2B10, s9;
	[sflag:s22] =	ssyncadd.s32 $0xFFFFF000  }
0x93: {  	[spmem:s2] =	stream.indirect.scatter.add.f32 [tilespmem:s21], [sflag:$0x9], $0x20, s10, s14, $0xb8;
	[tilespmem:$0xFE20] =	vst v63  }
0x94: {  	_ =	swait.ge [sflag:s1], $0x1000  }
0x95: {  	[sflag:s1] =	ssyncset.done $0x0  }
0x96: {  	s10 =	sadd.s32 $0x500, s9;
	[sflag:s1] =	ssyncadd.s32 $0xFFFFF000  }
0x97: {  	[tilespmem:s30], [sflag:$0x5] =	stream.indirect.gather [hbm4b:s4+s14], $0x20, s10, s14, $0xb8;
	[tilespmem:$0xFE20] =	vst v63  }
0x98: {  	_ =	swait.ge [sflag:s26], $0x1000  }
0x99: {  	[sflag:s26] =	ssyncset.done $0x0  }
0x9a: {  	s10 =	sadd.s32 $0x2B90, s9;
	[sflag:s26] =	ssyncadd.s32 $0xFFFFF000  }
0x9b: {  	[spmem:s2] =	stream.indirect.scatter.add.f32 [tilespmem:s25], [sflag:$0xA], $0x20, s10, s14, $0xb8;
	[tilespmem:$0xFE20] =	vst v63  }
0x9c: {  	_ =	swait.ge [sflag:s0], $0x1000  }
0x9d: {  	[sflag:s0] =	ssyncset.done $0x0  }
.Ltmp0:
0x9e: {  	s10 =	sadd.s32 $0x580, s9;
	[sflag:s0] =	ssyncadd.s32 $0xFFFFF000;
	(pc) =	sbr.rel @p0 .LBB2_2-.Ltmp0, $4  }
0x9f: {  	[tilespmem:s19], [sflag:$0x6] =	stream.indirect.gather [hbm4b:s4+s14], $0x20, s10, s14, $0xb8;
	[tilespmem:$0xFE20] =	vst v63  }
0xa0: {  	_ =	swait.ge [sflag:s31], $0x1000  }
0xa1: {  	[sflag:s31] =	ssyncset.done $0x0  }
0xa2: {  	s9 =	sadd.s32 $0x2C10, s9;
	[sflag:s31] =	ssyncadd.s32 $0xFFFFF000  }
0xa3: {  	[spmem:s2] =	stream.indirect.scatter.add.f32 [tilespmem:s30], [sflag:$0xB], $0x20, s9, s14, $0xb8;
	[tilespmem:$0xFE20] =	vst v63  }
0xa4: {  	_ =	swait.ge [sflag:s23], $0x1000  }
0xa5: {  	[sflag:s23] =	ssyncset.done $0x0  }
0xa6: {  	s13 =	simm.s32 $0x4D90;
	[sflag:s23] =	ssyncadd.s32 $0xFFFFF000  }
0xa7: {  	[spmem:s2] =	stream.indirect.scatter.add.f32 [tilespmem:s19], [sflag:$0xC], $0x20, s13, s14, $0xb8;
	[tilespmem:$0xFE20] =	vst v63  }
0xa8: {  	_ =	swait.ge [sflag:s20], $0x1000  }
0xa9: {  	[sflag:s20] =	ssyncset.done $0x0  }
0xaa: {  	s10 =	simm.s32 $0x2700;
	[sflag:s20] =	ssyncadd.s32 $0xFFFFF000  }
0xab: {  	[tilespmem:s15], [sflag:$0xD] =	stream.indirect.gather [hbm4b:s4+s5], $0x20, s10, s5, $0xb8;
	[tilespmem:$0xFE20] =	vst v63  }
0xac: {  	_ =	swait.ge [sflag:s24], $0x1000  }
0xad: {  	[sflag:s24] =	ssyncset.done $0x0  }
0xae: {  	[sflag:s24] =	ssyncadd.s32 $0xFFFFF000  }
0xaf: {  	_ =	swait.ge [sflag:s28], $0x1000  }
0xb0: {  	[sflag:s28] =	ssyncset.done $0x0  }
0xb1: {  	[sflag:s28] =	ssyncadd.s32 $0xFFFFF000  }
0xb2: {  	_ =	swait.ge [sflag:s29], $0x1000  }
0xb3: {  	[sflag:s29] =	ssyncset.done $0x0  }
0xb4: {  	[sflag:s29] =	ssyncadd.s32 $0xFFFFF000  }
0xb5: {  	_ =	swait.ge [sflag:s1], $0x1000  }
0xb6: {  	[sflag:s1] =	ssyncset.done $0x0  }
0xb7: {  	[sflag:s1] =	ssyncadd.s32 $0xFFFFF000  }
0xb8: {  	_ =	swait.ge [sflag:s0], $0x1000  }
0xb9: {  	[sflag:s0] =	ssyncset.done $0x0  }
0xba: {  	[sflag:s0] =	ssyncadd.s32 $0xFFFFF000  }
0xbb: {  	_ =	swait.ge [sflag:s7], $0x200  }
0xbc: {  	[sflag:s7] =	ssyncset.done $0x0  }
0xbd: {  	s13 =	simm.s32 $0x4E10;
	[sflag:s7] =	ssyncadd.s32 $0xFFFFFE00  }
0xbe: {  	[spmem:s2] =	stream.indirect.scatter.add.f32 [tilespmem:s15], [sflag:$0xE], $0x20, s13, s5, $0xb8;
	[tilespmem:$0xFE20] =	vst v63  }
0xbf: {  	_ =	swait.ge [sflag:s12], $0x200  }
0xc0: {  	[sflag:s12] =	ssyncset.done $0x0  }
0xc1: {  	[sflag:s12] =	ssyncadd.s32 $0xFFFFFE00  }
0xc2: {  	[bflag:$0x0] =	sbarrier.arrive $0xFFFF  }
0xc3: {  	s10 =	rddreg [dreg:$0x6]  }
0xc4: {  	[hbm:s10], [sflag:s6] =	dma.local [spmem:s11], $0xA00  }
0xc5: {  	_ =	swait.ge [sflag:s12], $0xA00  }
0xc6: {  	s8 =	sadd.s32 $0x1, s8;
	s13 =	rddreg [dreg:$0x7]  }
0xc7: {  	p0 =	sne.s32 s8, s13  }
.Ltmp1:
0xc8: {  	_ = 	snop;
	(pc) =	sbr.rel @p0 .LBB2_1-.Ltmp1, $3  }
0xc9: {  	_ =	sdelay $0x1  }
0xca: {  	[sflag:s12] =	ssyncset.done $0x0  }
0xcb: {  	[sflag:s12] =	ssyncadd.s32 $0xFFFFF600  }
0xcc: {  	_ =	sfence.sel $0x180000  }
0xcd: {  	[bflag:$0x0] =	sbarrier.arrive $0xFFFF  }
0xce: {  	_ =	strace $0x9000004A  }
0xcf: {  	s0 =	stileid.u32;
	[bflag:$0x2] =	sbarrier.arrive $0xFFFF  }
0xd0: {  	p0 =	sne.s32 s0, $0x0;
	s0 =	rddreg [dreg:$0x2]  }
0xd1: {  	s0 =	sadd.s32 @!p0 $0x100000, s0  }
0xd2: {  	[sflag:s0] =	ssyncadd.tile.s32 @!p0 $0x1;
	_ =	shalt  }
.Lfunc_end2:
_tile_overlayer_lowered:
.L_overlay_start_2:
0xd3: {  	(tag) =	ssettag $0x2  }
0xd4: {  	s0 =	rddreg [dreg:$0x0];
	s2 =	stileid.u32  }
0xd5: {  	s1 =	rddreg [dreg:$0x1];
	p0 =	sne.s32 s2, $0x0  }
0xd6: {  	s3 =	rddreg [dreg:$0x2];
	[bflag:$0x3] =	sbarrier.arrive $0xFFFF;
	s2 =	simm.s32 @!p0 $0x1C0E  }
0xd7: {  	[timem:s3], [sflag:s2] =	dma.local @!p0 [hbm:s0], s1  }
0xd8: {  	s0 =	simm.s32 @!p0 $0xE  }
0xd9: {  	_ =	swait.ge @!p0 [sflag:s0], s1  }
0xda: {  	s1 =	ssub.s32 @!p0 $0x0, s1;
	[sflag:s0] =	ssyncset.done @!p0 $0x0  }
0xdb: {  	[sflag:s0] =	ssyncadd.s32 @!p0 s1  }
0xdc: {  	[bflag:$0x3] =	sbarrier.arrive $0xFFFF  }
0xdd: {  	_ =	shalt  }

// kernel: kernel.14.cloned.1.call-start
scs
__scs_entry_jumppad:
0x0: {  	(pc) =	sbr.rel $0x88, $3  }
0x1: {  	(tag) =	ssettag $0x0;
	lr =	simm.s32 $0x1  }
0x2: {  	[smem:$0x3F99] =	sst lr;
	_ =	strace $0xD0000000  }
0x3: {  	_ = 	snop  }
0x4: {  	_ = 	snop  }
0x5: {  	_ = 	snop  }
0x6: {  	_ = 	snop  }
0x7: {  	_ = 	snop  }
__scs_overlays_trampoline_lowered:
0x8: {  	[smem:$0x3FA8] =	sst s0  }
0x9: {  	[smem:$0x3FA9] =	sst s1  }
0xa: {  	[smem:$0x3FAA] =	sst s2  }
0xb: {  	[smem:$0x3FAB] =	sst s3  }
0xc: {  	[smem:$0x3FAC] =	sst s4  }
0xd: {  	[smem:$0x3FAD] =	sst s5  }
0xe: {  	[smem:$0x3FAE] =	sst s6  }
0xf: {  	[smem:$0x3FAF] =	sst s7  }
0x10: {  	[smem:$0x3FB0] =	sst s8  }
0x11: {  	[smem:$0x3FB1] =	sst s9;
	s0 =	simm.s32 @!p0 $0x0  }
0x12: {  	s1 =	sld [smem:$0x3F97];
	s0 =	simm.s32 @p0 $0x1  }
0x13: {  	[smem:$0x3FB2] =	sst s0;
	s0 =	simm.s32 @!p1 $0x0  }
0x14: {  	s2 =	sld [smem:$0x3F96];
	s0 =	simm.s32 @p1 $0x1  }
0x15: {  	[smem:$0x3FB3] =	sst s0;
	s0 =	simm.s32 @!p2 $0x0  }
0x16: {  	s3 =	sld [smem:$0x3FDB];
	s0 =	simm.s32 @p2 $0x1  }
0x17: {  	s4 =	simm.s32 $0x1BF5;
	[smem:$0x3FB5] =	sst s0  }
0x18: {  	s0 =	sld [smem:$0x3F98];
	_ =	swait.ge [sflag:s4], $0x0  }
0x19: {  	s7 =	sld [smem:$0x3F99]  }
0x1a: {  	s8 =	sadd.s32 $0xFFFFE003, lr  }
0x1b: {  	s9 =	sadd.s32 $0xFFFFFEF7, lr;
	s5 =	simm.s32 $0xFFFFFFFF;
	p2 =	slt.u32 s8, $0xFFFFF086  }
0x1c: {  	p1 =	slt.u32 s9, $0xF7A;
	s5 =	simm.s32 @!p2 $0x0  }
0x1d: {  	s5 =	simm.s32 @p1 $0x1;
	p0 =	seq.s32 s7, s2  }
0x1e: {  	s7 =	smul.u32 @!p0 $0xF7A, s2;
	p2 =	seq.s32 @!p0 s5, $0x0  }
0x1f: {  	s9 =	smul.u32 $0xF7A, s1;
	s8 =	simm.s32 @!p0 $0x1BF5;
	p2 =	por !p2, p0  }
0x20: {  	[sflag:s8] =	ssyncset.s32 @!p0 $0xFFFFF086;
	s6 =	sadd.s32 @!p0 s3, s7;
	s7 =	simm.s32 @!p0 $0x108  }
0x21: {  	s3 =	sadd.s32 s3, s9;
	s6 =	sadd.s32 @!p0 $0x88, s6;
	s7 =	simm.s32 @p2 $0x1082  }
0x22: {  	[simem:s7], [sflag:s8] =	dma.local @!p0 [hbm:s6], $0xF7A  }
0x23: {  	s9 =	sor.u32 $0xD0000000, s2;
	s6 =	simm.s32 $0x108;
	_ =	swait.ge @!p0 [sflag:s8], $0x0  }
0x24: {  	s3 =	sadd.s32 $0x88, s3;
	s6 =	simm.s32 @!p1 $0x1082;
	[sflag:s4] =	ssyncset.s32 $0xFFFFF086  }
0x25: {  	[simem:s6], [sflag:s4] =	dma.local [hbm:s3], $0xF7A  }
0x26: {  	[smem:$0x3F99] =	sst s1;
	(tag) =	ssettag s2;
	_ =	strace s9  }
0x27: {  	s1 =	sld [smem:$0x3FA9]  }
0x28: {  	s2 =	sld [smem:$0x3FAA]  }
0x29: {  	s4 =	sld [smem:$0x3FAC]  }
0x2a: {  	p0 =	seq.s32 s5, $0x0;
	s5 =	sld [smem:$0x3FAD]  }
0x2b: {  	s6 =	sld [smem:$0x3FAE]  }
0x2c: {  	s7 =	sld [smem:$0x3FAF]  }
0x2d: {  	s3 =	simm.s32 $0x108;
	s8 =	sld [smem:$0x3FB0]  }
0x2e: {  	s3 =	simm.s32 @!p0 $0x1082;
	s9 =	sld [smem:$0x3FB1]  }
0x2f: {  	lr =	sadd.s32 s0, s3;
	s0 =	sld [smem:$0x3FA8]  }
0x30: {  	s3 =	sld [smem:$0x3FAB]  }
0x31: {  	[smem:$0x3FB4] =	sst s10  }
0x32: {  	s10 =	sld [smem:$0x3FB2];
	_ =	sdelay $0x3  }
0x33: {  	p0 =	seq.s32 s10, $0x1;
	s10 =	sld [smem:$0x3FB4];
	_ =	sdelay $0x3  }
0x34: {  	[smem:$0x3FB4] =	sst s10  }
0x35: {  	s10 =	sld [smem:$0x3FB3];
	_ =	sdelay $0x3  }
0x36: {  	p1 =	seq.s32 s10, $0x1;
	s10 =	sld [smem:$0x3FB4];
	_ =	sdelay $0x3  }
0x37: {  	[smem:$0x3FB4] =	sst s10  }
0x38: {  	s10 =	sld [smem:$0x3FB5]  }
0x39: {  	_ = 	snop;
	(pc) =	sbr.ind lr, $3  }
0x3a: {  	_ = 	snop  }
0x3b: {  	_ = 	snop  }
0x3c: {  	p2 =	seq.s32 s10, $0x1;
	s10 =	sld [smem:$0x3FB4]  }
0x3d: {  	_ =	shalt  }
0x3e: {  	_ =	shalt  }
0x3f: {  	_ =	shalt  }
0x40: {  	_ =	shalt  }
0x41: {  	_ =	shalt  }
0x42: {  	_ =	shalt  }
0x43: {  	_ =	shalt  }
0x44: {  	_ =	shalt  }
0x45: {  	_ =	shalt  }
0x46: {  	_ =	shalt  }
0x47: {  	_ =	shalt  }
0x48: {  	_ =	shalt  }
0x49: {  	_ =	shalt  }
0x4a: {  	_ =	shalt  }
0x4b: {  	_ =	shalt  }
0x4c: {  	_ =	shalt  }
0x4d: {  	_ =	shalt  }
0x4e: {  	_ =	shalt  }
0x4f: {  	_ =	shalt  }
0x50: {  	_ =	shalt  }
0x51: {  	_ =	shalt  }
0x52: {  	_ =	shalt  }
0x53: {  	_ =	shalt  }
0x54: {  	_ =	shalt  }
0x55: {  	_ =	shalt  }
0x56: {  	_ =	shalt  }
0x57: {  	_ =	shalt  }
0x58: {  	_ =	shalt  }
0x59: {  	_ =	shalt  }
0x5a: {  	_ =	shalt  }
0x5b: {  	_ =	shalt  }
0x5c: {  	_ =	shalt  }
0x5d: {  	_ =	shalt  }
0x5e: {  	_ =	shalt  }
0x5f: {  	_ =	shalt  }
0x60: {  	_ =	shalt  }
0x61: {  	_ =	shalt  }
0x62: {  	_ =	shalt  }
0x63: {  	_ =	shalt  }
0x64: {  	_ =	shalt  }
0x65: {  	_ =	shalt  }
0x66: {  	_ =	shalt  }
0x67: {  	_ =	shalt  }
0x68: {  	_ =	shalt  }
0x69: {  	_ =	shalt  }
0x6a: {  	_ =	shalt  }
0x6b: {  	_ =	shalt  }
0x6c: {  	_ =	shalt  }
0x6d: {  	_ =	shalt  }
0x6e: {  	_ =	shalt  }
0x6f: {  	_ =	shalt  }
0x70: {  	_ =	shalt  }
0x71: {  	_ =	shalt  }
0x72: {  	_ =	shalt  }
0x73: {  	_ =	shalt  }
0x74: {  	_ =	shalt  }
0x75: {  	_ =	shalt  }
0x76: {  	_ =	shalt  }
0x77: {  	_ =	shalt  }
0x78: {  	_ =	shalt  }
0x79: {  	_ =	shalt  }
0x7a: {  	_ =	shalt  }
0x7b: {  	_ =	shalt  }
0x7c: {  	_ =	shalt  }
0x7d: {  	_ =	shalt  }
0x7e: {  	_ =	shalt  }
0x7f: {  	_ =	shalt  }
0x80: {  	_ =	shalt  }
0x81: {  	_ =	shalt  }
0x82: {  	_ =	shalt  }
0x83: {  	_ =	shalt  }
0x84: {  	_ =	shalt  }
0x85: {  	_ =	shalt  }
0x86: {  	_ =	shalt  }
0x87: {  	_ =	shalt  }
.Lfunc_end0:
.L_simem_size_0:
called_computation.2_lowered:
.L_overlay_start_0:
0x88: {  	s2 =	sld [smem:$0x3FD9]  }
0x89: {  	s3 =	sld [smem:$0x3FFE];
	_ =	sdelay $0x1  }
0x8a: {  	s1 =	srdreg.scid  }
0x8b: {  	s0 =	sand.u32 $0x1, s1  }
0x8c: {  	s17 =	sshll.u32 s0, $0xA;
	s2 =	sadd.s32 s3, s2  }
0x8d: {  	s2 =	sadd.s32 s2, s17  }
0x8e: {  	[smem:$0x3FC0] =	sst s2  }
0x8f: {  	_ = 	snop  }
0x90: {  	s2 =	sld [smem:$0x3FD0];
	(tm) =	ssettm $0x1  }
0x91: {  	s18 =	sld [smem:$0x3FFB];
	_ =	sdelay $0x3  }
0x92: {  	_ =	strace s18  }
0x93: {  	s3 =	sld [smem:$0x3FFC];
	_ =	sdelay $0x3  }
0x94: {  	_ =	strace s3  }
0x95: {  	s3 =	sld [smem:$0x3FFD];
	_ =	sdelay $0x3  }
0x96: {  	_ =	strace s3  }
0x97: {  	_ =	strace $0x8FFFFFFF  }
0x98: {  	s19 =	sld [smem:$0x3FDB];
	_ =	sdelay $0x1  }
0x99: {  	s4 =	simm.s32 $_scs_section_size  }
0x9a: {  	s5 =	simm.s32 $_size__tile_overlayer_lowered;
	s6 =	simm.s32 $_tile_overlayer_lowered  }
0x9b: {  	s22 =	simm.s32 $0x1BFF;
	s21 =	sshll.u32 s6, $0x1;
	s3 =	sadd.s32 s4, s19  }
0x9c: {  	s7 =	simm.s32 $0x0;
	s20 =	sshll.u32 s5, $0x1;
	s5 =	sadd.s32 s21, s3  }
0x9d: {  	[timem:s7], [sflag:s22] =	dma.local [hbm:s5], s20  }
0x9e: {  	_ =	swait.ge [sflag:s22], s20  }
0x9f: {  	s4 =	ssub.s32 $0x0, s20;
	[sflag:s22] =	ssyncset.done $0x0  }
0xa0: {  	[sflag:s22] =	ssyncadd.s32 s4;
	_ =	sdelay $0x1  }
0xa1: {  	s23 =	simm.s32 $0x1B8B  }
0xa2: {  	_ =	swait.ge [sflag:s23], $0x1  }
0xa3: {  	[sflag:s23] =	ssyncset.done $0x0  }
0xa4: {  	s25 =	simm.s32 $0x1B8E;
	s24 =	sld [smem:$0x3FFE];
	[sflag:s23] =	ssyncadd.s32 $0xFFFFFFFF  }
0xa5: {  	s26 =	simm.s32 $execute0_lowered;
	[smem:$0x3FD2] =	sst s25  }
0xa6: {  	s5 =	sshll.u32 s26, $0x1;
	_ =	strace $0x8000004C;
	[dreg:$0x1] =	wrdreg $0xFFFFFFFF  }
0xa7: {  	s28 =	simm.s32 $_size_execute0_lowered;
	s3 =	sadd.s32 s3, s5;
	[dreg:$0x0] =	wrdreg $0x0  }
0xa8: {  	s5 =	sshll.u32 s28, $0x1;
	[dreg:$0x2] =	wrdreg s3  }
0xa9: {  	[dreg:$0x3] =	wrdreg s5  }
0xaa: {  	[dreg:$0x4] =	wrdreg $0xC0  }
0xab: {  	_ =	task [dreg:s7], $0x5FFFF  }
0xac: {  	[dreg:$0x1] =	wrdreg $0xFFFFFFFF  }
0xad: {  	[dreg:$0x0] =	wrdreg $0x60  }
0xae: {  	[dreg:$0x2] =	wrdreg s2  }
0xaf: {  	[dreg:$0x3] =	wrdreg s24  }
0xb0: {  	[dreg:$0x4] =	wrdreg $0x7E200  }
0xb1: {  	[dreg:$0x5] =	wrdreg $0x9  }
0xb2: {  	_ =	task.clear_ibuf [dreg:s7], $0x6FFFF;
	_ =	strace $0x9000004C  }
0xb3: {  	s29 =	simm.s32 $0x9;
	_ =	strace $0x8000004E  }
0xb4: {  	_ =	swait.ge [sflag:s29], $0x1  }
0xb5: {  	[sflag:s29] =	ssyncadd.s32 $0xFFFFFFFF  }
0xb6: {  	_ =	strace $0x9000004E  }
0xb7: {  	_ =	sfence  }
0xb8: {  	s30 =	sld [smem:$0x0];
	_ =	sdelay $0x2  }
0xb9: {  	s31 =	sshll.u32 s1, $0xD;
	s1 =	sshrl.u32 s1, $0x2  }
0xba: {  	s3 =	sand.u32 $0x4000, s31;
	s1 =	sadd.s32 s1, s30  }
0xbb: {  	s0 =	sor.u32 s3, s0;
	s1 =	sshll.u32 s1, $0x11  }
0xbc: {  	s0 =	sor.u32 s1, s0  }
0xbd: {  	s0 =	sadd.s32 $0x8F2B, s0  }
0xbe: {  	[sflag:s0] =	ssyncadd.remote.s32 $0x1  }
0xbf: {  	_ =	sfence.sel $0xFFFF  }
0xc0: {  	[dreg:$0x0] =	wrdreg $0xFFFFFFFF;
	(pc) =	sbr.abs _section_cstart, $3  }
0xc1: {  	[dreg:$0x1] =	wrdreg $0xFFFFFFFF  }
0xc2: {  	_ =	task.clear_ibuf [dreg:s7], $0x2FFFF;
	_ =	strace $0x9FFFFFFF  }
0xc3: {  	(tm) =	ssettm $0x7FFFFFFF  }
tec
execute0_lowered:
.L_overlay_start_1:
0x0: {  	(tag) =	ssettag $0x1  }
0x1: {  	s0 =	srdreg.scid;
	s2 =	rddreg [dreg:$0x0]  }
0x2: {  	s10 =	stileid.u32;
	s5 =	rddreg [dreg:$0x1]  }
0x3: {  	s3 =	rddreg [dreg:$0x2];
	s4 =	simm.s32 $0x0;
	s12 =	simm.s32 $0xE  }
0x4: {  	s14 =	simm.s32 $0x80;
	s15 =	simm.s32 $0x4E20;
	s16 =	simm.s32 $0x1  }
0x5: {  	s17 =	simm.s32 $0x5620;
	s18 =	simm.s32 $0x2;
	s30 =	simm.s32 $0x6E20  }
0x6: {  	s31 =	simm.s32 $0x5;
	s19 =	simm.s32 $0x7620;
	s20 =	simm.s32 $0x7  }
0x7: {  	s28 =	simm.s32 $0x9;
	s29 =	simm.s32 $0xA;
	s6 =	smul.u32 $0x2800, s10  }
0x8: {  	s0 =	sand.u32 $0x1, s0;
	s7 =	smul.u32 $0x500, s10;
	[smem:$0x7FF] =	sst s4  }
0x9: {  	s24 =	sshll.u32 s10, $0x6;
	s1 =	sshll.u32 s0, $0x4;
	s8 =	smul.u32 $0x5000, s0  }
0xa: {  	_ =	strace $0x8000004D;
	s0 =	ssub.s32 $0x2, s0;
	s1 =	sor.u32 s10, s1  }
0xb: {  	s9 =	sshrl.u32 s6, $0x3;
	s22 =	sshrl.u32 s0, $0x1;
	s23 =	sadd.s32 s6, s3  }
0xc: {  	s6 =	sor.u32 $0x1C0E, s24;
	s24 =	simm.s32 $0x8;
	s1 =	smul.u32 $0x2710, s1  }
0xd: {  	s7 =	sadd.s32 s7, s8;
	s21 =	sadd.s32 s9, s5;
	s0 =	ssub.s32 s0, s22  }
0xe: {  	s11 =	sshrl.u32 s23, $0x3;
	s22 =	simm.s32 $0x3;
	s23 =	simm.s32 $0x6  }
0xf: {  	s8 =	sadd.s32 $0x15E00, s21;
	s0 =	smax.u32 s0, $0x1;
	s1 =	sshrl.u32 s1, $0x3  }
0x10: {  	s21 =	simm.s32 $0x5E20;
	[dreg:$0x4] =	wrdreg s8;
	s1 =	sadd.s32 s1, s5  }
0x11: {  	[dreg:$0x8] =	wrdreg s0;
	s0 =	simm.s32 $0xC;
	s25 =	sadd.s32 $0x2400, s1  }
0x12: {  	s5 =	sadd.s32 s7, s5;
	s1 =	sadd.s32 $0xC040, s1;
	[dreg:$0x5] =	wrdreg s25  }
0x13: {  	s8 =	simm.s32 $0x0;
	s26 =	sadd.s32 $0x1AE00, s5;
	[dreg:$0x6] =	wrdreg s1  }
0x14: {  	s7 =	simm.s32 $0xD;
	s5 =	simm.s32 $0x10;
	[dreg:$0x7] =	wrdreg s26  }
0x15: {  	s25 =	simm.s32 $0x6620;
	s26 =	simm.s32 $0x4;
	s1 =	simm.s32 $0xB  }
.LBB2_1:
0x16: {  	s9 =	rddreg [dreg:$0x4]  }
0x17: {  	[spmem:s11], [sflag:s6] =	dma.local [hbm:s9], $0x500  }
0x18: {  	_ =	swait.ge [sflag:s12], $0x500  }
0x19: {  	[sflag:s12] =	ssyncset.done $0x0  }
0x1a: {  	s10 =	rddreg [dreg:$0x5];
	[sflag:s12] =	ssyncadd.s32 $0xFFFFFB00  }
0x1b: {  	[tilespmem:s4], [sflag:$0xE] =	stream.linear.gather [hbm4b:s10+s4], $0x2710, $0x38;
	[tilespmem:$0xA620] =	vst v63  }
0x1c: {  	_ =	swait.ge [sflag:s12], $0x2710  }
0x1d: {  	[sflag:s12] =	ssyncset.done $0x0  }
0x1e: {  	s10 =	simm.s32 $0x2710;
	s13 =	rddreg [dreg:$0x6];
	[sflag:s12] =	ssyncadd.s32 $0xFFFFD8F0  }
0x1f: {  	[tilespmem:s10], [sflag:$0xE] =	stream.linear.gather [hbm4b:s13+s4], $0x2710, $0x38;
	[tilespmem:$0xA620] =	vst v63  }
0x20: {  	_ =	swait.ge [sflag:s12], $0x2710  }
0x21: {  	[sflag:s12] =	ssyncset.done $0x0  }
0x22: {  	[sflag:s12] =	ssyncadd.s32 $0xFFFFD8F0  }
0x23: {  	[bflag:$0x0] =	sbarrier.arrive $0xFFFF  }
0x24: {  	[tilespmem:s15], [sflag:$0x1] =	stream.indirect.gather [hbm4b:s2+s14], $0x10, s4, s14, $0xb8;
	[tilespmem:$0xA620] =	vst v63  }
0x25: {  	_ =	swait.ge [sflag:s16], $0x800  }
0x26: {  	[sflag:s16] =	ssyncset.done $0x0  }
0x27: {  	[sflag:s16] =	ssyncadd.s32 $0xFFFFF800  }
0x28: {  	[spmem:s3] =	stream.indirect.scatter.add.f32 [tilespmem:s15], [sflag:$0x7], $0x10, s10, s14, $0xb8;
	[tilespmem:$0xA620] =	vst v63  }
0x29: {  	_ = 	snop  }
0x2a: {  	[tilespmem:s17], [sflag:$0x2] =	stream.indirect.gather [hbm4b:s2+s14], $0x10, s14, s14, $0xb8;
	[tilespmem:$0xA620] =	vst v63  }
0x2b: {  	_ =	swait.ge [sflag:s18], $0x800  }
0x2c: {  	[sflag:s18] =	ssyncset.done $0x0  }
0x2d: {  	s13 =	simm.s32 $0x2790;
	[sflag:s18] =	ssyncadd.s32 $0xFFFFF800  }
0x2e: {  	[spmem:s3] =	stream.indirect.scatter.add.f32 [tilespmem:s17], [sflag:$0x8], $0x10, s13, s14, $0xb8;
	[tilespmem:$0xA620] =	vst v63  }
0x2f: {  	s10 =	simm.s32 $0x100  }
0x30: {  	[tilespmem:s21], [sflag:$0x3] =	stream.indirect.gather [hbm4b:s2+s14], $0x10, s10, s14, $0xb8;
	[tilespmem:$0xA620] =	vst v63  }
0x31: {  	_ =	swait.ge [sflag:s22], $0x800  }
0x32: {  	[sflag:s22] =	ssyncset.done $0x0  }
0x33: {  	s13 =	simm.s32 $0x2810;
	[sflag:s22] =	ssyncadd.s32 $0xFFFFF800  }
0x34: {  	[spmem:s3] =	stream.indirect.scatter.add.f32 [tilespmem:s21], [sflag:$0x9], $0x10, s13, s14, $0xb8;
	[tilespmem:$0xA620] =	vst v63  }
0x35: {  	s10 =	simm.s32 $0x180  }
0x36: {  	[tilespmem:s25], [sflag:$0x4] =	stream.indirect.gather [hbm4b:s2+s14], $0x10, s10, s14, $0xb8;
	[tilespmem:$0xA620] =	vst v63  }
0x37: {  	_ =	swait.ge [sflag:s26], $0x800  }
0x38: {  	[sflag:s26] =	ssyncset.done $0x0  }
0x39: {  	s13 =	simm.s32 $0x2890;
	[sflag:s26] =	ssyncadd.s32 $0xFFFFF800  }
0x3a: {  	[spmem:s3] =	stream.indirect.scatter.add.f32 [tilespmem:s25], [sflag:$0xA], $0x10, s13, s14, $0xb8;
	[tilespmem:$0xA620] =	vst v63  }
0x3b: {  	s10 =	simm.s32 $0x200  }
0x3c: {  	[tilespmem:s30], [sflag:$0x5] =	stream.indirect.gather [hbm4b:s2+s14], $0x10, s10, s14, $0xb8;
	[tilespmem:$0xA620] =	vst v63  }
0x3d: {  	_ =	swait.ge [sflag:s31], $0x800  }
0x3e: {  	[sflag:s31] =	ssyncset.done $0x0  }
0x3f: {  	s13 =	simm.s32 $0x2910;
	[sflag:s31] =	ssyncadd.s32 $0xFFFFF800  }
0x40: {  	[spmem:s3] =	stream.indirect.scatter.add.f32 [tilespmem:s30], [sflag:$0xB], $0x10, s13, s14, $0xb8;
	[tilespmem:$0xA620] =	vst v63  }
0x41: {  	s10 =	simm.s32 $0x280  }
0x42: {  	[tilespmem:s19], [sflag:$0x6] =	stream.indirect.gather [hbm4b:s2+s14], $0x10, s10, s14, $0xb8;
	[tilespmem:$0xA620] =	vst v63  }
0x43: {  	_ =	swait.ge [sflag:s20], $0x800  }
0x44: {  	[sflag:s20] =	ssyncset.done $0x0  }
0x45: {  	s13 =	simm.s32 $0x300;
	[sflag:s20] =	ssyncadd.s32 $0xFFFFF800  }
0x46: {  	[tilespmem:s15], [sflag:$0x1] =	stream.indirect.gather [hbm4b:s2+s14], $0x10, s13, s14, $0xb8;
	[tilespmem:$0xA620] =	vst v63  }
0x47: {  	_ =	swait.ge [sflag:s23], $0x800  }
0x48: {  	[sflag:s23] =	ssyncset.done $0x0  }
0x49: {  	s10 =	simm.s32 $0x2990;
	[sflag:s23] =	ssyncadd.s32 $0xFFFFF800  }
0x4a: {  	[spmem:s3] =	stream.indirect.scatter.add.f32 [tilespmem:s19], [sflag:$0xC], $0x10, s10, s14, $0xb8;
	[tilespmem:$0xA620] =	vst v63  }
0x4b: {  	_ =	swait.ge [sflag:s24], $0x800  }
0x4c: {  	[sflag:s24] =	ssyncset.done $0x0  }
0x4d: {  	s13 =	simm.s32 $0x380;
	[sflag:s24] =	ssyncadd.s32 $0xFFFFF800  }
0x4e: {  	[tilespmem:s17], [sflag:$0x2] =	stream.indirect.gather [hbm4b:s2+s14], $0x10, s13, s14, $0xb8;
	[tilespmem:$0xA620] =	vst v63  }
0x4f: {  	_ =	swait.ge [sflag:s16], $0x800  }
0x50: {  	[sflag:s16] =	ssyncset.done $0x0  }
0x51: {  	s10 =	simm.s32 $0x2A10;
	[sflag:s16] =	ssyncadd.s32 $0xFFFFF800  }
0x52: {  	[spmem:s3] =	stream.indirect.scatter.add.f32 [tilespmem:s15], [sflag:$0x7], $0x10, s10, s14, $0xb8;
	[tilespmem:$0xA620] =	vst v63  }
0x53: {  	_ =	swait.ge [sflag:s28], $0x800  }
0x54: {  	[sflag:s28] =	ssyncset.done $0x0  }
0x55: {  	s13 =	simm.s32 $0x400;
	[sflag:s28] =	ssyncadd.s32 $0xFFFFF800  }
0x56: {  	[tilespmem:s21], [sflag:$0x3] =	stream.indirect.gather [hbm4b:s2+s14], $0x10, s13, s14, $0xb8;
	[tilespmem:$0xA620] =	vst v63  }
0x57: {  	_ =	swait.ge [sflag:s18], $0x800  }
0x58: {  	[sflag:s18] =	ssyncset.done $0x0  }
0x59: {  	s10 =	simm.s32 $0x2A90;
	[sflag:s18] =	ssyncadd.s32 $0xFFFFF800  }
0x5a: {  	[spmem:s3] =	stream.indirect.scatter.add.f32 [tilespmem:s17], [sflag:$0x8], $0x10, s10, s14, $0xb8;
	[tilespmem:$0xA620] =	vst v63  }
0x5b: {  	_ =	swait.ge [sflag:s29], $0x800  }
0x5c: {  	[sflag:s29] =	ssyncset.done $0x0  }
0x5d: {  	s13 =	simm.s32 $0x480;
	[sflag:s29] =	ssyncadd.s32 $0xFFFFF800  }
0x5e: {  	[tilespmem:s25], [sflag:$0x4] =	stream.indirect.gather [hbm4b:s2+s14], $0x10, s13, s14, $0xb8;
	[tilespmem:$0xA620] =	vst v63  }
0x5f: {  	_ =	swait.ge [sflag:s22], $0x800  }
0x60: {  	[sflag:s22] =	ssyncset.done $0x0  }
0x61: {  	s10 =	simm.s32 $0x2B10;
	[sflag:s22] =	ssyncadd.s32 $0xFFFFF800  }
0x62: {  	[spmem:s3] =	stream.indirect.scatter.add.f32 [tilespmem:s21], [sflag:$0x9], $0x10, s10, s14, $0xb8;
	[tilespmem:$0xA620] =	vst v63  }
0x63: {  	_ =	swait.ge [sflag:s1], $0x800  }
0x64: {  	[sflag:s1] =	ssyncset.done $0x0  }
0x65: {  	s13 =	simm.s32 $0x500;
	[sflag:s1] =	ssyncadd.s32 $0xFFFFF800  }
0x66: {  	[tilespmem:s30], [sflag:$0x5] =	stream.indirect.gather [hbm4b:s2+s14], $0x10, s13, s14, $0xb8;
	[tilespmem:$0xA620] =	vst v63  }
0x67: {  	_ =	swait.ge [sflag:s26], $0x800  }
0x68: {  	[sflag:s26] =	ssyncset.done $0x0  }
0x69: {  	s10 =	simm.s32 $0x2B90;
	[sflag:s26] =	ssyncadd.s32 $0xFFFFF800  }
0x6a: {  	[spmem:s3] =	stream.indirect.scatter.add.f32 [tilespmem:s25], [sflag:$0xA], $0x10, s10, s14, $0xb8;
	[tilespmem:$0xA620] =	vst v63  }
0x6b: {  	_ =	swait.ge [sflag:s0], $0x800  }
0x6c: {  	[sflag:s0] =	ssyncset.done $0x0  }
0x6d: {  	s13 =	simm.s32 $0x580;
	[sflag:s0] =	ssyncadd.s32 $0xFFFFF800  }
0x6e: {  	[tilespmem:s19], [sflag:$0x6] =	stream.indirect.gather [hbm4b:s2+s14], $0x10, s13, s14, $0xb8;
	[tilespmem:$0xA620] =	vst v63  }
0x6f: {  	_ =	swait.ge [sflag:s31], $0x800  }
0x70: {  	[sflag:s31] =	ssyncset.done $0x0  }
0x71: {  	s9 =	simm.s32 $0x2C10;
	s13 =	simm.s32 $0xC00;
	[sflag:s31] =	ssyncadd.s32 $0xFFFFF800  }
.LBB2_2:
0x72: {  	[spmem:s3] =	stream.indirect.scatter.add.f32 [tilespmem:s30], [sflag:$0xB], $0x10, s9, s14, $0xb8;
	[tilespmem:$0xA620] =	vst v63  }
0x73: {  	s9 =	smov.u32 s13  }
0x74: {  	p0 =	sne.s32 s13, $0x8400;
	s13 =	sadd.s32 $0xC00, s13;
	_ =	swait.ge [sflag:s20], $0x800  }
0x75: {  	s9 =	sshra.s32 s9, $0x2;
	[sflag:s20] =	ssyncset.done $0x0  }
0x76: {  	s10 =	sadd.s32 $0x300, s9;
	[sflag:s20] =	ssyncadd.s32 $0xFFFFF800  }
0x77: {  	[tilespmem:s15], [sflag:$0x1] =	stream.indirect.gather [hbm4b:s2+s14], $0x10, s10, s14, $0xb8;
	[tilespmem:$0xA620] =	vst v63  }
0x78: {  	_ =	swait.ge [sflag:s23], $0x800  }
0x79: {  	[sflag:s23] =	ssyncset.done $0x0  }
0x7a: {  	s10 =	sadd.s32 $0x2990, s9;
	[sflag:s23] =	ssyncadd.s32 $0xFFFFF800  }
0x7b: {  	[spmem:s3] =	stream.indirect.scatter.add.f32 [tilespmem:s19], [sflag:$0xC], $0x10, s10, s14, $0xb8;
	[tilespmem:$0xA620] =	vst v63  }
0x7c: {  	_ =	swait.ge [sflag:s24], $0x800  }
0x7d: {  	[sflag:s24] =	ssyncset.done $0x0  }
0x7e: {  	s10 =	sadd.s32 $0x380, s9;
	[sflag:s24] =	ssyncadd.s32 $0xFFFFF800  }
0x7f: {  	[tilespmem:s17], [sflag:$0x2] =	stream.indirect.gather [hbm4b:s2+s14], $0x10, s10, s14, $0xb8;
	[tilespmem:$0xA620] =	vst v63  }
0x80: {  	_ =	swait.ge [sflag:s16], $0x800  }
0x81: {  	[sflag:s16] =	ssyncset.done $0x0  }
0x82: {  	s10 =	sadd.s32 $0x2A10, s9;
	[sflag:s16] =	ssyncadd.s32 $0xFFFFF800  }
0x83: {  	[spmem:s3] =	stream.indirect.scatter.add.f32 [tilespmem:s15], [sflag:$0x7], $0x10, s10, s14, $0xb8;
	[tilespmem:$0xA620] =	vst v63  }
0x84: {  	_ =	swait.ge [sflag:s28], $0x800  }
0x85: {  	[sflag:s28] =	ssyncset.done $0x0  }
0x86: {  	s10 =	sadd.s32 $0x400, s9;
	[sflag:s28] =	ssyncadd.s32 $0xFFFFF800  }
0x87: {  	[tilespmem:s21], [sflag:$0x3] =	stream.indirect.gather [hbm4b:s2+s14], $0x10, s10, s14, $0xb8;
	[tilespmem:$0xA620] =	vst v63  }
0x88: {  	_ =	swait.ge [sflag:s18], $0x800  }
0x89: {  	[sflag:s18] =	ssyncset.done $0x0  }
0x8a: {  	s10 =	sadd.s32 $0x2A90, s9;
	[sflag:s18] =	ssyncadd.s32 $0xFFFFF800  }
0x8b: {  	[spmem:s3] =	stream.indirect.scatter.add.f32 [tilespmem:s17], [sflag:$0x8], $0x10, s10, s14, $0xb8;
	[tilespmem:$0xA620] =	vst v63  }
0x8c: {  	_ =	swait.ge [sflag:s29], $0x800  }
0x8d: {  	[sflag:s29] =	ssyncset.done $0x0  }
0x8e: {  	s10 =	sadd.s32 $0x480, s9;
	[sflag:s29] =	ssyncadd.s32 $0xFFFFF800  }
0x8f: {  	[tilespmem:s25], [sflag:$0x4] =	stream.indirect.gather [hbm4b:s2+s14], $0x10, s10, s14, $0xb8;
	[tilespmem:$0xA620] =	vst v63  }
0x90: {  	_ =	swait.ge [sflag:s22], $0x800  }
0x91: {  	[sflag:s22] =	ssyncset.done $0x0  }
0x92: {  	s10 =	sadd.s32 $0x2B10, s9;
	[sflag:s22] =	ssyncadd.s32 $0xFFFFF800  }
0x93: {  	[spmem:s3] =	stream.indirect.scatter.add.f32 [tilespmem:s21], [sflag:$0x9], $0x10, s10, s14, $0xb8;
	[tilespmem:$0xA620] =	vst v63  }
0x94: {  	_ =	swait.ge [sflag:s1], $0x800  }
0x95: {  	[sflag:s1] =	ssyncset.done $0x0  }
0x96: {  	s10 =	sadd.s32 $0x500, s9;
	[sflag:s1] =	ssyncadd.s32 $0xFFFFF800  }
0x97: {  	[tilespmem:s30], [sflag:$0x5] =	stream.indirect.gather [hbm4b:s2+s14], $0x10, s10, s14, $0xb8;
	[tilespmem:$0xA620] =	vst v63  }
0x98: {  	_ =	swait.ge [sflag:s26], $0x800  }
0x99: {  	[sflag:s26] =	ssyncset.done $0x0  }
0x9a: {  	s10 =	sadd.s32 $0x2B90, s9;
	[sflag:s26] =	ssyncadd.s32 $0xFFFFF800  }
0x9b: {  	[spmem:s3] =	stream.indirect.scatter.add.f32 [tilespmem:s25], [sflag:$0xA], $0x10, s10, s14, $0xb8;
	[tilespmem:$0xA620] =	vst v63  }
0x9c: {  	_ =	swait.ge [sflag:s0], $0x800  }
0x9d: {  	[sflag:s0] =	ssyncset.done $0x0  }
.Ltmp0:
0x9e: {  	s10 =	sadd.s32 $0x580, s9;
	[sflag:s0] =	ssyncadd.s32 $0xFFFFF800;
	(pc) =	sbr.rel @p0 .LBB2_2-.Ltmp0, $4  }
0x9f: {  	[tilespmem:s19], [sflag:$0x6] =	stream.indirect.gather [hbm4b:s2+s14], $0x10, s10, s14, $0xb8;
	[tilespmem:$0xA620] =	vst v63  }
0xa0: {  	_ =	swait.ge [sflag:s31], $0x800  }
0xa1: {  	[sflag:s31] =	ssyncset.done $0x0  }
0xa2: {  	s9 =	sadd.s32 $0x2C10, s9;
	[sflag:s31] =	ssyncadd.s32 $0xFFFFF800  }
0xa3: {  	[spmem:s3] =	stream.indirect.scatter.add.f32 [tilespmem:s30], [sflag:$0xB], $0x10, s9, s14, $0xb8;
	[tilespmem:$0xA620] =	vst v63  }
0xa4: {  	_ =	swait.ge [sflag:s23], $0x800  }
0xa5: {  	[sflag:s23] =	ssyncset.done $0x0  }
0xa6: {  	s13 =	simm.s32 $0x4D90;
	[sflag:s23] =	ssyncadd.s32 $0xFFFFF800  }
0xa7: {  	[spmem:s3] =	stream.indirect.scatter.add.f32 [tilespmem:s19], [sflag:$0xC], $0x10, s13, s14, $0xb8;
	[tilespmem:$0xA620] =	vst v63  }
0xa8: {  	_ =	swait.ge [sflag:s20], $0x800  }
0xa9: {  	[sflag:s20] =	ssyncset.done $0x0  }
0xaa: {  	s10 =	simm.s32 $0x2700;
	[sflag:s20] =	ssyncadd.s32 $0xFFFFF800  }
0xab: {  	[tilespmem:s15], [sflag:$0xD] =	stream.indirect.gather [hbm4b:s2+s5], $0x10, s10, s5, $0xb8;
	[tilespmem:$0xA620] =	vst v63  }
0xac: {  	_ =	swait.ge [sflag:s24], $0x800  }
0xad: {  	[sflag:s24] =	ssyncset.done $0x0  }
0xae: {  	[sflag:s24] =	ssyncadd.s32 $0xFFFFF800  }
0xaf: {  	_ =	swait.ge [sflag:s28], $0x800  }
0xb0: {  	[sflag:s28] =	ssyncset.done $0x0  }
0xb1: {  	[sflag:s28] =	ssyncadd.s32 $0xFFFFF800  }
0xb2: {  	_ =	swait.ge [sflag:s29], $0x800  }
0xb3: {  	[sflag:s29] =	ssyncset.done $0x0  }
0xb4: {  	[sflag:s29] =	ssyncadd.s32 $0xFFFFF800  }
0xb5: {  	_ =	swait.ge [sflag:s1], $0x800  }
0xb6: {  	[sflag:s1] =	ssyncset.done $0x0  }
0xb7: {  	[sflag:s1] =	ssyncadd.s32 $0xFFFFF800  }
0xb8: {  	_ =	swait.ge [sflag:s0], $0x800  }
0xb9: {  	[sflag:s0] =	ssyncset.done $0x0  }
0xba: {  	[sflag:s0] =	ssyncadd.s32 $0xFFFFF800  }
0xbb: {  	_ =	swait.ge [sflag:s7], $0x100  }
0xbc: {  	[sflag:s7] =	ssyncset.done $0x0  }
0xbd: {  	s13 =	simm.s32 $0x4E10;
	[sflag:s7] =	ssyncadd.s32 $0xFFFFFF00  }
0xbe: {  	[spmem:s3] =	stream.indirect.scatter.add.f32 [tilespmem:s15], [sflag:$0xE], $0x10, s13, s5, $0xb8;
	[tilespmem:$0xA620] =	vst v63  }
0xbf: {  	_ =	swait.ge [sflag:s12], $0x100  }
0xc0: {  	[sflag:s12] =	ssyncset.done $0x0  }
0xc1: {  	[sflag:s12] =	ssyncadd.s32 $0xFFFFFF00  }
0xc2: {  	[bflag:$0x0] =	sbarrier.arrive $0xFFFF  }
0xc3: {  	s10 =	rddreg [dreg:$0x7]  }
0xc4: {  	[hbm:s10], [sflag:s6] =	dma.local [spmem:s11], $0x500  }
0xc5: {  	_ =	swait.ge [sflag:s12], $0x500  }
0xc6: {  	s8 =	sadd.s32 $0x1, s8;
	s13 =	rddreg [dreg:$0x8]  }
0xc7: {  	p0 =	sne.s32 s8, s13  }
.Ltmp1:
0xc8: {  	_ = 	snop;
	(pc) =	sbr.rel @p0 .LBB2_1-.Ltmp1, $3  }
0xc9: {  	_ =	sdelay $0x1  }
0xca: {  	[sflag:s12] =	ssyncset.done $0x0  }
0xcb: {  	[sflag:s12] =	ssyncadd.s32 $0xFFFFFB00  }
0xcc: {  	_ =	sfence.sel $0x180000  }
0xcd: {  	[bflag:$0x0] =	sbarrier.arrive $0xFFFF  }
0xce: {  	_ =	strace $0x9000004D  }
0xcf: {  	s0 =	stileid.u32;
	[bflag:$0x2] =	sbarrier.arrive $0xFFFF  }
0xd0: {  	p0 =	sne.s32 s0, $0x0;
	s0 =	rddreg [dreg:$0x3]  }
0xd1: {  	s0 =	sadd.s32 @!p0 $0x100000, s0  }
0xd2: {  	[sflag:s0] =	ssyncadd.tile.s32 @!p0 $0x1;
	_ =	shalt  }
.Lfunc_end2:
_tile_overlayer_lowered:
.L_overlay_start_2:
0xd3: {  	(tag) =	ssettag $0x2  }
0xd4: {  	s0 =	rddreg [dreg:$0x0];
	s2 =	stileid.u32  }
0xd5: {  	s1 =	rddreg [dreg:$0x1];
	p0 =	sne.s32 s2, $0x0  }
0xd6: {  	s3 =	rddreg [dreg:$0x2];
	[bflag:$0x3] =	sbarrier.arrive $0xFFFF;
	s2 =	simm.s32 @!p0 $0x1C0E  }
0xd7: {  	[timem:s3], [sflag:s2] =	dma.local @!p0 [hbm:s0], s1  }
0xd8: {  	s0 =	simm.s32 @!p0 $0xE  }
0xd9: {  	_ =	swait.ge @!p0 [sflag:s0], s1  }
0xda: {  	s1 =	ssub.s32 @!p0 $0x0, s1;
	[sflag:s0] =	ssyncset.done @!p0 $0x0  }
0xdb: {  	[sflag:s0] =	ssyncadd.s32 @!p0 s1  }
0xdc: {  	[bflag:$0x3] =	sbarrier.arrive $0xFFFF  }
0xdd: {  	_ =	shalt  }

// kernel: kernel.8.cloned.1.call-start
scs
__scs_entry_jumppad:
0x0: {  	(pc) =	sbr.rel $0x88, $3  }
0x1: {  	(tag) =	ssettag $0x0;
	lr =	simm.s32 $0x1  }
0x2: {  	[smem:$0x3F99] =	sst lr;
	_ =	strace $0xD0000000  }
0x3: {  	_ = 	snop  }
0x4: {  	_ = 	snop  }
0x5: {  	_ = 	snop  }
0x6: {  	_ = 	snop  }
0x7: {  	_ = 	snop  }
__scs_overlays_trampoline_lowered:
0x8: {  	[smem:$0x3FA8] =	sst s0  }
0x9: {  	[smem:$0x3FA9] =	sst s1  }
0xa: {  	[smem:$0x3FAA] =	sst s2  }
0xb: {  	[smem:$0x3FAB] =	sst s3  }
0xc: {  	[smem:$0x3FAC] =	sst s4  }
0xd: {  	[smem:$0x3FAD] =	sst s5  }
0xe: {  	[smem:$0x3FAE] =	sst s6  }
0xf: {  	[smem:$0x3FAF] =	sst s7  }
0x10: {  	[smem:$0x3FB0] =	sst s8  }
0x11: {  	[smem:$0x3FB1] =	sst s9;
	s0 =	simm.s32 @!p0 $0x0  }
0x12: {  	s1 =	sld [smem:$0x3F97];
	s0 =	simm.s32 @p0 $0x1  }
0x13: {  	[smem:$0x3FB2] =	sst s0;
	s0 =	simm.s32 @!p1 $0x0  }
0x14: {  	s2 =	sld [smem:$0x3F96];
	s0 =	simm.s32 @p1 $0x1  }
0x15: {  	[smem:$0x3FB3] =	sst s0;
	s0 =	simm.s32 @!p2 $0x0  }
0x16: {  	s3 =	sld [smem:$0x3FDB];
	s0 =	simm.s32 @p2 $0x1  }
0x17: {  	s4 =	simm.s32 $0x1BF5;
	[smem:$0x3FB5] =	sst s0  }
0x18: {  	s0 =	sld [smem:$0x3F98];
	_ =	swait.ge [sflag:s4], $0x0  }
0x19: {  	s7 =	sld [smem:$0x3F99]  }
0x1a: {  	s8 =	sadd.s32 $0xFFFFE003, lr  }
0x1b: {  	s9 =	sadd.s32 $0xFFFFFEF7, lr;
	s5 =	simm.s32 $0xFFFFFFFF;
	p2 =	slt.u32 s8, $0xFFFFF086  }
0x1c: {  	p1 =	slt.u32 s9, $0xF7A;
	s5 =	simm.s32 @!p2 $0x0  }
0x1d: {  	s5 =	simm.s32 @p1 $0x1;
	p0 =	seq.s32 s7, s2  }
0x1e: {  	s7 =	smul.u32 @!p0 $0xF7A, s2;
	p2 =	seq.s32 @!p0 s5, $0x0  }
0x1f: {  	s9 =	smul.u32 $0xF7A, s1;
	s8 =	simm.s32 @!p0 $0x1BF5;
	p2 =	por !p2, p0  }
0x20: {  	[sflag:s8] =	ssyncset.s32 @!p0 $0xFFFFF086;
	s6 =	sadd.s32 @!p0 s3, s7;
	s7 =	simm.s32 @!p0 $0x108  }
0x21: {  	s3 =	sadd.s32 s3, s9;
	s6 =	sadd.s32 @!p0 $0x88, s6;
	s7 =	simm.s32 @p2 $0x1082  }
0x22: {  	[simem:s7], [sflag:s8] =	dma.local @!p0 [hbm:s6], $0xF7A  }
0x23: {  	s9 =	sor.u32 $0xD0000000, s2;
	s6 =	simm.s32 $0x108;
	_ =	swait.ge @!p0 [sflag:s8], $0x0  }
0x24: {  	s3 =	sadd.s32 $0x88, s3;
	s6 =	simm.s32 @!p1 $0x1082;
	[sflag:s4] =	ssyncset.s32 $0xFFFFF086  }
0x25: {  	[simem:s6], [sflag:s4] =	dma.local [hbm:s3], $0xF7A  }
0x26: {  	[smem:$0x3F99] =	sst s1;
	(tag) =	ssettag s2;
	_ =	strace s9  }
0x27: {  	s1 =	sld [smem:$0x3FA9]  }
0x28: {  	s2 =	sld [smem:$0x3FAA]  }
0x29: {  	s4 =	sld [smem:$0x3FAC]  }
0x2a: {  	p0 =	seq.s32 s5, $0x0;
	s5 =	sld [smem:$0x3FAD]  }
0x2b: {  	s6 =	sld [smem:$0x3FAE]  }
0x2c: {  	s7 =	sld [smem:$0x3FAF]  }
0x2d: {  	s3 =	simm.s32 $0x108;
	s8 =	sld [smem:$0x3FB0]  }
0x2e: {  	s3 =	simm.s32 @!p0 $0x1082;
	s9 =	sld [smem:$0x3FB1]  }
0x2f: {  	lr =	sadd.s32 s0, s3;
	s0 =	sld [smem:$0x3FA8]  }
0x30: {  	s3 =	sld [smem:$0x3FAB]  }
0x31: {  	[smem:$0x3FB4] =	sst s10  }
0x32: {  	s10 =	sld [smem:$0x3FB2];
	_ =	sdelay $0x3  }
0x33: {  	p0 =	seq.s32 s10, $0x1;
	s10 =	sld [smem:$0x3FB4];
	_ =	sdelay $0x3  }
0x34: {  	[smem:$0x3FB4] =	sst s10  }
0x35: {  	s10 =	sld [smem:$0x3FB3];
	_ =	sdelay $0x3  }
0x36: {  	p1 =	seq.s32 s10, $0x1;
	s10 =	sld [smem:$0x3FB4];
	_ =	sdelay $0x3  }
0x37: {  	[smem:$0x3FB4] =	sst s10  }
0x38: {  	s10 =	sld [smem:$0x3FB5]  }
0x39: {  	_ = 	snop;
	(pc) =	sbr.ind lr, $3  }
0x3a: {  	_ = 	snop  }
0x3b: {  	_ = 	snop  }
0x3c: {  	p2 =	seq.s32 s10, $0x1;
	s10 =	sld [smem:$0x3FB4]  }
0x3d: {  	_ =	shalt  }
0x3e: {  	_ =	shalt  }
0x3f: {  	_ =	shalt  }
0x40: {  	_ =	shalt  }
0x41: {  	_ =	shalt  }
0x42: {  	_ =	shalt  }
0x43: {  	_ =	shalt  }
0x44: {  	_ =	shalt  }
0x45: {  	_ =	shalt  }
0x46: {  	_ =	shalt  }
0x47: {  	_ =	shalt  }
0x48: {  	_ =	shalt  }
0x49: {  	_ =	shalt  }
0x4a: {  	_ =	shalt  }
0x4b: {  	_ =	shalt  }
0x4c: {  	_ =	shalt  }
0x4d: {  	_ =	shalt  }
0x4e: {  	_ =	shalt  }
0x4f: {  	_ =	shalt  }
0x50: {  	_ =	shalt  }
0x51: {  	_ =	shalt  }
0x52: {  	_ =	shalt  }
0x53: {  	_ =	shalt  }
0x54: {  	_ =	shalt  }
0x55: {  	_ =	shalt  }
0x56: {  	_ =	shalt  }
0x57: {  	_ =	shalt  }
0x58: {  	_ =	shalt  }
0x59: {  	_ =	shalt  }
0x5a: {  	_ =	shalt  }
0x5b: {  	_ =	shalt  }
0x5c: {  	_ =	shalt  }
0x5d: {  	_ =	shalt  }
0x5e: {  	_ =	shalt  }
0x5f: {  	_ =	shalt  }
0x60: {  	_ =	shalt  }
0x61: {  	_ =	shalt  }
0x62: {  	_ =	shalt  }
0x63: {  	_ =	shalt  }
0x64: {  	_ =	shalt  }
0x65: {  	_ =	shalt  }
0x66: {  	_ =	shalt  }
0x67: {  	_ =	shalt  }
0x68: {  	_ =	shalt  }
0x69: {  	_ =	shalt  }
0x6a: {  	_ =	shalt  }
0x6b: {  	_ =	shalt  }
0x6c: {  	_ =	shalt  }
0x6d: {  	_ =	shalt  }
0x6e: {  	_ =	shalt  }
0x6f: {  	_ =	shalt  }
0x70: {  	_ =	shalt  }
0x71: {  	_ =	shalt  }
0x72: {  	_ =	shalt  }
0x73: {  	_ =	shalt  }
0x74: {  	_ =	shalt  }
0x75: {  	_ =	shalt  }
0x76: {  	_ =	shalt  }
0x77: {  	_ =	shalt  }
0x78: {  	_ =	shalt  }
0x79: {  	_ =	shalt  }
0x7a: {  	_ =	shalt  }
0x7b: {  	_ =	shalt  }
0x7c: {  	_ =	shalt  }
0x7d: {  	_ =	shalt  }
0x7e: {  	_ =	shalt  }
0x7f: {  	_ =	shalt  }
0x80: {  	_ =	shalt  }
0x81: {  	_ =	shalt  }
0x82: {  	_ =	shalt  }
0x83: {  	_ =	shalt  }
0x84: {  	_ =	shalt  }
0x85: {  	_ =	shalt  }
0x86: {  	_ =	shalt  }
0x87: {  	_ =	shalt  }
.Lfunc_end0:
.L_simem_size_0:
called_computation_lowered:
.L_overlay_start_0:
0x88: {  	s2 =	sld [smem:$0x3FD9]  }
0x89: {  	s3 =	sld [smem:$0x3FFE];
	_ =	sdelay $0x1  }
0x8a: {  	s1 =	srdreg.scid  }
0x8b: {  	s0 =	sand.u32 $0x1, s1  }
0x8c: {  	s17 =	sshll.u32 s0, $0xA;
	s2 =	sadd.s32 s3, s2  }
0x8d: {  	s2 =	sadd.s32 s2, s17  }
0x8e: {  	[smem:$0x3FC0] =	sst s2  }
0x8f: {  	_ = 	snop  }
0x90: {  	s2 =	sld [smem:$0x3FD0];
	(tm) =	ssettm $0x1  }
0x91: {  	s18 =	sld [smem:$0x3FFB];
	_ =	sdelay $0x3  }
0x92: {  	_ =	strace s18  }
0x93: {  	s3 =	sld [smem:$0x3FFC];
	_ =	sdelay $0x3  }
0x94: {  	_ =	strace s3  }
0x95: {  	s3 =	sld [smem:$0x3FFD];
	_ =	sdelay $0x3  }
0x96: {  	_ =	strace s3  }
0x97: {  	_ =	strace $0x8FFFFFFF  }
0x98: {  	s19 =	sld [smem:$0x3FDB];
	_ =	sdelay $0x1  }
0x99: {  	s4 =	simm.s32 $_scs_section_size  }
0x9a: {  	s5 =	simm.s32 $_size__tile_overlayer_lowered;
	s6 =	simm.s32 $_tile_overlayer_lowered  }
0x9b: {  	s22 =	simm.s32 $0x1BFF;
	s21 =	sshll.u32 s6, $0x1;
	s3 =	sadd.s32 s4, s19  }
0x9c: {  	s7 =	simm.s32 $0x0;
	s20 =	sshll.u32 s5, $0x1;
	s5 =	sadd.s32 s21, s3  }
0x9d: {  	[timem:s7], [sflag:s22] =	dma.local [hbm:s5], s20  }
0x9e: {  	_ =	swait.ge [sflag:s22], s20  }
0x9f: {  	s4 =	ssub.s32 $0x0, s20;
	[sflag:s22] =	ssyncset.done $0x0  }
0xa0: {  	[sflag:s22] =	ssyncadd.s32 s4;
	_ =	sdelay $0x1  }
0xa1: {  	s23 =	simm.s32 $0x1B8B  }
0xa2: {  	_ =	swait.ge [sflag:s23], $0x1  }
0xa3: {  	[sflag:s23] =	ssyncset.done $0x0  }
0xa4: {  	s25 =	simm.s32 $0x1B8E;
	s24 =	sld [smem:$0x3FFE];
	[sflag:s23] =	ssyncadd.s32 $0xFFFFFFFF  }
0xa5: {  	s26 =	simm.s32 $execute0_lowered;
	[smem:$0x3FD2] =	sst s25  }
0xa6: {  	s5 =	sshll.u32 s26, $0x1;
	_ =	strace $0x80000046;
	[dreg:$0x1] =	wrdreg $0xFFFFFFFF  }
0xa7: {  	s28 =	simm.s32 $_size_execute0_lowered;
	s3 =	sadd.s32 s3, s5;
	[dreg:$0x0] =	wrdreg $0x0  }
0xa8: {  	s5 =	sshll.u32 s28, $0x1;
	[dreg:$0x2] =	wrdreg s3  }
0xa9: {  	[dreg:$0x3] =	wrdreg s5  }
0xaa: {  	[dreg:$0x4] =	wrdreg $0xC0  }
0xab: {  	_ =	task [dreg:s7], $0x5FFFF  }
0xac: {  	[dreg:$0x1] =	wrdreg $0xFFFFFFFF  }
0xad: {  	[dreg:$0x0] =	wrdreg $0x60  }
0xae: {  	[dreg:$0x2] =	wrdreg s24  }
0xaf: {  	[dreg:$0x3] =	wrdreg s2  }
0xb0: {  	[dreg:$0x4] =	wrdreg $0x41900  }
0xb1: {  	[dreg:$0x5] =	wrdreg $0x9  }
0xb2: {  	_ =	task.clear_ibuf [dreg:s7], $0x6FFFF;
	_ =	strace $0x90000046  }
0xb3: {  	s29 =	simm.s32 $0x9;
	_ =	strace $0x80000048  }
0xb4: {  	_ =	swait.ge [sflag:s29], $0x1  }
0xb5: {  	[sflag:s29] =	ssyncadd.s32 $0xFFFFFFFF  }
0xb6: {  	_ =	strace $0x90000048  }
0xb7: {  	_ =	sfence  }
0xb8: {  	s30 =	sld [smem:$0x0];
	_ =	sdelay $0x2  }
0xb9: {  	s31 =	sshll.u32 s1, $0xD;
	s1 =	sshrl.u32 s1, $0x2  }
0xba: {  	s3 =	sand.u32 $0x4000, s31;
	s1 =	sadd.s32 s1, s30  }
0xbb: {  	s0 =	sor.u32 s3, s0;
	s1 =	sshll.u32 s1, $0x11  }
0xbc: {  	s0 =	sor.u32 s1, s0  }
0xbd: {  	s0 =	sadd.s32 $0x8F2B, s0  }
0xbe: {  	[sflag:s0] =	ssyncadd.remote.s32 $0x1  }
0xbf: {  	_ =	sfence.sel $0xFFFF  }
0xc0: {  	[dreg:$0x0] =	wrdreg $0xFFFFFFFF;
	(pc) =	sbr.abs _section_cstart, $3  }
0xc1: {  	[dreg:$0x1] =	wrdreg $0xFFFFFFFF  }
0xc2: {  	_ =	task.clear_ibuf [dreg:s7], $0x2FFFF;
	_ =	strace $0x9FFFFFFF  }
0xc3: {  	(tm) =	ssettm $0x7FFFFFFF  }
tec
execute0_lowered:
.L_overlay_start_1:
0x0: {  	(tag) =	ssettag $0x1  }
0x1: {  	s0 =	rddreg [dreg:$0x0]  }
0x2: {  	s6 =	rddreg [dreg:$0x1]  }
0x3: {  	s2 =	rddreg [dreg:$0x2]  }
0x4: {  	s4 =	srdreg.scid;
	s1 =	stileid.u32;
	s3 =	simm.s32 $0x0  }
0x5: {  	s12 =	simm.s32 $0x7;
	s13 =	simm.s32 $0x2710;
	s14 =	simm.s32 $0x80  }
0x6: {  	s15 =	simm.s32 $0x100;
	s16 =	simm.s32 $0x180;
	s17 =	simm.s32 $0x200  }
0x7: {  	s18 =	simm.s32 $0x280;
	s19 =	simm.s32 $0x1;
	s20 =	simm.s32 $0x2  }
0x8: {  	s21 =	simm.s32 $0x3;
	s22 =	simm.s32 $0x4;
	s23 =	simm.s32 $0x5  }
0x9: {  	s24 =	simm.s32 $0x6;
	s28 =	simm.s32 $0x2B10;
	s29 =	simm.s32 $0x3F10  }
0xa: {  	s30 =	simm.s32 $0x0;
	s4 =	sand.u32 $0x1, s4;
	s5 =	smul.u32 $0x280, s1  }
0xb: {  	[smem:$0x7FF] =	sst s3;
	s25 =	smul.u32 $0x1400, s1;
	s31 =	sshll.u32 s1, $0x6  }
0xc: {  	s7 =	smul.u32 $0x2800, s4;
	_ =	strace $0x80000047;
	s8 =	sshll.u32 s4, $0x4  }
0xd: {  	s9 =	ssub.s32 $0x2, s4;
	s4 =	sadd.s32 $0x15E00, s0;
	s8 =	sor.u32 s1, s8  }
0xe: {  	s26 =	sshrl.u32 s9, $0x1;
	s5 =	sadd.s32 s5, s7;
	s8 =	smul.u32 $0x2710, s8  }
0xf: {  	s11 =	ssub.s32 s9, s26;
	s7 =	sshrl.u32 s25, $0x3;
	s26 =	simm.s32 $0x2700  }
0x10: {  	s5 =	sshrl.u32 s5, $0x3;
	s6 =	sadd.s32 s6, s7;
	s7 =	sor.u32 $0x1C07, s31  }
0x11: {  	s10 =	sadd.s32 s5, s0;
	s5 =	sadd.s32 s25, s2;
	s8 =	sshrl.u32 s8, $0x3  }
0x12: {  	v0 =	vlaneseq.u32;
	s25 =	simm.s32 $0x10;
	s0 =	sadd.s32 s0, s8;
	s9 =	sadd.s32 $0x16000, s10  }
0x13: {  	v0 =	vmul.u32 $0x8, v0;
	s10 =	smax.u32 s11, $0x1;
	s11 =	sshrl.u32 s5, $0x3;
	s8 =	sadd.s32 $0xC040, s0  }
.LBB2_1:
0x14: {  	[spmem:s11], [sflag:s7] =	dma.local [hbm:s6], $0x280  }
0x15: {  	_ =	swait.ge [sflag:s12], $0x280  }
0x16: {  	[sflag:s12] =	ssyncset.done $0x0  }
0x17: {  	[sflag:s12] =	ssyncadd.s32 $0xFFFFFD80  }
0x18: {  	[tilespmem:s3], [sflag:$0x7] =	stream.linear.gather [hbm4b:s8+s3], $0x2710, $0x38;
	[tilespmem:$0x5590] =	vst v63  }
0x19: {  	_ =	swait.ge [sflag:s12], $0x2710  }
0x1a: {  	[sflag:s12] =	ssyncset.done $0x0  }
0x1b: {  	[sflag:s12] =	ssyncadd.s32 $0xFFFFD8F0  }
0x1c: {  	[tilespmem:s13], [sflag:$0x7] =	stream.linear.gather [hbm4b:s4+s3], $0x400, $0x38;
	[tilespmem:$0x5590] =	vst v63  }
0x1d: {  	_ =	swait.ge [sflag:s12], $0x400  }
0x1e: {  	[sflag:s12] =	ssyncset.done $0x0  }
0x1f: {  	[sflag:s12] =	ssyncadd.s32 $0xFFFFFC00  }
0x20: {  	[bflag:$0x0] =	sbarrier.arrive $0xFFFF  }
0x21: {  	[spmem:s2] =	stream.indirect.scatter.add.f32 [tilespmem:s13], [sflag:$0x1], $0x8, s3, s14, $0xb8;
	[tilespmem:$0x5590] =	vst v63  }
0x22: {  	_ = 	snop  }
0x23: {  	[spmem:s2] =	stream.indirect.scatter.add.f32 [tilespmem:s13], [sflag:$0x2], $0x8, s14, s14, $0xb8;
	[tilespmem:$0x5590] =	vst v63  }
0x24: {  	_ = 	snop  }
0x25: {  	[spmem:s2] =	stream.indirect.scatter.add.f32 [tilespmem:s13], [sflag:$0x3], $0x8, s15, s14, $0xb8;
	[tilespmem:$0x5590] =	vst v63  }
0x26: {  	_ = 	snop  }
0x27: {  	[spmem:s2] =	stream.indirect.scatter.add.f32 [tilespmem:s13], [sflag:$0x4], $0x8, s16, s14, $0xb8;
	[tilespmem:$0x5590] =	vst v63  }
0x28: {  	_ = 	snop  }
0x29: {  	[spmem:s2] =	stream.indirect.scatter.add.f32 [tilespmem:s13], [sflag:$0x5], $0x8, s17, s14, $0xb8;
	[tilespmem:$0x5590] =	vst v63  }
0x2a: {  	_ = 	snop  }
0x2b: {  	[spmem:s2] =	stream.indirect.scatter.add.f32 [tilespmem:s13], [sflag:$0x6], $0x8, s18, s14, $0xb8;
	[tilespmem:$0x5590] =	vst v63  }
0x2c: {  	_ =	swait.ge [sflag:s19], $0x400  }
0x2d: {  	[sflag:s19] =	ssyncset.done $0x0  }
0x2e: {  	s0 =	simm.s32 $0x300;
	[sflag:s19] =	ssyncadd.s32 $0xFFFFFC00  }
0x2f: {  	[spmem:s2] =	stream.indirect.scatter.add.f32 [tilespmem:s13], [sflag:$0x1], $0x8, s0, s14, $0xb8;
	[tilespmem:$0x5590] =	vst v63  }
0x30: {  	_ =	swait.ge [sflag:s20], $0x400  }
0x31: {  	[sflag:s20] =	ssyncset.done $0x0  }
0x32: {  	s1 =	simm.s32 $0x380;
	[sflag:s20] =	ssyncadd.s32 $0xFFFFFC00  }
0x33: {  	[spmem:s2] =	stream.indirect.scatter.add.f32 [tilespmem:s13], [sflag:$0x2], $0x8, s1, s14, $0xb8;
	[tilespmem:$0x5590] =	vst v63  }
0x34: {  	_ =	swait.ge [sflag:s21], $0x400  }
0x35: {  	[sflag:s21] =	ssyncset.done $0x0  }
0x36: {  	s1 =	simm.s32 $0x400;
	[sflag:s21] =	ssyncadd.s32 $0xFFFFFC00  }
0x37: {  	[spmem:s2] =	stream.indirect.scatter.add.f32 [tilespmem:s13], [sflag:$0x3], $0x8, s1, s14, $0xb8;
	[tilespmem:$0x5590] =	vst v63  }
0x38: {  	_ =	swait.ge [sflag:s22], $0x400  }
0x39: {  	[sflag:s22] =	ssyncset.done $0x0  }
0x3a: {  	s1 =	simm.s32 $0x480;
	[sflag:s22] =	ssyncadd.s32 $0xFFFFFC00  }
0x3b: {  	[spmem:s2] =	stream.indirect.scatter.add.f32 [tilespmem:s13], [sflag:$0x4], $0x8, s1, s14, $0xb8;
	[tilespmem:$0x5590] =	vst v63  }
0x3c: {  	_ =	swait.ge [sflag:s23], $0x400  }
0x3d: {  	[sflag:s23] =	ssyncset.done $0x0  }
0x3e: {  	s1 =	simm.s32 $0x500;
	[sflag:s23] =	ssyncadd.s32 $0xFFFFFC00  }
0x3f: {  	[spmem:s2] =	stream.indirect.scatter.add.f32 [tilespmem:s13], [sflag:$0x5], $0x8, s1, s14, $0xb8;
	[tilespmem:$0x5590] =	vst v63  }
0x40: {  	_ =	swait.ge [sflag:s24], $0x400  }
0x41: {  	[sflag:s24] =	ssyncset.done $0x0  }
0x42: {  	s31 =	simm.s32 $0xC00;
	s0 =	simm.s32 $0x580;
	[sflag:s24] =	ssyncadd.s32 $0xFFFFFC00  }
.LBB2_2:
0x43: {  	[spmem:s2] =	stream.indirect.scatter.add.f32 [tilespmem:s13], [sflag:$0x6], $0x8, s0, s14, $0xb8;
	[tilespmem:$0x5590] =	vst v63  }
0x44: {  	s0 =	smov.u32 s31  }
0x45: {  	p0 =	sne.s32 s31, $0x8400;
	s31 =	sadd.s32 $0xC00, s31;
	_ =	swait.ge [sflag:s19], $0x400  }
0x46: {  	s0 =	sshra.s32 s0, $0x2;
	[sflag:s19] =	ssyncset.done $0x0  }
0x47: {  	s1 =	sadd.s32 $0x300, s0;
	[sflag:s19] =	ssyncadd.s32 $0xFFFFFC00  }
0x48: {  	[spmem:s2] =	stream.indirect.scatter.add.f32 [tilespmem:s13], [sflag:$0x1], $0x8, s1, s14, $0xb8;
	[tilespmem:$0x5590] =	vst v63  }
0x49: {  	_ =	swait.ge [sflag:s20], $0x400  }
0x4a: {  	[sflag:s20] =	ssyncset.done $0x0  }
0x4b: {  	s1 =	sadd.s32 $0x380, s0;
	[sflag:s20] =	ssyncadd.s32 $0xFFFFFC00  }
0x4c: {  	[spmem:s2] =	stream.indirect.scatter.add.f32 [tilespmem:s13], [sflag:$0x2], $0x8, s1, s14, $0xb8;
	[tilespmem:$0x5590] =	vst v63  }
0x4d: {  	_ =	swait.ge [sflag:s21], $0x400  }
0x4e: {  	[sflag:s21] =	ssyncset.done $0x0  }
0x4f: {  	s1 =	sadd.s32 $0x400, s0;
	[sflag:s21] =	ssyncadd.s32 $0xFFFFFC00  }
0x50: {  	[spmem:s2] =	stream.indirect.scatter.add.f32 [tilespmem:s13], [sflag:$0x3], $0x8, s1, s14, $0xb8;
	[tilespmem:$0x5590] =	vst v63  }
0x51: {  	_ =	swait.ge [sflag:s22], $0x400  }
0x52: {  	[sflag:s22] =	ssyncset.done $0x0  }
0x53: {  	s1 =	sadd.s32 $0x480, s0;
	[sflag:s22] =	ssyncadd.s32 $0xFFFFFC00  }
0x54: {  	[spmem:s2] =	stream.indirect.scatter.add.f32 [tilespmem:s13], [sflag:$0x4], $0x8, s1, s14, $0xb8;
	[tilespmem:$0x5590] =	vst v63  }
0x55: {  	_ =	swait.ge [sflag:s23], $0x400  }
0x56: {  	[sflag:s23] =	ssyncset.done $0x0  }
.Ltmp0:
0x57: {  	s1 =	sadd.s32 $0x500, s0;
	[sflag:s23] =	ssyncadd.s32 $0xFFFFFC00;
	(pc) =	sbr.rel @p0 .LBB2_2-.Ltmp0, $4  }
0x58: {  	[spmem:s2] =	stream.indirect.scatter.add.f32 [tilespmem:s13], [sflag:$0x5], $0x8, s1, s14, $0xb8;
	[tilespmem:$0x5590] =	vst v63  }
0x59: {  	_ =	swait.ge [sflag:s24], $0x400  }
0x5a: {  	[sflag:s24] =	ssyncset.done $0x0  }
0x5b: {  	s0 =	sadd.s32 $0x580, s0;
	[sflag:s24] =	ssyncadd.s32 $0xFFFFFC00  }
0x5c: {  	[spmem:s2] =	stream.indirect.scatter.add.f32 [tilespmem:s13], [sflag:$0x6], $0x8, s0, s14, $0xb8;
	[tilespmem:$0x5590] =	vst v63  }
0x5d: {  	_ =	swait.ge [sflag:s19], $0x400  }
0x5e: {  	[sflag:s19] =	ssyncset.done $0x0  }
0x5f: {  	[sflag:s19] =	ssyncadd.s32 $0xFFFFFC00  }
0x60: {  	_ =	swait.ge [sflag:s20], $0x400  }
0x61: {  	[sflag:s20] =	ssyncset.done $0x0  }
0x62: {  	[sflag:s20] =	ssyncadd.s32 $0xFFFFFC00  }
0x63: {  	_ =	swait.ge [sflag:s21], $0x400  }
0x64: {  	[sflag:s21] =	ssyncset.done $0x0  }
0x65: {  	[sflag:s21] =	ssyncadd.s32 $0xFFFFFC00  }
0x66: {  	_ =	swait.ge [sflag:s22], $0x400  }
0x67: {  	[sflag:s22] =	ssyncset.done $0x0  }
0x68: {  	[sflag:s22] =	ssyncadd.s32 $0xFFFFFC00  }
0x69: {  	_ =	swait.ge [sflag:s23], $0x400  }
0x6a: {  	[sflag:s23] =	ssyncset.done $0x0  }
0x6b: {  	[sflag:s23] =	ssyncadd.s32 $0xFFFFFC00  }
0x6c: {  	_ =	swait.ge [sflag:s24], $0x400  }
0x6d: {  	[sflag:s24] =	ssyncset.done $0x0  }
0x6e: {  	[sflag:s24] =	ssyncadd.s32 $0xFFFFFC00  }
0x6f: {  	[spmem:s2] =	stream.indirect.scatter.add.f32 [tilespmem:s13], [sflag:$0x7], $0x8, s26, s25, $0xb8;
	[tilespmem:$0x5590] =	vst v63  }
0x70: {  	s1 =	simm.s32 $0x0;
	_ =	swait.ge [sflag:s12], $0x80  }
0x71: {  	v1 =	vmov s1;
	[sflag:s12] =	ssyncset.done $0x0  }
0x72: {  	v1 =	vshll.u32 v1, $0x3;
	[sflag:s12] =	ssyncadd.s32 $0xFFFFFF80  }
0x73: {  	v1 =	vor.u32 v0, v1;
	[bflag:$0x0] =	sbarrier.arrive $0xFFFF  }
0x74: {  	[tilespmem:s28], [sflag:$0x7] =	stream.linear.gather [spmem:s5], $0x1400, $0x38;
	[tilespmem:$0x5590] =	vst v63  }
0x75: {  	_ =	swait.ge [sflag:s12], $0x1400  }
0x76: {  	s1 =	simm.s32 $0x10;
	[sflag:s12] =	ssyncset.done $0x0  }
0x77: {  	v2 =	vmov s1;
	[sflag:s12] =	ssyncadd.s32 $0xFFFFEC00  }
0x78: {  	v2 =	vshll.u32 v2, $0x3;
	v1 =	vld.idx.msk [tilespmem:v1+s28+$0x0], $0xffff  }
0x79: {  	v3 =	vor.u32 v0, v2;
	_ =	sdelay $0x2  }
0x7a: {  	s31 =	simm.s32 $0x3F10  }
0x7b: {  	s1 =	simm.s32 $0x20;
	[tilespmem:s31+$0x0] =	vst v1  }
0x7c: {  	s0 =	simm.s32 $0x30;
	v2 =	vmov s1;
	v1 =	vld.idx.msk [tilespmem:v3+s28+$0x0], $0xffff  }
.LBB2_4:
0x7d: {  	p0 =	sne.s32 s0, $0x270;
	v2 =	vshll.u32 v2, $0x3  }
0x7e: {  	v3 =	vor.u32 v0, v2  }
.Ltmp1:
0x7f: {  	(pc) =	sbr.rel @p0 .LBB2_4-.Ltmp1, $4  }
0x80: {  	_ = 	snop  }
0x81: {  	s31 =	sadd.s32 $0x10, s31  }
0x82: {  	[tilespmem:s31+$0x0] =	vst v1  }
0x83: {  	v2 =	vmov s0;
	s0 =	sadd.s32 $0x10, s0;
	v1 =	vld.idx.msk [tilespmem:v3+s28+$0x0], $0xffff  }
0x84: {  	v2 =	vshll.u32 v2, $0x3  }
0x85: {  	v2 =	vor.u32 v0, v2;
	_ =	sdelay $0x2  }
0x86: {  	s0 =	sadd.s32 $0x10, s31  }
0x87: {  	[tilespmem:s0+$0x0] =	vst v1  }
0x88: {  	v1 =	vld.idx.msk [tilespmem:v2+s28+$0x0], $0xffff;
	_ =	sdelay $0x2  }
0x89: {  	s30 =	sadd.s32 $0x1, s30  }
0x8a: {  	p0 =	sne.s32 s30, s10;
	s0 =	sadd.s32 $0x10, s0  }
.Ltmp2:
0x8b: {  	[tilespmem:s0+$0x0] =	vst v1;
	(pc) =	sbr.rel @p0 .LBB2_1-.Ltmp2, $4  }
0x8c: {  	[hbm4b:s9+s3] =	stream.linear.scatter [tilespmem:s29], [sflag:$0x7], $0x280, $0x38;
	[tilespmem:$0x5590] =	vst v63  }
0x8d: {  	_ =	swait.ge [sflag:s12], $0x280  }
0x8e: {  	[sflag:s12] =	ssyncset.done $0x0  }
0x8f: {  	[sflag:s12] =	ssyncadd.s32 $0xFFFFFD80  }
0x90: {  	_ =	sfence.sel $0x180000  }
0x91: {  	[bflag:$0x0] =	sbarrier.arrive $0xFFFF  }
0x92: {  	_ =	strace $0x90000047  }
0x93: {  	s0 =	stileid.u32;
	[bflag:$0x2] =	sbarrier.arrive $0xFFFF  }
0x94: {  	p0 =	sne.s32 s0, $0x0;
	s0 =	rddreg [dreg:$0x3]  }
0x95: {  	s0 =	sadd.s32 @!p0 $0x100000, s0  }
0x96: {  	[sflag:s0] =	ssyncadd.tile.s32 @!p0 $0x1;
	_ =	shalt  }
.Lfunc_end2:
_tile_overlayer_lowered:
.L_overlay_start_2:
0x97: {  	(tag) =	ssettag $0x2  }
0x98: {  	s0 =	rddreg [dreg:$0x0];
	s2 =	stileid.u32  }
0x99: {  	s1 =	rddreg [dreg:$0x1];
	p0 =	sne.s32 s2, $0x0  }
0x9a: {  	s3 =	rddreg [dreg:$0x2];
	[bflag:$0x3] =	sbarrier.arrive $0xFFFF;
	s2 =	simm.s32 @!p0 $0x1C07  }
0x9b: {  	[timem:s3], [sflag:s2] =	dma.local @!p0 [hbm:s0], s1  }
0x9c: {  	s0 =	simm.s32 @!p0 $0x7  }
0x9d: {  	_ =	swait.ge @!p0 [sflag:s0], s1  }
0x9e: {  	s1 =	ssub.s32 @!p0 $0x0, s1;
	[sflag:s0] =	ssyncset.done @!p0 $0x0  }
0x9f: {  	[sflag:s0] =	ssyncadd.s32 @!p0 s1  }
0xa0: {  	[bflag:$0x3] =	sbarrier.arrive $0xFFFF  }
0xa1: {  	_ =	shalt  }

</sc_bundles>
